<compile_context>
chip_gen: v7x
topology: tpu7x:2x2x1
jax: 0.10.2.dev20260603
libtpu: 0.0.44.dev20260713+nightly
codegen_flags: <defaults>
</compile_context>

<pallas_src>
import functools

import jax
import jax.numpy as jnp
from jax import lax
from jax.experimental import pallas as pl
from jax.experimental.pallas import tpu as pltpu
from jax.experimental.pallas import tpu_sc as plsc

_N, _D, _S, _E = 8192, 1024, 512, 8
_B = 512
_M = _N + _E * _B
_G = _M // _B
_NW = 32
_ZW = 128


def _sc_worker_id():
    return lax.axis_index("s") * 2 + lax.axis_index("c")


_CH = 32
_NCH = (_N // _NW) // _CH


@functools.lru_cache(maxsize=None)
def _make_scatter_x_z(chunk):
    rows_per_w = _N // _NW
    n_chunks = rows_per_w // chunk
    mesh = plsc.VectorSubcoreMesh(core_axis_name="c", subcore_axis_name="s")

    @functools.partial(
        pl.kernel,
        mesh=mesh,
        out_type=[
            jax.ShapeDtypeStruct((_M, _D), jnp.float32),
            jax.ShapeDtypeStruct((_M, _ZW), jnp.float32),
        ],
        scratch_types=[
            pltpu.VMEM((n_chunks, chunk), jnp.int32),
            pltpu.VMEM((chunk, _D), jnp.float32),
            pltpu.VMEM((chunk, _ZW), jnp.float32),
            pltpu.SemaphoreType.DMA,
            pltpu.SemaphoreType.DMA,
        ],
    )
    def scatter(x_hbm, zw_hbm, dest_hbm, xg_hbm, zg_hbm,
                idx_v, rows_v, zrows_v, sem, zsem):
        wid = _sc_worker_id()
        base = wid * rows_per_w
        pltpu.sync_copy(dest_hbm.at[wid], idx_v)
        for i in range(n_chunks):
            off = pl.multiple_of(base + i * chunk, 8)
            pltpu.sync_copy(x_hbm.at[pl.ds(off, chunk)], rows_v)
            pltpu.sync_copy(zw_hbm.at[pl.ds(off, chunk)], zrows_v)
            cp = pltpu.async_copy(rows_v, xg_hbm.at[idx_v.at[i]], sem)
            zcp = pltpu.async_copy(zrows_v, zg_hbm.at[idx_v.at[i]], zsem)
            cp.wait()
            zcp.wait()

    return scatter


@functools.lru_cache(maxsize=None)
def _make_gather_rows(n_rows_out, chunk):
    rows_per_w = n_rows_out // _NW
    n_chunks = rows_per_w // chunk
    mesh = plsc.VectorSubcoreMesh(core_axis_name="c", subcore_axis_name="s")

    @functools.partial(
        pl.kernel,
        mesh=mesh,
        out_type=jax.ShapeDtypeStruct((n_rows_out, _D), jnp.float32),
        scratch_types=[
            pltpu.VMEM((n_chunks, chunk), jnp.int32),
            pltpu.VMEM((2, chunk, _D), jnp.float32),
            pltpu.SemaphoreType.DMA,
            pltpu.SemaphoreType.DMA,
            pltpu.SemaphoreType.DMA,
            pltpu.SemaphoreType.DMA,
        ],
    )
    def gather(table_hbm, idx_hbm, out_hbm, idx_v, rows_v, gs0, gs1, ws0, ws1):
        gs = (gs0, gs1)
        ws = (ws0, ws1)
        wid = _sc_worker_id()
        base = wid * rows_per_w
        pltpu.sync_copy(idx_hbm.at[wid], idx_v)
        gcps = [None, None]
        wcps = [None, None]
        gcps[0] = pltpu.async_copy(
            table_hbm.at[idx_v.at[0]], rows_v.at[0], gs[0])
        for i in range(n_chunks):
            b = i % 2
            nb = (i + 1) % 2
            if i + 1 < n_chunks:
                if wcps[nb] is not None:
                    wcps[nb].wait()
                gcps[nb] = pltpu.async_copy(
                    table_hbm.at[idx_v.at[i + 1]], rows_v.at[nb], gs[nb])
            gcps[b].wait()
            off = pl.multiple_of(base + i * chunk, 8)
            wcps[b] = pltpu.async_copy(
                rows_v.at[b], out_hbm.at[pl.ds(off, chunk)], ws[b])
        wcps[0].wait()
        wcps[1].wait()

    return gather


def _moe_block_body(be_ref, xg_ref, zg_ref, w1_ref, b1_ref, w2_ref, b2_ref,
                    out_ref):
    g = pl.program_id(0)

    @pl.when(be_ref[g] < _E)
    def _():
        _moe_block_compute(xg_ref, zg_ref, w1_ref, b1_ref, w2_ref, b2_ref,
                           out_ref)


def _moe_block_compute(xg_ref, zg_ref, w1_ref, b1_ref, w2_ref, b2_ref,
                       out_ref):
    xr = xg_ref[...]
    a = jnp.maximum(xr, 0.0)
    h = lax.dot_general(a, w1_ref[0], (((1,), (1,)), ((), ())),
                        preferred_element_type=jnp.float32)
    h = jnp.maximum(h + b1_ref[0, 0, :][None, :], 0.0)
    o = lax.dot_general(h, w2_ref[0], (((1,), (1,)), ((), ())),
                        preferred_element_type=jnp.float32)
    o = o + b2_ref[0, 0, :][None, :]
    out_ref[...] = xr + zg_ref[:, 0:1] * o


def _grouped_fc(be, xg, zg, W1, b1, W2, b2):
    grid_spec = pltpu.PrefetchScalarGridSpec(
        num_scalar_prefetch=1,
        grid=(_G,),
        in_specs=[
            pl.BlockSpec((_B, _D),
                         lambda g, be_r: (jnp.where(be_r[g] < _E, g, 0), 0)),
            pl.BlockSpec((_B, _ZW),
                         lambda g, be_r: (jnp.where(be_r[g] < _E, g, 0), 0)),
            pl.BlockSpec((1, _S, _D),
                         lambda g, be_r: (jnp.minimum(be_r[g], _E - 1), 0, 0)),
            pl.BlockSpec((1, 1, _S),
                         lambda g, be_r: (jnp.minimum(be_r[g], _E - 1), 0, 0)),
            pl.BlockSpec((1, _D, _S),
                         lambda g, be_r: (jnp.minimum(be_r[g], _E - 1), 0, 0)),
            pl.BlockSpec((1, 1, _D),
                         lambda g, be_r: (jnp.minimum(be_r[g], _E - 1), 0, 0)),
        ],
        out_specs=pl.BlockSpec((_B, _D), lambda g, be_r: (g, 0)),
    )
    return pl.pallas_call(
        _moe_block_body,
        grid_spec=grid_spec,
        out_shape=jax.ShapeDtypeStruct((_M, _D), jnp.float32),
    )(be, xg, zg, W1, b1.reshape(_E, 1, _S), W2, b2.reshape(_E, 1, _D))


def _scatter_x_z(x, z, dest):
    zwide = jnp.broadcast_to(z, (_N, _ZW))
    return _make_scatter_x_z(64)(x, zwide, dest.reshape(_NW, 4, 64))


def _gather_out(outg, dest):
    return _make_gather_rows(_N, _CH)(outg, dest.reshape(_NW, _NCH, _CH))


def _routing(yi):
    y2 = yi.reshape(64, 128)
    shift = 8 * (y2 & 3)
    code = jnp.left_shift(jnp.int32(1), shift)
    lo = jnp.where(y2 < 4, code, 0)
    hi = jnp.where(y2 >= 4, code, 0)
    cs_lo = jnp.cumsum(lo, axis=0)
    cs_hi = jnp.cumsum(hi, axis=0)
    ct = jnp.stack(
        [(cs_lo[-1] >> (8 * k)) & 255 for k in range(4)]
        + [(cs_hi[-1] >> (8 * k)) & 255 for k in range(4)], axis=0
    ).astype(jnp.int32)
    cs0 = jnp.cumsum(ct, axis=1)
    counts = cs0[:, -1]
    co = cs0 - ct
    plane = jnp.where(y2 < 4, cs_lo, cs_hi)
    within = ((plane >> shift) & 255) - 1
    nblk = (counts + _B - 1) // _B
    blk_cum = jnp.cumsum(nblk)
    slot_start = (blk_cum - nblk) * _B
    stab = slot_start[:, None] + co
    eids = jnp.arange(_E, dtype=jnp.int32)
    base_tok = jnp.sum(
        jnp.where(y2[None] == eids[:, None, None], stab[:, None, :], 0),
        axis=0)
    dest = (base_tok + within).reshape(_N)
    g_idx = jnp.arange(_G, dtype=jnp.int32)
    be = jnp.sum(
        (g_idx[:, None] >= blk_cum[None, :]).astype(jnp.int32), axis=1)
    be = jnp.where(g_idx < blk_cum[-1], jnp.minimum(be, _E - 1), _E)
    return dest, be


def kernel(x, y_index, y_hard, z, W1, b1, W2, b2):
    del y_hard
    yi = y_index[:, 0].astype(jnp.int32)
    dest, be = _routing(yi)
    xg, zg = _scatter_x_z(x, z, dest)
    outg = _grouped_fc(be, xg, zg, W1, b1, W2, b2)
    return _gather_out(outg, dest)

# --- scband reference (transcript-rebuilt; emitter-appended) ---
"""Pipeline reference for scband-dec-switched-fc-44985487458667 (READ-ONLY COPY).

The authoritative reference and input builder live on the scoring server;
editing this copy changes nothing except your own understanding.
"""

import jax, jax.numpy as jnp
import numpy as np

N, D, S, E = 8192, 1024, 512, 8

def setup_inputs(seed: int = 0) -> dict:
    key = jax.random.key(seed)
    ks = jax.random.split(key, 8)
    x = jax.random.normal(ks[0], (N, D), dtype=jnp.float32)
    y_index = jax.random.randint(ks[1], (N, 1), 0, E)
    y_hard = jax.random.uniform(ks[2], (N, E), dtype=jnp.float32)
    z = jax.random.uniform(ks[3], (N, 1), dtype=jnp.float32)
    s1 = 1.0 / np.sqrt(D)
    s2 = 1.0 / np.sqrt(S)
    W1 = jax.random.uniform(ks[4], (E, S, D), minval=-s1, maxval=s1, dtype=jnp.float32)
    b1 = jax.random.uniform(ks[5], (E, S), minval=-s1, maxval=s1, dtype=jnp.float32)
    W2 = jax.random.uniform(ks[6], (E, D, S), minval=-s2, maxval=s2, dtype=jnp.float32)
    b2 = jax.random.uniform(ks[7], (E, D), minval=-s2, maxval=s2, dtype=jnp.float32)
    return {"x": x, "y_index": y_index, "y_hard": y_hard, "z": z,
            "W1": W1, "b1": b1, "W2": W2, "b2": b2}

def reference(x, y_index, y_hard, z, W1, b1, W2, b2):
    # Eval-mode forward (training=False / backward_on_y_hard=False): y_hard unused.
    # Per-branch index_select + sparse scatter-add is equivalent to a masked sum
    # because each token belongs to exactly one branch (y_index is single-assignment).
    n_branches = W1.shape[0]
    out = jax.nn.relu(x)
    yi = y_index[:, 0]
    sp_sum = jnp.zeros_like(x)
    for i in range(n_branches):
        h = jax.nn.relu(out @ W1[i].T + b1[i])
        o = (h @ W2[i].T + b2[i]) * z
        mask = (yi == i).astype(x.dtype)[:, None]
        sp_sum = sp_sum + o * mask
    return x + sp_sum

if __name__ == "__main__":
    import jax
    _d = setup_inputs()
    print(jax.jit(kernel)(*tuple(_d.values())))

</pallas_src>

<mosaic_0001>
#map = affine_map<(d0, d1) -> (0, 0)>
#map1 = affine_map<(d0, d1) -> (0, 0, 0)>
module attributes {stable_mosaic.version = 14 : i64} {
  func.func @scatter(%arg0: i32, %arg1: i32, %arg2: memref<8192x1024xf32, #tpu.memory_space<hbm>>, %arg3: memref<8192x128xf32, #tpu.memory_space<hbm>>, %arg4: memref<32x4x64xi32, #tpu.memory_space<hbm>>, %arg5: memref<12288x1024xf32, #tpu.memory_space<hbm>>, %arg6: memref<12288x128xf32, #tpu.memory_space<hbm>>, %arg7: memref<4x64xi32, #tpu.memory_space<vmem>>, %arg8: memref<64x1024xf32, #tpu.memory_space<vmem>>, %arg9: memref<64x128xf32, #tpu.memory_space<vmem>>, %arg10: memref<!tpu.dma_semaphore, #tpu.memory_space<semaphore_mem>>, %arg11: memref<!tpu.dma_semaphore, #tpu.memory_space<semaphore_mem>>) attributes {dimension_semantics = [#tpu.dimension_semantics<core_parallel>, #tpu.dimension_semantics<subcore_parallel>], iteration_bounds = array<i64: 2, 16>, scalar_prefetch = 0 : i64, scratch_operands = 5 : i64, tpu.core_type = #tpu.core_type<sc_vector_subcore>, window_params = [{transform_indices = #map}, {transform_indices = #map}, {transform_indices = #map1}, {transform_indices = #map}, {transform_indices = #map}]} {
    %mul3A = arith.constant 2 : i32
    %mul3A_0 = arith.muli %arg1, %mul3A : i32
    %add3A = arith.addi %mul3A_0, %arg0 : i32
    %mul3A_1 = arith.constant 256 : i32
    %mul3A_2 = arith.muli %add3A, %mul3A_1 : i32
    "tpu.region"() ({
      %run_scoped3A = tpu.sem_alloc : memref<!tpu.dma_semaphore, #tpu.memory_space<semaphore_mem>>
      %dma_start3A_124 = arith.constant 0 : i32
      %dma_start3A_125 = arith.constant 0 : i32
      %dma_start3A_126 = tpu.memref_slice %arg4[%add3A, %dma_start3A_124, %dma_start3A_125] : memref<32x4x64xi32, #tpu.memory_space<hbm>> -> memref<1x4x64xi32, #tpu.memory_space<hbm>>
      %dma_start3A_127 = tpu.memref_squeeze %dma_start3A_126 : memref<1x4x64xi32, #tpu.memory_space<hbm>> -> memref<4x64xi32, #tpu.memory_space<hbm>>
      %dma_start3A_128 = arith.constant 0 : i32
      %dma_start3A_129 = arith.constant 0 : i32
      %dma_start3A_130 = tpu.memref_slice %arg4[%add3A, %dma_start3A_128, %dma_start3A_129] : memref<32x4x64xi32, #tpu.memory_space<hbm>> -> memref<1x4x64xi32, #tpu.memory_space<hbm>>
      %dma_start3A_131 = tpu.memref_squeeze %dma_start3A_130 : memref<1x4x64xi32, #tpu.memory_space<hbm>> -> memref<4x64xi32, #tpu.memory_space<hbm>>
      tpu.enqueue_dma source(%dma_start3A_131 : memref<4x64xi32, #tpu.memory_space<hbm>>) target(%arg7 : memref<4x64xi32, #tpu.memory_space<vmem>>) target_semaphore(%run_scoped3A : memref<!tpu.dma_semaphore, #tpu.memory_space<semaphore_mem>>)
      %dma_wait3A_132 = arith.constant 0 : i32
      %dma_wait3A_133 = arith.constant 0 : i32
      %dma_wait3A_134 = tpu.memref_slice %arg4[%add3A, %dma_wait3A_132, %dma_wait3A_133] : memref<32x4x64xi32, #tpu.memory_space<hbm>> -> memref<1x4x64xi32, #tpu.memory_space<hbm>>
      %dma_wait3A_135 = tpu.memref_squeeze %dma_wait3A_134 : memref<1x4x64xi32, #tpu.memory_space<hbm>> -> memref<4x64xi32, #tpu.memory_space<hbm>>
      %dma_wait3A_136 = arith.constant 0 : i32
      %dma_wait3A_137 = arith.constant 0 : i32
      %dma_wait3A_138 = tpu.memref_slice %arg4[%add3A, %dma_wait3A_136, %dma_wait3A_137] : memref<32x4x64xi32, #tpu.memory_space<hbm>> -> memref<1x4x64xi32, #tpu.memory_space<hbm>>
      %dma_wait3A_139 = tpu.memref_squeeze %dma_wait3A_138 : memref<1x4x64xi32, #tpu.memory_space<hbm>> -> memref<4x64xi32, #tpu.memory_space<hbm>>
      tpu.wait_dma2 semaphore(%run_scoped3A : memref<!tpu.dma_semaphore, #tpu.memory_space<semaphore_mem>>) src(%dma_wait3A_139 : memref<4x64xi32, #tpu.memory_space<hbm>>) dst(%arg7 : memref<4x64xi32, #tpu.memory_space<vmem>>)
      tpu.yield
    }) : () -> ()
    %add3A_3 = arith.constant 0 : i32
    %add3A_4 = arith.addi %mul3A_2, %add3A_3 : i32
    %multiple_of3A = tpu.assume_multiple %add3A_4, 8 : i32
    "tpu.region"() ({
      %run_scoped3A = tpu.sem_alloc : memref<!tpu.dma_semaphore, #tpu.memory_space<semaphore_mem>>
      %dma_start3A_124 = arith.constant 0 : i32
      %dma_start3A_125 = tpu.memref_slice %arg2[%multiple_of3A, %dma_start3A_124] : memref<8192x1024xf32, #tpu.memory_space<hbm>> -> memref<64x1024xf32, #tpu.memory_space<hbm>>
      %dma_start3A_126 = arith.constant 0 : i32
      %dma_start3A_127 = tpu.memref_slice %arg2[%multiple_of3A, %dma_start3A_126] : memref<8192x1024xf32, #tpu.memory_space<hbm>> -> memref<64x1024xf32, #tpu.memory_space<hbm>>
      tpu.enqueue_dma source(%dma_start3A_127 : memref<64x1024xf32, #tpu.memory_space<hbm>>) target(%arg8 : memref<64x1024xf32, #tpu.memory_space<vmem>>) target_semaphore(%run_scoped3A : memref<!tpu.dma_semaphore, #tpu.memory_space<semaphore_mem>>)
      %dma_wait3A_128 = arith.constant 0 : i32
      %dma_wait3A_129 = tpu.memref_slice %arg2[%multiple_of3A, %dma_wait3A_128] : memref<8192x1024xf32, #tpu.memory_space<hbm>> -> memref<64x1024xf32, #tpu.memory_space<hbm>>
      %dma_wait3A_130 = arith.constant 0 : i32
      %dma_wait3A_131 = tpu.memref_slice %arg2[%multiple_of3A, %dma_wait3A_130] : memref<8192x1024xf32, #tpu.memory_space<hbm>> -> memref<64x1024xf32, #tpu.memory_space<hbm>>
      tpu.wait_dma2 semaphore(%run_scoped3A : memref<!tpu.dma_semaphore, #tpu.memory_space<semaphore_mem>>) src(%dma_wait3A_131 : memref<64x1024xf32, #tpu.memory_space<hbm>>) dst(%arg8 : memref<64x1024xf32, #tpu.memory_space<vmem>>)
      tpu.yield
    }) : () -> ()
    "tpu.region"() ({
      %run_scoped3A = tpu.sem_alloc : memref<!tpu.dma_semaphore, #tpu.memory_space<semaphore_mem>>
      %dma_start3A_124 = arith.constant 0 : i32
      %dma_start3A_125 = tpu.memref_slice %arg3[%multiple_of3A, %dma_start3A_124] : memref<8192x128xf32, #tpu.memory_space<hbm>> -> memref<64x128xf32, #tpu.memory_space<hbm>>
      %dma_start3A_126 = arith.constant 0 : i32
      %dma_start3A_127 = tpu.memref_slice %arg3[%multiple_of3A, %dma_start3A_126] : memref<8192x128xf32, #tpu.memory_space<hbm>> -> memref<64x128xf32, #tpu.memory_space<hbm>>
      tpu.enqueue_dma source(%dma_start3A_127 : memref<64x128xf32, #tpu.memory_space<hbm>>) target(%arg9 : memref<64x128xf32, #tpu.memory_space<vmem>>) target_semaphore(%run_scoped3A : memref<!tpu.dma_semaphore, #tpu.memory_space<semaphore_mem>>)
      %dma_wait3A_128 = arith.constant 0 : i32
      %dma_wait3A_129 = tpu.memref_slice %arg3[%multiple_of3A, %dma_wait3A_128] : memref<8192x128xf32, #tpu.memory_space<hbm>> -> memref<64x128xf32, #tpu.memory_space<hbm>>
      %dma_wait3A_130 = arith.constant 0 : i32
      %dma_wait3A_131 = tpu.memref_slice %arg3[%multiple_of3A, %dma_wait3A_130] : memref<8192x128xf32, #tpu.memory_space<hbm>> -> memref<64x128xf32, #tpu.memory_space<hbm>>
      tpu.wait_dma2 semaphore(%run_scoped3A : memref<!tpu.dma_semaphore, #tpu.memory_space<semaphore_mem>>) src(%dma_wait3A_131 : memref<64x128xf32, #tpu.memory_space<hbm>>) dst(%arg9 : memref<64x128xf32, #tpu.memory_space<vmem>>)
      tpu.yield
    }) : () -> ()
    %dma_start3A = arith.constant 0 : i32
    %dma_start3A_5 = arith.constant 0 : i32
    %dma_start3A_6 = tpu.memref_slice %arg7[%dma_start3A, %dma_start3A_5] : memref<4x64xi32, #tpu.memory_space<vmem>> -> memref<1x64xi32, #tpu.memory_space<vmem>>
    %dma_start3A_7 = tpu.memref_squeeze %dma_start3A_6 : memref<1x64xi32, #tpu.memory_space<vmem>> -> memref<64xi32, #tpu.memory_space<vmem>>
    %dma_start3A_8 = arith.constant 0 : i32
    %dma_start3A_9 = arith.constant 0 : i32
    %dma_start3A_10 = tpu.memref_slice %arg5[%dma_start3A_8, %dma_start3A_9] : memref<12288x1024xf32, #tpu.memory_space<hbm>> -> memref<12288x1024xf32, #tpu.memory_space<hbm>>
    tpu.enqueue_indirect_dma source(%arg8 : memref<64x1024xf32, #tpu.memory_space<vmem>>) target(%dma_start3A_10 : memref<12288x1024xf32, #tpu.memory_space<hbm>>) offsets(%dma_start3A_7 : memref<64xi32, #tpu.memory_space<vmem>>) semaphore(%arg10 : memref<!tpu.dma_semaphore, #tpu.memory_space<semaphore_mem>>)
    %dma_start3A_11 = arith.constant 0 : i32
    %dma_start3A_12 = arith.constant 0 : i32
    %dma_start3A_13 = tpu.memref_slice %arg7[%dma_start3A_11, %dma_start3A_12] : memref<4x64xi32, #tpu.memory_space<vmem>> -> memref<1x64xi32, #tpu.memory_space<vmem>>
    %dma_start3A_14 = tpu.memref_squeeze %dma_start3A_13 : memref<1x64xi32, #tpu.memory_space<vmem>> -> memref<64xi32, #tpu.memory_space<vmem>>
    %dma_start3A_15 = arith.constant 0 : i32
    %dma_start3A_16 = arith.constant 0 : i32
    %dma_start3A_17 = tpu.memref_slice %arg6[%dma_start3A_15, %dma_start3A_16] : memref<12288x128xf32, #tpu.memory_space<hbm>> -> memref<12288x128xf32, #tpu.memory_space<hbm>>
    tpu.enqueue_indirect_dma source(%arg9 : memref<64x128xf32, #tpu.memory_space<vmem>>) target(%dma_start3A_17 : memref<12288x128xf32, #tpu.memory_space<hbm>>) offsets(%dma_start3A_14 : memref<64xi32, #tpu.memory_space<vmem>>) semaphore(%arg11 : memref<!tpu.dma_semaphore, #tpu.memory_space<semaphore_mem>>)
    %dma_wait3A = arith.constant 0 : i32
    %dma_wait3A_18 = arith.constant 0 : i32
    %dma_wait3A_19 = tpu.memref_slice %arg7[%dma_wait3A, %dma_wait3A_18] : memref<4x64xi32, #tpu.memory_space<vmem>> -> memref<1x64xi32, #tpu.memory_space<vmem>>
    %dma_wait3A_20 = tpu.memref_squeeze %dma_wait3A_19 : memref<1x64xi32, #tpu.memory_space<vmem>> -> memref<64xi32, #tpu.memory_space<vmem>>
    %dma_wait3A_21 = arith.constant 0 : i32
    %dma_wait3A_22 = arith.constant 0 : i32
    %dma_wait3A_23 = tpu.memref_slice %arg5[%dma_wait3A_21, %dma_wait3A_22] : memref<12288x1024xf32, #tpu.memory_space<hbm>> -> memref<12288x1024xf32, #tpu.memory_space<hbm>>
    tpu.wait_indirect_dma semaphore(%arg10 : memref<!tpu.dma_semaphore, #tpu.memory_space<semaphore_mem>>) src(%arg8 : memref<64x1024xf32, #tpu.memory_space<vmem>>) dst(%dma_wait3A_23 : memref<12288x1024xf32, #tpu.memory_space<hbm>>)
    %dma_wait3A_24 = arith.constant 0 : i32
    %dma_wait3A_25 = arith.constant 0 : i32
    %dma_wait3A_26 = tpu.memref_slice %arg7[%dma_wait3A_24, %dma_wait3A_25] : memref<4x64xi32, #tpu.memory_space<vmem>> -> memref<1x64xi32, #tpu.memory_space<vmem>>
    %dma_wait3A_27 = tpu.memref_squeeze %dma_wait3A_26 : memref<1x64xi32, #tpu.memory_space<vmem>> -> memref<64xi32, #tpu.memory_space<vmem>>
    %dma_wait3A_28 = arith.constant 0 : i32
    %dma_wait3A_29 = arith.constant 0 : i32
    %dma_wait3A_30 = tpu.memref_slice %arg6[%dma_wait3A_28, %dma_wait3A_29] : memref<12288x128xf32, #tpu.memory_space<hbm>> -> memref<12288x128xf32, #tpu.memory_space<hbm>>
    tpu.wait_indirect_dma semaphore(%arg11 : memref<!tpu.dma_semaphore, #tpu.memory_space<semaphore_mem>>) src(%arg9 : memref<64x128xf32, #tpu.memory_space<vmem>>) dst(%dma_wait3A_30 : memref<12288x128xf32, #tpu.memory_space<hbm>>)
    %add3A_31 = arith.constant 64 : i32
    %add3A_32 = arith.addi %mul3A_2, %add3A_31 : i32
    %multiple_of3A_33 = tpu.assume_multiple %add3A_32, 8 : i32
    "tpu.region"() ({
      %run_scoped3A = tpu.sem_alloc : memref<!tpu.dma_semaphore, #tpu.memory_space<semaphore_mem>>
      %dma_start3A_124 = arith.constant 0 : i32
      %dma_start3A_125 = tpu.memref_slice %arg2[%multiple_of3A_33, %dma_start3A_124] : memref<8192x1024xf32, #tpu.memory_space<hbm>> -> memref<64x1024xf32, #tpu.memory_space<hbm>>
      %dma_start3A_126 = arith.constant 0 : i32
      %dma_start3A_127 = tpu.memref_slice %arg2[%multiple_of3A_33, %dma_start3A_126] : memref<8192x1024xf32, #tpu.memory_space<hbm>> -> memref<64x1024xf32, #tpu.memory_space<hbm>>
      tpu.enqueue_dma source(%dma_start3A_127 : memref<64x1024xf32, #tpu.memory_space<hbm>>) target(%arg8 : memref<64x1024xf32, #tpu.memory_space<vmem>>) target_semaphore(%run_scoped3A : memref<!tpu.dma_semaphore, #tpu.memory_space<semaphore_mem>>)
      %dma_wait3A_128 = arith.constant 0 : i32
      %dma_wait3A_129 = tpu.memref_slice %arg2[%multiple_of3A_33, %dma_wait3A_128] : memref<8192x1024xf32, #tpu.memory_space<hbm>> -> memref<64x1024xf32, #tpu.memory_space<hbm>>
      %dma_wait3A_130 = arith.constant 0 : i32
      %dma_wait3A_131 = tpu.memref_slice %arg2[%multiple_of3A_33, %dma_wait3A_130] : memref<8192x1024xf32, #tpu.memory_space<hbm>> -> memref<64x1024xf32, #tpu.memory_space<hbm>>
      tpu.wait_dma2 semaphore(%run_scoped3A : memref<!tpu.dma_semaphore, #tpu.memory_space<semaphore_mem>>) src(%dma_wait3A_131 : memref<64x1024xf32, #tpu.memory_space<hbm>>) dst(%arg8 : memref<64x1024xf32, #tpu.memory_space<vmem>>)
      tpu.yield
    }) : () -> ()
    "tpu.region"() ({
      %run_scoped3A = tpu.sem_alloc : memref<!tpu.dma_semaphore, #tpu.memory_space<semaphore_mem>>
      %dma_start3A_124 = arith.constant 0 : i32
      %dma_start3A_125 = tpu.memref_slice %arg3[%multiple_of3A_33, %dma_start3A_124] : memref<8192x128xf32, #tpu.memory_space<hbm>> -> memref<64x128xf32, #tpu.memory_space<hbm>>
      %dma_start3A_126 = arith.constant 0 : i32
      %dma_start3A_127 = tpu.memref_slice %arg3[%multiple_of3A_33, %dma_start3A_126] : memref<8192x128xf32, #tpu.memory_space<hbm>> -> memref<64x128xf32, #tpu.memory_space<hbm>>
      tpu.enqueue_dma source(%dma_start3A_127 : memref<64x128xf32, #tpu.memory_space<hbm>>) target(%arg9 : memref<64x128xf32, #tpu.memory_space<vmem>>) target_semaphore(%run_scoped3A : memref<!tpu.dma_semaphore, #tpu.memory_space<semaphore_mem>>)
      %dma_wait3A_128 = arith.constant 0 : i32
      %dma_wait3A_129 = tpu.memref_slice %arg3[%multiple_of3A_33, %dma_wait3A_128] : memref<8192x128xf32, #tpu.memory_space<hbm>> -> memref<64x128xf32, #tpu.memory_space<hbm>>
      %dma_wait3A_130 = arith.constant 0 : i32
      %dma_wait3A_131 = tpu.memref_slice %arg3[%multiple_of3A_33, %dma_wait3A_130] : memref<8192x128xf32, #tpu.memory_space<hbm>> -> memref<64x128xf32, #tpu.memory_space<hbm>>
      tpu.wait_dma2 semaphore(%run_scoped3A : memref<!tpu.dma_semaphore, #tpu.memory_space<semaphore_mem>>) src(%dma_wait3A_131 : memref<64x128xf32, #tpu.memory_space<hbm>>) dst(%arg9 : memref<64x128xf32, #tpu.memory_space<vmem>>)
      tpu.yield
    }) : () -> ()
    %dma_start3A_34 = arith.constant 1 : i32
    %dma_start3A_35 = arith.constant 0 : i32
    %dma_start3A_36 = tpu.memref_slice %arg7[%dma_start3A_34, %dma_start3A_35] : memref<4x64xi32, #tpu.memory_space<vmem>> -> memref<1x64xi32, #tpu.memory_space<vmem>>
    %dma_start3A_37 = tpu.memref_squeeze %dma_start3A_36 : memref<1x64xi32, #tpu.memory_space<vmem>> -> memref<64xi32, #tpu.memory_space<vmem>>
    %dma_start3A_38 = arith.constant 0 : i32
    %dma_start3A_39 = arith.constant 0 : i32
    %dma_start3A_40 = tpu.memref_slice %arg5[%dma_start3A_38, %dma_start3A_39] : memref<12288x1024xf32, #tpu.memory_space<hbm>> -> memref<12288x1024xf32, #tpu.memory_space<hbm>>
    tpu.enqueue_indirect_dma source(%arg8 : memref<64x1024xf32, #tpu.memory_space<vmem>>) target(%dma_start3A_40 : memref<12288x1024xf32, #tpu.memory_space<hbm>>) offsets(%dma_start3A_37 : memref<64xi32, #tpu.memory_space<vmem>>) semaphore(%arg10 : memref<!tpu.dma_semaphore, #tpu.memory_space<semaphore_mem>>)
    %dma_start3A_41 = arith.constant 1 : i32
    %dma_start3A_42 = arith.constant 0 : i32
    %dma_start3A_43 = tpu.memref_slice %arg7[%dma_start3A_41, %dma_start3A_42] : memref<4x64xi32, #tpu.memory_space<vmem>> -> memref<1x64xi32, #tpu.memory_space<vmem>>
    %dma_start3A_44 = tpu.memref_squeeze %dma_start3A_43 : memref<1x64xi32, #tpu.memory_space<vmem>> -> memref<64xi32, #tpu.memory_space<vmem>>
    %dma_start3A_45 = arith.constant 0 : i32
    %dma_start3A_46 = arith.constant 0 : i32
    %dma_start3A_47 = tpu.memref_slice %arg6[%dma_start3A_45, %dma_start3A_46] : memref<12288x128xf32, #tpu.memory_space<hbm>> -> memref<12288x128xf32, #tpu.memory_space<hbm>>
    tpu.enqueue_indirect_dma source(%arg9 : memref<64x128xf32, #tpu.memory_space<vmem>>) target(%dma_start3A_47 : memref<12288x128xf32, #tpu.memory_space<hbm>>) offsets(%dma_start3A_44 : memref<64xi32, #tpu.memory_space<vmem>>) semaphore(%arg11 : memref<!tpu.dma_semaphore, #tpu.memory_space<semaphore_mem>>)
    %dma_wait3A_48 = arith.constant 1 : i32
    %dma_wait3A_49 = arith.constant 0 : i32
    %dma_wait3A_50 = tpu.memref_slice %arg7[%dma_wait3A_48, %dma_wait3A_49] : memref<4x64xi32, #tpu.memory_space<vmem>> -> memref<1x64xi32, #tpu.memory_space<vmem>>
    %dma_wait3A_51 = tpu.memref_squeeze %dma_wait3A_50 : memref<1x64xi32, #tpu.memory_space<vmem>> -> memref<64xi32, #tpu.memory_space<vmem>>
    %dma_wait3A_52 = arith.constant 0 : i32
    %dma_wait3A_53 = arith.constant 0 : i32
    %dma_wait3A_54 = tpu.memref_slice %arg5[%dma_wait3A_52, %dma_wait3A_53] : memref<12288x1024xf32, #tpu.memory_space<hbm>> -> memref<12288x1024xf32, #tpu.memory_space<hbm>>
    tpu.wait_indirect_dma semaphore(%arg10 : memref<!tpu.dma_semaphore, #tpu.memory_space<semaphore_mem>>) src(%arg8 : memref<64x1024xf32, #tpu.memory_space<vmem>>) dst(%dma_wait3A_54 : memref<12288x1024xf32, #tpu.memory_space<hbm>>)
    %dma_wait3A_55 = arith.constant 1 : i32
    %dma_wait3A_56 = arith.constant 0 : i32
    %dma_wait3A_57 = tpu.memref_slice %arg7[%dma_wait3A_55, %dma_wait3A_56] : memref<4x64xi32, #tpu.memory_space<vmem>> -> memref<1x64xi32, #tpu.memory_space<vmem>>
    %dma_wait3A_58 = tpu.memref_squeeze %dma_wait3A_57 : memref<1x64xi32, #tpu.memory_space<vmem>> -> memref<64xi32, #tpu.memory_space<vmem>>
    %dma_wait3A_59 = arith.constant 0 : i32
    %dma_wait3A_60 = arith.constant 0 : i32
    %dma_wait3A_61 = tpu.memref_slice %arg6[%dma_wait3A_59, %dma_wait3A_60] : memref<12288x128xf32, #tpu.memory_space<hbm>> -> memref<12288x128xf32, #tpu.memory_space<hbm>>
    tpu.wait_indirect_dma semaphore(%arg11 : memref<!tpu.dma_semaphore, #tpu.memory_space<semaphore_mem>>) src(%arg9 : memref<64x128xf32, #tpu.memory_space<vmem>>) dst(%dma_wait3A_61 : memref<12288x128xf32, #tpu.memory_space<hbm>>)
    %add3A_62 = arith.constant 128 : i32
    %add3A_63 = arith.addi %mul3A_2, %add3A_62 : i32
    %multiple_of3A_64 = tpu.assume_multiple %add3A_63, 8 : i32
    "tpu.region"() ({
      %run_scoped3A = tpu.sem_alloc : memref<!tpu.dma_semaphore, #tpu.memory_space<semaphore_mem>>
      %dma_start3A_124 = arith.constant 0 : i32
      %dma_start3A_125 = tpu.memref_slice %arg2[%multiple_of3A_64, %dma_start3A_124] : memref<8192x1024xf32, #tpu.memory_space<hbm>> -> memref<64x1024xf32, #tpu.memory_space<hbm>>
      %dma_start3A_126 = arith.constant 0 : i32
      %dma_start3A_127 = tpu.memref_slice %arg2[%multiple_of3A_64, %dma_start3A_126] : memref<8192x1024xf32, #tpu.memory_space<hbm>> -> memref<64x1024xf32, #tpu.memory_space<hbm>>
      tpu.enqueue_dma source(%dma_start3A_127 : memref<64x1024xf32, #tpu.memory_space<hbm>>) target(%arg8 : memref<64x1024xf32, #tpu.memory_space<vmem>>) target_semaphore(%run_scoped3A : memref<!tpu.dma_semaphore, #tpu.memory_space<semaphore_mem>>)
      %dma_wait3A_128 = arith.constant 0 : i32
      %dma_wait3A_129 = tpu.memref_slice %arg2[%multiple_of3A_64, %dma_wait3A_128] : memref<8192x1024xf32, #tpu.memory_space<hbm>> -> memref<64x1024xf32, #tpu.memory_space<hbm>>
      %dma_wait3A_130 = arith.constant 0 : i32
      %dma_wait3A_131 = tpu.memref_slice %arg2[%multiple_of3A_64, %dma_wait3A_130] : memref<8192x1024xf32, #tpu.memory_space<hbm>> -> memref<64x1024xf32, #tpu.memory_space<hbm>>
      tpu.wait_dma2 semaphore(%run_scoped3A : memref<!tpu.dma_semaphore, #tpu.memory_space<semaphore_mem>>) src(%dma_wait3A_131 : memref<64x1024xf32, #tpu.memory_space<hbm>>) dst(%arg8 : memref<64x1024xf32, #tpu.memory_space<vmem>>)
      tpu.yield
    }) : () -> ()
    "tpu.region"() ({
      %run_scoped3A = tpu.sem_alloc : memref<!tpu.dma_semaphore, #tpu.memory_space<semaphore_mem>>
      %dma_start3A_124 = arith.constant 0 : i32
      %dma_start3A_125 = tpu.memref_slice %arg3[%multiple_of3A_64, %dma_start3A_124] : memref<8192x128xf32, #tpu.memory_space<hbm>> -> memref<64x128xf32, #tpu.memory_space<hbm>>
      %dma_start3A_126 = arith.constant 0 : i32
      %dma_start3A_127 = tpu.memref_slice %arg3[%multiple_of3A_64, %dma_start3A_126] : memref<8192x128xf32, #tpu.memory_space<hbm>> -> memref<64x128xf32, #tpu.memory_space<hbm>>
      tpu.enqueue_dma source(%dma_start3A_127 : memref<64x128xf32, #tpu.memory_space<hbm>>) target(%arg9 : memref<64x128xf32, #tpu.memory_space<vmem>>) target_semaphore(%run_scoped3A : memref<!tpu.dma_semaphore, #tpu.memory_space<semaphore_mem>>)
      %dma_wait3A_128 = arith.constant 0 : i32
      %dma_wait3A_129 = tpu.memref_slice %arg3[%multiple_of3A_64, %dma_wait3A_128] : memref<8192x128xf32, #tpu.memory_space<hbm>> -> memref<64x128xf32, #tpu.memory_space<hbm>>
      %dma_wait3A_130 = arith.constant 0 : i32
      %dma_wait3A_131 = tpu.memref_slice %arg3[%multiple_of3A_64, %dma_wait3A_130] : memref<8192x128xf32, #tpu.memory_space<hbm>> -> memref<64x128xf32, #tpu.memory_space<hbm>>
      tpu.wait_dma2 semaphore(%run_scoped3A : memref<!tpu.dma_semaphore, #tpu.memory_space<semaphore_mem>>) src(%dma_wait3A_131 : memref<64x128xf32, #tpu.memory_space<hbm>>) dst(%arg9 : memref<64x128xf32, #tpu.memory_space<vmem>>)
      tpu.yield
    }) : () -> ()
    %dma_start3A_65 = arith.constant 2 : i32
    %dma_start3A_66 = arith.constant 0 : i32
    %dma_start3A_67 = tpu.memref_slice %arg7[%dma_start3A_65, %dma_start3A_66] : memref<4x64xi32, #tpu.memory_space<vmem>> -> memref<1x64xi32, #tpu.memory_space<vmem>>
    %dma_start3A_68 = tpu.memref_squeeze %dma_start3A_67 : memref<1x64xi32, #tpu.memory_space<vmem>> -> memref<64xi32, #tpu.memory_space<vmem>>
    %dma_start3A_69 = arith.constant 0 : i32
    %dma_start3A_70 = arith.constant 0 : i32
    %dma_start3A_71 = tpu.memref_slice %arg5[%dma_start3A_69, %dma_start3A_70] : memref<12288x1024xf32, #tpu.memory_space<hbm>> -> memref<12288x1024xf32, #tpu.memory_space<hbm>>
    tpu.enqueue_indirect_dma source(%arg8 : memref<64x1024xf32, #tpu.memory_space<vmem>>) target(%dma_start3A_71 : memref<12288x1024xf32, #tpu.memory_space<hbm>>) offsets(%dma_start3A_68 : memref<64xi32, #tpu.memory_space<vmem>>) semaphore(%arg10 : memref<!tpu.dma_semaphore, #tpu.memory_space<semaphore_mem>>)
    %dma_start3A_72 = arith.constant 2 : i32
    %dma_start3A_73 = arith.constant 0 : i32
    %dma_start3A_74 = tpu.memref_slice %arg7[%dma_start3A_72, %dma_start3A_73] : memref<4x64xi32, #tpu.memory_space<vmem>> -> memref<1x64xi32, #tpu.memory_space<vmem>>
    %dma_start3A_75 = tpu.memref_squeeze %dma_start3A_74 : memref<1x64xi32, #tpu.memory_space<vmem>> -> memref<64xi32, #tpu.memory_space<vmem>>
    %dma_start3A_76 = arith.constant 0 : i32
    %dma_start3A_77 = arith.constant 0 : i32
    %dma_start3A_78 = tpu.memref_slice %arg6[%dma_start3A_76, %dma_start3A_77] : memref<12288x128xf32, #tpu.memory_space<hbm>> -> memref<12288x128xf32, #tpu.memory_space<hbm>>
    tpu.enqueue_indirect_dma source(%arg9 : memref<64x128xf32, #tpu.memory_space<vmem>>) target(%dma_start3A_78 : memref<12288x128xf32, #tpu.memory_space<hbm>>) offsets(%dma_start3A_75 : memref<64xi32, #tpu.memory_space<vmem>>) semaphore(%arg11 : memref<!tpu.dma_semaphore, #tpu.memory_space<semaphore_mem>>)
    %dma_wait3A_79 = arith.constant 2 : i32
    %dma_wait3A_80 = arith.constant 0 : i32
    %dma_wait3A_81 = tpu.memref_slice %arg7[%dma_wait3A_79, %dma_wait3A_80] : memref<4x64xi32, #tpu.memory_space<vmem>> -> memref<1x64xi32, #tpu.memory_space<vmem>>
    %dma_wait3A_82 = tpu.memref_squeeze %dma_wait3A_81 : memref<1x64xi32, #tpu.memory_space<vmem>> -> memref<64xi32, #tpu.memory_space<vmem>>
    %dma_wait3A_83 = arith.constant 0 : i32
    %dma_wait3A_84 = arith.constant 0 : i32
    %dma_wait3A_85 = tpu.memref_slice %arg5[%dma_wait3A_83, %dma_wait3A_84] : memref<12288x1024xf32, #tpu.memory_space<hbm>> -> memref<12288x1024xf32, #tpu.memory_space<hbm>>
    tpu.wait_indirect_dma semaphore(%arg10 : memref<!tpu.dma_semaphore, #tpu.memory_space<semaphore_mem>>) src(%arg8 : memref<64x1024xf32, #tpu.memory_space<vmem>>) dst(%dma_wait3A_85 : memref<12288x1024xf32, #tpu.memory_space<hbm>>)
    %dma_wait3A_86 = arith.constant 2 : i32
    %dma_wait3A_87 = arith.constant 0 : i32
    %dma_wait3A_88 = tpu.memref_slice %arg7[%dma_wait3A_86, %dma_wait3A_87] : memref<4x64xi32, #tpu.memory_space<vmem>> -> memref<1x64xi32, #tpu.memory_space<vmem>>
    %dma_wait3A_89 = tpu.memref_squeeze %dma_wait3A_88 : memref<1x64xi32, #tpu.memory_space<vmem>> -> memref<64xi32, #tpu.memory_space<vmem>>
    %dma_wait3A_90 = arith.constant 0 : i32
    %dma_wait3A_91 = arith.constant 0 : i32
    %dma_wait3A_92 = tpu.memref_slice %arg6[%dma_wait3A_90, %dma_wait3A_91] : memref<12288x128xf32, #tpu.memory_space<hbm>> -> memref<12288x128xf32, #tpu.memory_space<hbm>>
    tpu.wait_indirect_dma semaphore(%arg11 : memref<!tpu.dma_semaphore, #tpu.memory_space<semaphore_mem>>) src(%arg9 : memref<64x128xf32, #tpu.memory_space<vmem>>) dst(%dma_wait3A_92 : memref<12288x128xf32, #tpu.memory_space<hbm>>)
    %add3A_93 = arith.constant 192 : i32
    %add3A_94 = arith.addi %mul3A_2, %add3A_93 : i32
    %multiple_of3A_95 = tpu.assume_multiple %add3A_94, 8 : i32
    "tpu.region"() ({
      %run_scoped3A = tpu.sem_alloc : memref<!tpu.dma_semaphore, #tpu.memory_space<semaphore_mem>>
      %dma_start3A_124 = arith.constant 0 : i32
      %dma_start3A_125 = tpu.memref_slice %arg2[%multiple_of3A_95, %dma_start3A_124] : memref<8192x1024xf32, #tpu.memory_space<hbm>> -> memref<64x1024xf32, #tpu.memory_space<hbm>>
      %dma_start3A_126 = arith.constant 0 : i32
      %dma_start3A_127 = tpu.memref_slice %arg2[%multiple_of3A_95, %dma_start3A_126] : memref<8192x1024xf32, #tpu.memory_space<hbm>> -> memref<64x1024xf32, #tpu.memory_space<hbm>>
      tpu.enqueue_dma source(%dma_start3A_127 : memref<64x1024xf32, #tpu.memory_space<hbm>>) target(%arg8 : memref<64x1024xf32, #tpu.memory_space<vmem>>) target_semaphore(%run_scoped3A : memref<!tpu.dma_semaphore, #tpu.memory_space<semaphore_mem>>)
      %dma_wait3A_128 = arith.constant 0 : i32
      %dma_wait3A_129 = tpu.memref_slice %arg2[%multiple_of3A_95, %dma_wait3A_128] : memref<8192x1024xf32, #tpu.memory_space<hbm>> -> memref<64x1024xf32, #tpu.memory_space<hbm>>
      %dma_wait3A_130 = arith.constant 0 : i32
      %dma_wait3A_131 = tpu.memref_slice %arg2[%multiple_of3A_95, %dma_wait3A_130] : memref<8192x1024xf32, #tpu.memory_space<hbm>> -> memref<64x1024xf32, #tpu.memory_space<hbm>>
      tpu.wait_dma2 semaphore(%run_scoped3A : memref<!tpu.dma_semaphore, #tpu.memory_space<semaphore_mem>>) src(%dma_wait3A_131 : memref<64x1024xf32, #tpu.memory_space<hbm>>) dst(%arg8 : memref<64x1024xf32, #tpu.memory_space<vmem>>)
      tpu.yield
    }) : () -> ()
    "tpu.region"() ({
      %run_scoped3A = tpu.sem_alloc : memref<!tpu.dma_semaphore, #tpu.memory_space<semaphore_mem>>
      %dma_start3A_124 = arith.constant 0 : i32
      %dma_start3A_125 = tpu.memref_slice %arg3[%multiple_of3A_95, %dma_start3A_124] : memref<8192x128xf32, #tpu.memory_space<hbm>> -> memref<64x128xf32, #tpu.memory_space<hbm>>
      %dma_start3A_126 = arith.constant 0 : i32
      %dma_start3A_127 = tpu.memref_slice %arg3[%multiple_of3A_95, %dma_start3A_126] : memref<8192x128xf32, #tpu.memory_space<hbm>> -> memref<64x128xf32, #tpu.memory_space<hbm>>
      tpu.enqueue_dma source(%dma_start3A_127 : memref<64x128xf32, #tpu.memory_space<hbm>>) target(%arg9 : memref<64x128xf32, #tpu.memory_space<vmem>>) target_semaphore(%run_scoped3A : memref<!tpu.dma_semaphore, #tpu.memory_space<semaphore_mem>>)
      %dma_wait3A_128 = arith.constant 0 : i32
      %dma_wait3A_129 = tpu.memref_slice %arg3[%multiple_of3A_95, %dma_wait3A_128] : memref<8192x128xf32, #tpu.memory_space<hbm>> -> memref<64x128xf32, #tpu.memory_space<hbm>>
      %dma_wait3A_130 = arith.constant 0 : i32
      %dma_wait3A_131 = tpu.memref_slice %arg3[%multiple_of3A_95, %dma_wait3A_130] : memref<8192x128xf32, #tpu.memory_space<hbm>> -> memref<64x128xf32, #tpu.memory_space<hbm>>
      tpu.wait_dma2 semaphore(%run_scoped3A : memref<!tpu.dma_semaphore, #tpu.memory_space<semaphore_mem>>) src(%dma_wait3A_131 : memref<64x128xf32, #tpu.memory_space<hbm>>) dst(%arg9 : memref<64x128xf32, #tpu.memory_space<vmem>>)
      tpu.yield
    }) : () -> ()
    %dma_start3A_96 = arith.constant 3 : i32
    %dma_start3A_97 = arith.constant 0 : i32
    %dma_start3A_98 = tpu.memref_slice %arg7[%dma_start3A_96, %dma_start3A_97] : memref<4x64xi32, #tpu.memory_space<vmem>> -> memref<1x64xi32, #tpu.memory_space<vmem>>
    %dma_start3A_99 = tpu.memref_squeeze %dma_start3A_98 : memref<1x64xi32, #tpu.memory_space<vmem>> -> memref<64xi32, #tpu.memory_space<vmem>>
    %dma_start3A_100 = arith.constant 0 : i32
    %dma_start3A_101 = arith.constant 0 : i32
    %dma_start3A_102 = tpu.memref_slice %arg5[%dma_start3A_100, %dma_start3A_101] : memref<12288x1024xf32, #tpu.memory_space<hbm>> -> memref<12288x1024xf32, #tpu.memory_space<hbm>>
    tpu.enqueue_indirect_dma source(%arg8 : memref<64x1024xf32, #tpu.memory_space<vmem>>) target(%dma_start3A_102 : memref<12288x1024xf32, #tpu.memory_space<hbm>>) offsets(%dma_start3A_99 : memref<64xi32, #tpu.memory_space<vmem>>) semaphore(%arg10 : memref<!tpu.dma_semaphore, #tpu.memory_space<semaphore_mem>>)
    %dma_start3A_103 = arith.constant 3 : i32
    %dma_start3A_104 = arith.constant 0 : i32
    %dma_start3A_105 = tpu.memref_slice %arg7[%dma_start3A_103, %dma_start3A_104] : memref<4x64xi32, #tpu.memory_space<vmem>> -> memref<1x64xi32, #tpu.memory_space<vmem>>
    %dma_start3A_106 = tpu.memref_squeeze %dma_start3A_105 : memref<1x64xi32, #tpu.memory_space<vmem>> -> memref<64xi32, #tpu.memory_space<vmem>>
    %dma_start3A_107 = arith.constant 0 : i32
    %dma_start3A_108 = arith.constant 0 : i32
    %dma_start3A_109 = tpu.memref_slice %arg6[%dma_start3A_107, %dma_start3A_108] : memref<12288x128xf32, #tpu.memory_space<hbm>> -> memref<12288x128xf32, #tpu.memory_space<hbm>>
    tpu.enqueue_indirect_dma source(%arg9 : memref<64x128xf32, #tpu.memory_space<vmem>>) target(%dma_start3A_109 : memref<12288x128xf32, #tpu.memory_space<hbm>>) offsets(%dma_start3A_106 : memref<64xi32, #tpu.memory_space<vmem>>) semaphore(%arg11 : memref<!tpu.dma_semaphore, #tpu.memory_space<semaphore_mem>>)
    %dma_wait3A_110 = arith.constant 3 : i32
    %dma_wait3A_111 = arith.constant 0 : i32
    %dma_wait3A_112 = tpu.memref_slice %arg7[%dma_wait3A_110, %dma_wait3A_111] : memref<4x64xi32, #tpu.memory_space<vmem>> -> memref<1x64xi32, #tpu.memory_space<vmem>>
    %dma_wait3A_113 = tpu.memref_squeeze %dma_wait3A_112 : memref<1x64xi32, #tpu.memory_space<vmem>> -> memref<64xi32, #tpu.memory_space<vmem>>
    %dma_wait3A_114 = arith.constant 0 : i32
    %dma_wait3A_115 = arith.constant 0 : i32
    %dma_wait3A_116 = tpu.memref_slice %arg5[%dma_wait3A_114, %dma_wait3A_115] : memref<12288x1024xf32, #tpu.memory_space<hbm>> -> memref<12288x1024xf32, #tpu.memory_space<hbm>>
    tpu.wait_indirect_dma semaphore(%arg10 : memref<!tpu.dma_semaphore, #tpu.memory_space<semaphore_mem>>) src(%arg8 : memref<64x1024xf32, #tpu.memory_space<vmem>>) dst(%dma_wait3A_116 : memref<12288x1024xf32, #tpu.memory_space<hbm>>)
    %dma_wait3A_117 = arith.constant 3 : i32
    %dma_wait3A_118 = arith.constant 0 : i32
    %dma_wait3A_119 = tpu.memref_slice %arg7[%dma_wait3A_117, %dma_wait3A_118] : memref<4x64xi32, #tpu.memory_space<vmem>> -> memref<1x64xi32, #tpu.memory_space<vmem>>
    %dma_wait3A_120 = tpu.memref_squeeze %dma_wait3A_119 : memref<1x64xi32, #tpu.memory_space<vmem>> -> memref<64xi32, #tpu.memory_space<vmem>>
    %dma_wait3A_121 = arith.constant 0 : i32
    %dma_wait3A_122 = arith.constant 0 : i32
    %dma_wait3A_123 = tpu.memref_slice %arg6[%dma_wait3A_121, %dma_wait3A_122] : memref<12288x128xf32, #tpu.memory_space<hbm>> -> memref<12288x128xf32, #tpu.memory_space<hbm>>
    tpu.wait_indirect_dma semaphore(%arg11 : memref<!tpu.dma_semaphore, #tpu.memory_space<semaphore_mem>>) src(%arg9 : memref<64x128xf32, #tpu.memory_space<vmem>>) dst(%dma_wait3A_123 : memref<12288x128xf32, #tpu.memory_space<hbm>>)
    return
  }
}

#map = affine_map<(d0, d1) -> (0, 0)>
#map1 = affine_map<(d0, d1) -> (0, 0, 0)>
module attributes {stable_mosaic.version = 14 : i64} {
  func.func @gather(%arg0: i32, %arg1: i32, %arg2: memref<12288x1024xf32, #tpu.memory_space<hbm>>, %arg3: memref<32x8x32xi32, #tpu.memory_space<hbm>>, %arg4: memref<8192x1024xf32, #tpu.memory_space<hbm>>, %arg5: memref<8x32xi32, #tpu.memory_space<vmem>>, %arg6: memref<2x32x1024xf32, #tpu.memory_space<vmem>>, %arg7: memref<!tpu.dma_semaphore, #tpu.memory_space<semaphore_mem>>, %arg8: memref<!tpu.dma_semaphore, #tpu.memory_space<semaphore_mem>>, %arg9: memref<!tpu.dma_semaphore, #tpu.memory_space<semaphore_mem>>, %arg10: memref<!tpu.dma_semaphore, #tpu.memory_space<semaphore_mem>>) attributes {dimension_semantics = [#tpu.dimension_semantics<core_parallel>, #tpu.dimension_semantics<subcore_parallel>], iteration_bounds = array<i64: 2, 16>, scalar_prefetch = 0 : i64, scratch_operands = 6 : i64, tpu.core_type = #tpu.core_type<sc_vector_subcore>, window_params = [{transform_indices = #map}, {transform_indices = #map1}, {transform_indices = #map}]} {
    %mul3A = arith.constant 2 : i32
    %mul3A_0 = arith.muli %arg1, %mul3A : i32
    %add3A = arith.addi %mul3A_0, %arg0 : i32
    %mul3A_1 = arith.constant 256 : i32
    %mul3A_2 = arith.muli %add3A, %mul3A_1 : i32
    "tpu.region"() ({
      %run_scoped3A = tpu.sem_alloc : memref<!tpu.dma_semaphore, #tpu.memory_space<semaphore_mem>>
      %dma_start3A_424 = arith.constant 0 : i32
      %dma_start3A_425 = arith.constant 0 : i32
      %dma_start3A_426 = tpu.memref_slice %arg3[%add3A, %dma_start3A_424, %dma_start3A_425] : memref<32x8x32xi32, #tpu.memory_space<hbm>> -> memref<1x8x32xi32, #tpu.memory_space<hbm>>
      %dma_start3A_427 = tpu.memref_squeeze %dma_start3A_426 : memref<1x8x32xi32, #tpu.memory_space<hbm>> -> memref<8x32xi32, #tpu.memory_space<hbm>>
      %dma_start3A_428 = arith.constant 0 : i32
      %dma_start3A_429 = arith.constant 0 : i32
      %dma_start3A_430 = tpu.memref_slice %arg3[%add3A, %dma_start3A_428, %dma_start3A_429] : memref<32x8x32xi32, #tpu.memory_space<hbm>> -> memref<1x8x32xi32, #tpu.memory_space<hbm>>
      %dma_start3A_431 = tpu.memref_squeeze %dma_start3A_430 : memref<1x8x32xi32, #tpu.memory_space<hbm>> -> memref<8x32xi32, #tpu.memory_space<hbm>>
      tpu.enqueue_dma source(%dma_start3A_431 : memref<8x32xi32, #tpu.memory_space<hbm>>) target(%arg5 : memref<8x32xi32, #tpu.memory_space<vmem>>) target_semaphore(%run_scoped3A : memref<!tpu.dma_semaphore, #tpu.memory_space<semaphore_mem>>)
      %dma_wait3A_432 = arith.constant 0 : i32
      %dma_wait3A_433 = arith.constant 0 : i32
      %dma_wait3A_434 = tpu.memref_slice %arg3[%add3A, %dma_wait3A_432, %dma_wait3A_433] : memref<32x8x32xi32, #tpu.memory_space<hbm>> -> memref<1x8x32xi32, #tpu.memory_space<hbm>>
      %dma_wait3A_435 = tpu.memref_squeeze %dma_wait3A_434 : memref<1x8x32xi32, #tpu.memory_space<hbm>> -> memref<8x32xi32, #tpu.memory_space<hbm>>
      %dma_wait3A_436 = arith.constant 0 : i32
      %dma_wait3A_437 = arith.constant 0 : i32
      %dma_wait3A_438 = tpu.memref_slice %arg3[%add3A, %dma_wait3A_436, %dma_wait3A_437] : memref<32x8x32xi32, #tpu.memory_space<hbm>> -> memref<1x8x32xi32, #tpu.memory_space<hbm>>
      %dma_wait3A_439 = tpu.memref_squeeze %dma_wait3A_438 : memref<1x8x32xi32, #tpu.memory_space<hbm>> -> memref<8x32xi32, #tpu.memory_space<hbm>>
      tpu.wait_dma2 semaphore(%run_scoped3A : memref<!tpu.dma_semaphore, #tpu.memory_space<semaphore_mem>>) src(%dma_wait3A_439 : memref<8x32xi32, #tpu.memory_space<hbm>>) dst(%arg5 : memref<8x32xi32, #tpu.memory_space<vmem>>)
      tpu.yield
    }) : () -> ()
    %dma_start3A = arith.constant 0 : i32
    %dma_start3A_3 = arith.constant 0 : i32
    %dma_start3A_4 = arith.constant 0 : i32
    %dma_start3A_5 = arith.constant 0 : i32
    %dma_start3A_6 = tpu.memref_slice %arg6[%dma_start3A_3, %dma_start3A_4, %dma_start3A_5] : memref<2x32x1024xf32, #tpu.memory_space<vmem>> -> memref<1x32x1024xf32, #tpu.memory_space<vmem>>
    %dma_start3A_7 = tpu.memref_squeeze %dma_start3A_6 : memref<1x32x1024xf32, #tpu.memory_space<vmem>> -> memref<32x1024xf32, #tpu.memory_space<vmem>>
    %dma_start3A_8 = arith.constant 0 : i32
    %dma_start3A_9 = tpu.memref_slice %arg5[%dma_start3A, %dma_start3A_8] : memref<8x32xi32, #tpu.memory_space<vmem>> -> memref<1x32xi32, #tpu.memory_space<vmem>>
    %dma_start3A_10 = tpu.memref_squeeze %dma_start3A_9 : memref<1x32xi32, #tpu.memory_space<vmem>> -> memref<32xi32, #tpu.memory_space<vmem>>
    %dma_start3A_11 = arith.constant 0 : i32
    %dma_start3A_12 = arith.constant 0 : i32
    %dma_start3A_13 = tpu.memref_slice %arg2[%dma_start3A_11, %dma_start3A_12] : memref<12288x1024xf32, #tpu.memory_space<hbm>> -> memref<12288x1024xf32, #tpu.memory_space<hbm>>
    tpu.enqueue_indirect_dma source(%dma_start3A_13 : memref<12288x1024xf32, #tpu.memory_space<hbm>>) target(%dma_start3A_7 : memref<32x1024xf32, #tpu.memory_space<vmem>>) offsets(%dma_start3A_10 : memref<32xi32, #tpu.memory_space<vmem>>) semaphore(%arg7 : memref<!tpu.dma_semaphore, #tpu.memory_space<semaphore_mem>>)
    %dma_start3A_14 = arith.constant 1 : i32
    %dma_start3A_15 = arith.constant 1 : i32
    %dma_start3A_16 = arith.constant 0 : i32
    %dma_start3A_17 = arith.constant 0 : i32
    %dma_start3A_18 = tpu.memref_slice %arg6[%dma_start3A_15, %dma_start3A_16, %dma_start3A_17] : memref<2x32x1024xf32, #tpu.memory_space<vmem>> -> memref<1x32x1024xf32, #tpu.memory_space<vmem>>
    %dma_start3A_19 = tpu.memref_squeeze %dma_start3A_18 : memref<1x32x1024xf32, #tpu.memory_space<vmem>> -> memref<32x1024xf32, #tpu.memory_space<vmem>>
    %dma_start3A_20 = arith.constant 0 : i32
    %dma_start3A_21 = tpu.memref_slice %arg5[%dma_start3A_14, %dma_start3A_20] : memref<8x32xi32, #tpu.memory_space<vmem>> -> memref<1x32xi32, #tpu.memory_space<vmem>>
    %dma_start3A_22 = tpu.memref_squeeze %dma_start3A_21 : memref<1x32xi32, #tpu.memory_space<vmem>> -> memref<32xi32, #tpu.memory_space<vmem>>
    %dma_start3A_23 = arith.constant 0 : i32
    %dma_start3A_24 = arith.constant 0 : i32
    %dma_start3A_25 = tpu.memref_slice %arg2[%dma_start3A_23, %dma_start3A_24] : memref<12288x1024xf32, #tpu.memory_space<hbm>> -> memref<12288x1024xf32, #tpu.memory_space<hbm>>
    tpu.enqueue_indirect_dma source(%dma_start3A_25 : memref<12288x1024xf32, #tpu.memory_space<hbm>>) target(%dma_start3A_19 : memref<32x1024xf32, #tpu.memory_space<vmem>>) offsets(%dma_start3A_22 : memref<32xi32, #tpu.memory_space<vmem>>) semaphore(%arg8 : memref<!tpu.dma_semaphore, #tpu.memory_space<semaphore_mem>>)
    %dma_wait3A = arith.constant 0 : i32
    %dma_wait3A_26 = arith.constant 0 : i32
    %dma_wait3A_27 = arith.constant 0 : i32
    %dma_wait3A_28 = arith.constant 0 : i32
    %dma_wait3A_29 = tpu.memref_slice %arg6[%dma_wait3A_26, %dma_wait3A_27, %dma_wait3A_28] : memref<2x32x1024xf32, #tpu.memory_space<vmem>> -> memref<1x32x1024xf32, #tpu.memory_space<vmem>>
    %dma_wait3A_30 = tpu.memref_squeeze %dma_wait3A_29 : memref<1x32x1024xf32, #tpu.memory_space<vmem>> -> memref<32x1024xf32, #tpu.memory_space<vmem>>
    %dma_wait3A_31 = arith.constant 0 : i32
    %dma_wait3A_32 = tpu.memref_slice %arg5[%dma_wait3A, %dma_wait3A_31] : memref<8x32xi32, #tpu.memory_space<vmem>> -> memref<1x32xi32, #tpu.memory_space<vmem>>
    %dma_wait3A_33 = tpu.memref_squeeze %dma_wait3A_32 : memref<1x32xi32, #tpu.memory_space<vmem>> -> memref<32xi32, #tpu.memory_space<vmem>>
    %dma_wait3A_34 = arith.constant 0 : i32
    %dma_wait3A_35 = arith.constant 0 : i32
    %dma_wait3A_36 = tpu.memref_slice %arg2[%dma_wait3A_34, %dma_wait3A_35] : memref<12288x1024xf32, #tpu.memory_space<hbm>> -> memref<12288x1024xf32, #tpu.memory_space<hbm>>
    tpu.wait_indirect_dma semaphore(%arg7 : memref<!tpu.dma_semaphore, #tpu.memory_space<semaphore_mem>>) src(%dma_wait3A_36 : memref<12288x1024xf32, #tpu.memory_space<hbm>>) dst(%dma_wait3A_30 : memref<32x1024xf32, #tpu.memory_space<vmem>>)
    %add3A_37 = arith.constant 0 : i32
    %add3A_38 = arith.addi %mul3A_2, %add3A_37 : i32
    %multiple_of3A = tpu.assume_multiple %add3A_38, 8 : i32
    %dma_start3A_39 = arith.constant 0 : i32
    %dma_start3A_40 = arith.constant 0 : i32
    %dma_start3A_41 = arith.constant 0 : i32
    %dma_start3A_42 = tpu.memref_slice %arg6[%dma_start3A_39, %dma_start3A_40, %dma_start3A_41] : memref<2x32x1024xf32, #tpu.memory_space<vmem>> -> memref<1x32x1024xf32, #tpu.memory_space<vmem>>
    %dma_start3A_43 = tpu.memref_squeeze %dma_start3A_42 : memref<1x32x1024xf32, #tpu.memory_space<vmem>> -> memref<32x1024xf32, #tpu.memory_space<vmem>>
    %dma_start3A_44 = arith.constant 0 : i32
    %dma_start3A_45 = tpu.memref_slice %arg4[%multiple_of3A, %dma_start3A_44] : memref<8192x1024xf32, #tpu.memory_space<hbm>> -> memref<32x1024xf32, #tpu.memory_space<hbm>>
    %dma_start3A_46 = arith.constant 0 : i32
    %dma_start3A_47 = tpu.memref_slice %arg4[%multiple_of3A, %dma_start3A_46] : memref<8192x1024xf32, #tpu.memory_space<hbm>> -> memref<32x1024xf32, #tpu.memory_space<hbm>>
    %dma_start3A_48 = arith.constant 0 : i32
    %dma_start3A_49 = arith.constant 0 : i32
    %dma_start3A_50 = tpu.memref_slice %arg6[%dma_start3A_39, %dma_start3A_48, %dma_start3A_49] : memref<2x32x1024xf32, #tpu.memory_space<vmem>> -> memref<1x32x1024xf32, #tpu.memory_space<vmem>>
    %dma_start3A_51 = tpu.memref_squeeze %dma_start3A_50 : memref<1x32x1024xf32, #tpu.memory_space<vmem>> -> memref<32x1024xf32, #tpu.memory_space<vmem>>
    tpu.enqueue_dma source(%dma_start3A_51 : memref<32x1024xf32, #tpu.memory_space<vmem>>) target(%dma_start3A_47 : memref<32x1024xf32, #tpu.memory_space<hbm>>) target_semaphore(%arg9 : memref<!tpu.dma_semaphore, #tpu.memory_space<semaphore_mem>>)
    %dma_wait3A_52 = arith.constant 0 : i32
    %dma_wait3A_53 = arith.constant 0 : i32
    %dma_wait3A_54 = arith.constant 0 : i32
    %dma_wait3A_55 = tpu.memref_slice %arg6[%dma_wait3A_52, %dma_wait3A_53, %dma_wait3A_54] : memref<2x32x1024xf32, #tpu.memory_space<vmem>> -> memref<1x32x1024xf32, #tpu.memory_space<vmem>>
    %dma_wait3A_56 = tpu.memref_squeeze %dma_wait3A_55 : memref<1x32x1024xf32, #tpu.memory_space<vmem>> -> memref<32x1024xf32, #tpu.memory_space<vmem>>
    %dma_wait3A_57 = arith.constant 0 : i32
    %dma_wait3A_58 = tpu.memref_slice %arg4[%multiple_of3A, %dma_wait3A_57] : memref<8192x1024xf32, #tpu.memory_space<hbm>> -> memref<32x1024xf32, #tpu.memory_space<hbm>>
    %dma_wait3A_59 = arith.constant 0 : i32
    %dma_wait3A_60 = tpu.memref_slice %arg4[%multiple_of3A, %dma_wait3A_59] : memref<8192x1024xf32, #tpu.memory_space<hbm>> -> memref<32x1024xf32, #tpu.memory_space<hbm>>
    %dma_wait3A_61 = arith.constant 0 : i32
    %dma_wait3A_62 = arith.constant 0 : i32
    %dma_wait3A_63 = tpu.memref_slice %arg6[%dma_wait3A_52, %dma_wait3A_61, %dma_wait3A_62] : memref<2x32x1024xf32, #tpu.memory_space<vmem>> -> memref<1x32x1024xf32, #tpu.memory_space<vmem>>
    %dma_wait3A_64 = tpu.memref_squeeze %dma_wait3A_63 : memref<1x32x1024xf32, #tpu.memory_space<vmem>> -> memref<32x1024xf32, #tpu.memory_space<vmem>>
    tpu.wait_dma2 semaphore(%arg9 : memref<!tpu.dma_semaphore, #tpu.memory_space<semaphore_mem>>) src(%dma_wait3A_64 : memref<32x1024xf32, #tpu.memory_space<vmem>>) dst(%dma_wait3A_60 : memref<32x1024xf32, #tpu.memory_space<hbm>>)
    %dma_start3A_65 = arith.constant 2 : i32
    %dma_start3A_66 = arith.constant 0 : i32
    %dma_start3A_67 = arith.constant 0 : i32
    %dma_start3A_68 = arith.constant 0 : i32
    %dma_start3A_69 = tpu.memref_slice %arg6[%dma_start3A_66, %dma_start3A_67, %dma_start3A_68] : memref<2x32x1024xf32, #tpu.memory_space<vmem>> -> memref<1x32x1024xf32, #tpu.memory_space<vmem>>
    %dma_start3A_70 = tpu.memref_squeeze %dma_start3A_69 : memref<1x32x1024xf32, #tpu.memory_space<vmem>> -> memref<32x1024xf32, #tpu.memory_space<vmem>>
    %dma_start3A_71 = arith.constant 0 : i32
    %dma_start3A_72 = tpu.memref_slice %arg5[%dma_start3A_65, %dma_start3A_71] : memref<8x32xi32, #tpu.memory_space<vmem>> -> memref<1x32xi32, #tpu.memory_space<vmem>>
    %dma_start3A_73 = tpu.memref_squeeze %dma_start3A_72 : memref<1x32xi32, #tpu.memory_space<vmem>> -> memref<32xi32, #tpu.memory_space<vmem>>
    %dma_start3A_74 = arith.constant 0 : i32
    %dma_start3A_75 = arith.constant 0 : i32
    %dma_start3A_76 = tpu.memref_slice %arg2[%dma_start3A_74, %dma_start3A_75] : memref<12288x1024xf32, #tpu.memory_space<hbm>> -> memref<12288x1024xf32, #tpu.memory_space<hbm>>
    tpu.enqueue_indirect_dma source(%dma_start3A_76 : memref<12288x1024xf32, #tpu.memory_space<hbm>>) target(%dma_start3A_70 : memref<32x1024xf32, #tpu.memory_space<vmem>>) offsets(%dma_start3A_73 : memref<32xi32, #tpu.memory_space<vmem>>) semaphore(%arg7 : memref<!tpu.dma_semaphore, #tpu.memory_space<semaphore_mem>>)
    %dma_wait3A_77 = arith.constant 1 : i32
    %dma_wait3A_78 = arith.constant 1 : i32
    %dma_wait3A_79 = arith.constant 0 : i32
    %dma_wait3A_80 = arith.constant 0 : i32
    %dma_wait3A_81 = tpu.memref_slice %arg6[%dma_wait3A_78, %dma_wait3A_79, %dma_wait3A_80] : memref<2x32x1024xf32, #tpu.memory_space<vmem>> -> memref<1x32x1024xf32, #tpu.memory_space<vmem>>
    %dma_wait3A_82 = tpu.memref_squeeze %dma_wait3A_81 : memref<1x32x1024xf32, #tpu.memory_space<vmem>> -> memref<32x1024xf32, #tpu.memory_space<vmem>>
    %dma_wait3A_83 = arith.constant 0 : i32
    %dma_wait3A_84 = tpu.memref_slice %arg5[%dma_wait3A_77, %dma_wait3A_83] : memref<8x32xi32, #tpu.memory_space<vmem>> -> memref<1x32xi32, #tpu.memory_space<vmem>>
    %dma_wait3A_85 = tpu.memref_squeeze %dma_wait3A_84 : memref<1x32xi32, #tpu.memory_space<vmem>> -> memref<32xi32, #tpu.memory_space<vmem>>
    %dma_wait3A_86 = arith.constant 0 : i32
    %dma_wait3A_87 = arith.constant 0 : i32
    %dma_wait3A_88 = tpu.memref_slice %arg2[%dma_wait3A_86, %dma_wait3A_87] : memref<12288x1024xf32, #tpu.memory_space<hbm>> -> memref<12288x1024xf32, #tpu.memory_space<hbm>>
    tpu.wait_indirect_dma semaphore(%arg8 : memref<!tpu.dma_semaphore, #tpu.memory_space<semaphore_mem>>) src(%dma_wait3A_88 : memref<12288x1024xf32, #tpu.memory_space<hbm>>) dst(%dma_wait3A_82 : memref<32x1024xf32, #tpu.memory_space<vmem>>)
    %add3A_89 = arith.constant 32 : i32
    %add3A_90 = arith.addi %mul3A_2, %add3A_89 : i32
    %multiple_of3A_91 = tpu.assume_multiple %add3A_90, 8 : i32
    %dma_start3A_92 = arith.constant 1 : i32
    %dma_start3A_93 = arith.constant 0 : i32
    %dma_start3A_94 = arith.constant 0 : i32
    %dma_start3A_95 = tpu.memref_slice %arg6[%dma_start3A_92, %dma_start3A_93, %dma_start3A_94] : memref<2x32x1024xf32, #tpu.memory_space<vmem>> -> memref<1x32x1024xf32, #tpu.memory_space<vmem>>
    %dma_start3A_96 = tpu.memref_squeeze %dma_start3A_95 : memref<1x32x1024xf32, #tpu.memory_space<vmem>> -> memref<32x1024xf32, #tpu.memory_space<vmem>>
    %dma_start3A_97 = arith.constant 0 : i32
    %dma_start3A_98 = tpu.memref_slice %arg4[%multiple_of3A_91, %dma_start3A_97] : memref<8192x1024xf32, #tpu.memory_space<hbm>> -> memref<32x1024xf32, #tpu.memory_space<hbm>>
    %dma_start3A_99 = arith.constant 0 : i32
    %dma_start3A_100 = tpu.memref_slice %arg4[%multiple_of3A_91, %dma_start3A_99] : memref<8192x1024xf32, #tpu.memory_space<hbm>> -> memref<32x1024xf32, #tpu.memory_space<hbm>>
    %dma_start3A_101 = arith.constant 0 : i32
    %dma_start3A_102 = arith.constant 0 : i32
    %dma_start3A_103 = tpu.memref_slice %arg6[%dma_start3A_92, %dma_start3A_101, %dma_start3A_102] : memref<2x32x1024xf32, #tpu.memory_space<vmem>> -> memref<1x32x1024xf32, #tpu.memory_space<vmem>>
    %dma_start3A_104 = tpu.memref_squeeze %dma_start3A_103 : memref<1x32x1024xf32, #tpu.memory_space<vmem>> -> memref<32x1024xf32, #tpu.memory_space<vmem>>
    tpu.enqueue_dma source(%dma_start3A_104 : memref<32x1024xf32, #tpu.memory_space<vmem>>) target(%dma_start3A_100 : memref<32x1024xf32, #tpu.memory_space<hbm>>) target_semaphore(%arg10 : memref<!tpu.dma_semaphore, #tpu.memory_space<semaphore_mem>>)
    %dma_wait3A_105 = arith.constant 1 : i32
    %dma_wait3A_106 = arith.constant 0 : i32
    %dma_wait3A_107 = arith.constant 0 : i32
    %dma_wait3A_108 = tpu.memref_slice %arg6[%dma_wait3A_105, %dma_wait3A_106, %dma_wait3A_107] : memref<2x32x1024xf32, #tpu.memory_space<vmem>> -> memref<1x32x1024xf32, #tpu.memory_space<vmem>>
    %dma_wait3A_109 = tpu.memref_squeeze %dma_wait3A_108 : memref<1x32x1024xf32, #tpu.memory_space<vmem>> -> memref<32x1024xf32, #tpu.memory_space<vmem>>
    %dma_wait3A_110 = arith.constant 0 : i32
    %dma_wait3A_111 = tpu.memref_slice %arg4[%multiple_of3A_91, %dma_wait3A_110] : memref<8192x1024xf32, #tpu.memory_space<hbm>> -> memref<32x1024xf32, #tpu.memory_space<hbm>>
    %dma_wait3A_112 = arith.constant 0 : i32
    %dma_wait3A_113 = tpu.memref_slice %arg4[%multiple_of3A_91, %dma_wait3A_112] : memref<8192x1024xf32, #tpu.memory_space<hbm>> -> memref<32x1024xf32, #tpu.memory_space<hbm>>
    %dma_wait3A_114 = arith.constant 0 : i32
    %dma_wait3A_115 = arith.constant 0 : i32
    %dma_wait3A_116 = tpu.memref_slice %arg6[%dma_wait3A_105, %dma_wait3A_114, %dma_wait3A_115] : memref<2x32x1024xf32, #tpu.memory_space<vmem>> -> memref<1x32x1024xf32, #tpu.memory_space<vmem>>
    %dma_wait3A_117 = tpu.memref_squeeze %dma_wait3A_116 : memref<1x32x1024xf32, #tpu.memory_space<vmem>> -> memref<32x1024xf32, #tpu.memory_space<vmem>>
    tpu.wait_dma2 semaphore(%arg10 : memref<!tpu.dma_semaphore, #tpu.memory_space<semaphore_mem>>) src(%dma_wait3A_117 : memref<32x1024xf32, #tpu.memory_space<vmem>>) dst(%dma_wait3A_113 : memref<32x1024xf32, #tpu.memory_space<hbm>>)
    %dma_start3A_118 = arith.constant 3 : i32
    %dma_start3A_119 = arith.constant 1 : i32
    %dma_start3A_120 = arith.constant 0 : i32
    %dma_start3A_121 = arith.constant 0 : i32
    %dma_start3A_122 = tpu.memref_slice %arg6[%dma_start3A_119, %dma_start3A_120, %dma_start3A_121] : memref<2x32x1024xf32, #tpu.memory_space<vmem>> -> memref<1x32x1024xf32, #tpu.memory_space<vmem>>
    %dma_start3A_123 = tpu.memref_squeeze %dma_start3A_122 : memref<1x32x1024xf32, #tpu.memory_space<vmem>> -> memref<32x1024xf32, #tpu.memory_space<vmem>>
    %dma_start3A_124 = arith.constant 0 : i32
    %dma_start3A_125 = tpu.memref_slice %arg5[%dma_start3A_118, %dma_start3A_124] : memref<8x32xi32, #tpu.memory_space<vmem>> -> memref<1x32xi32, #tpu.memory_space<vmem>>
    %dma_start3A_126 = tpu.memref_squeeze %dma_start3A_125 : memref<1x32xi32, #tpu.memory_space<vmem>> -> memref<32xi32, #tpu.memory_space<vmem>>
    %dma_start3A_127 = arith.constant 0 : i32
    %dma_start3A_128 = arith.constant 0 : i32
    %dma_start3A_129 = tpu.memref_slice %arg2[%dma_start3A_127, %dma_start3A_128] : memref<12288x1024xf32, #tpu.memory_space<hbm>> -> memref<12288x1024xf32, #tpu.memory_space<hbm>>
    tpu.enqueue_indirect_dma source(%dma_start3A_129 : memref<12288x1024xf32, #tpu.memory_space<hbm>>) target(%dma_start3A_123 : memref<32x1024xf32, #tpu.memory_space<vmem>>) offsets(%dma_start3A_126 : memref<32xi32, #tpu.memory_space<vmem>>) semaphore(%arg8 : memref<!tpu.dma_semaphore, #tpu.memory_space<semaphore_mem>>)
    %dma_wait3A_130 = arith.constant 2 : i32
    %dma_wait3A_131 = arith.constant 0 : i32
    %dma_wait3A_132 = arith.constant 0 : i32
    %dma_wait3A_133 = arith.constant 0 : i32
    %dma_wait3A_134 = tpu.memref_slice %arg6[%dma_wait3A_131, %dma_wait3A_132, %dma_wait3A_133] : memref<2x32x1024xf32, #tpu.memory_space<vmem>> -> memref<1x32x1024xf32, #tpu.memory_space<vmem>>
    %dma_wait3A_135 = tpu.memref_squeeze %dma_wait3A_134 : memref<1x32x1024xf32, #tpu.memory_space<vmem>> -> memref<32x1024xf32, #tpu.memory_space<vmem>>
    %dma_wait3A_136 = arith.constant 0 : i32
    %dma_wait3A_137 = tpu.memref_slice %arg5[%dma_wait3A_130, %dma_wait3A_136] : memref<8x32xi32, #tpu.memory_space<vmem>> -> memref<1x32xi32, #tpu.memory_space<vmem>>
    %dma_wait3A_138 = tpu.memref_squeeze %dma_wait3A_137 : memref<1x32xi32, #tpu.memory_space<vmem>> -> memref<32xi32, #tpu.memory_space<vmem>>
    %dma_wait3A_139 = arith.constant 0 : i32
    %dma_wait3A_140 = arith.constant 0 : i32
    %dma_wait3A_141 = tpu.memref_slice %arg2[%dma_wait3A_139, %dma_wait3A_140] : memref<12288x1024xf32, #tpu.memory_space<hbm>> -> memref<12288x1024xf32, #tpu.memory_space<hbm>>
    tpu.wait_indirect_dma semaphore(%arg7 : memref<!tpu.dma_semaphore, #tpu.memory_space<semaphore_mem>>) src(%dma_wait3A_141 : memref<12288x1024xf32, #tpu.memory_space<hbm>>) dst(%dma_wait3A_135 : memref<32x1024xf32, #tpu.memory_space<vmem>>)
    %add3A_142 = arith.constant 64 : i32
    %add3A_143 = arith.addi %mul3A_2, %add3A_142 : i32
    %multiple_of3A_144 = tpu.assume_multiple %add3A_143, 8 : i32
    %dma_start3A_145 = arith.constant 0 : i32
    %dma_start3A_146 = arith.constant 0 : i32
    %dma_start3A_147 = arith.constant 0 : i32
    %dma_start3A_148 = tpu.memref_slice %arg6[%dma_start3A_145, %dma_start3A_146, %dma_start3A_147] : memref<2x32x1024xf32, #tpu.memory_space<vmem>> -> memref<1x32x1024xf32, #tpu.memory_space<vmem>>
    %dma_start3A_149 = tpu.memref_squeeze %dma_start3A_148 : memref<1x32x1024xf32, #tpu.memory_space<vmem>> -> memref<32x1024xf32, #tpu.memory_space<vmem>>
    %dma_start3A_150 = arith.constant 0 : i32
    %dma_start3A_151 = tpu.memref_slice %arg4[%multiple_of3A_144, %dma_start3A_150] : memref<8192x1024xf32, #tpu.memory_space<hbm>> -> memref<32x1024xf32, #tpu.memory_space<hbm>>
    %dma_start3A_152 = arith.constant 0 : i32
    %dma_start3A_153 = tpu.memref_slice %arg4[%multiple_of3A_144, %dma_start3A_152] : memref<8192x1024xf32, #tpu.memory_space<hbm>> -> memref<32x1024xf32, #tpu.memory_space<hbm>>
    %dma_start3A_154 = arith.constant 0 : i32
    %dma_start3A_155 = arith.constant 0 : i32
    %dma_start3A_156 = tpu.memref_slice %arg6[%dma_start3A_145, %dma_start3A_154, %dma_start3A_155] : memref<2x32x1024xf32, #tpu.memory_space<vmem>> -> memref<1x32x1024xf32, #tpu.memory_space<vmem>>
    %dma_start3A_157 = tpu.memref_squeeze %dma_start3A_156 : memref<1x32x1024xf32, #tpu.memory_space<vmem>> -> memref<32x1024xf32, #tpu.memory_space<vmem>>
    tpu.enqueue_dma source(%dma_start3A_157 : memref<32x1024xf32, #tpu.memory_space<vmem>>) target(%dma_start3A_153 : memref<32x1024xf32, #tpu.memory_space<hbm>>) target_semaphore(%arg9 : memref<!tpu.dma_semaphore, #tpu.memory_space<semaphore_mem>>)
    %dma_wait3A_158 = arith.constant 0 : i32
    %dma_wait3A_159 = arith.constant 0 : i32
    %dma_wait3A_160 = arith.constant 0 : i32
    %dma_wait3A_161 = tpu.memref_slice %arg6[%dma_wait3A_158, %dma_wait3A_159, %dma_wait3A_160] : memref<2x32x1024xf32, #tpu.memory_space<vmem>> -> memref<1x32x1024xf32, #tpu.memory_space<vmem>>
    %dma_wait3A_162 = tpu.memref_squeeze %dma_wait3A_161 : memref<1x32x1024xf32, #tpu.memory_space<vmem>> -> memref<32x1024xf32, #tpu.memory_space<vmem>>
    %dma_wait3A_163 = arith.constant 0 : i32
    %dma_wait3A_164 = tpu.memref_slice %arg4[%multiple_of3A_144, %dma_wait3A_163] : memref<8192x1024xf32, #tpu.memory_space<hbm>> -> memref<32x1024xf32, #tpu.memory_space<hbm>>
    %dma_wait3A_165 = arith.constant 0 : i32
    %dma_wait3A_166 = tpu.memref_slice %arg4[%multiple_of3A_144, %dma_wait3A_165] : memref<8192x1024xf32, #tpu.memory_space<hbm>> -> memref<32x1024xf32, #tpu.memory_space<hbm>>
    %dma_wait3A_167 = arith.constant 0 : i32
    %dma_wait3A_168 = arith.constant 0 : i32
    %dma_wait3A_169 = tpu.memref_slice %arg6[%dma_wait3A_158, %dma_wait3A_167, %dma_wait3A_168] : memref<2x32x1024xf32, #tpu.memory_space<vmem>> -> memref<1x32x1024xf32, #tpu.memory_space<vmem>>
    %dma_wait3A_170 = tpu.memref_squeeze %dma_wait3A_169 : memref<1x32x1024xf32, #tpu.memory_space<vmem>> -> memref<32x1024xf32, #tpu.memory_space<vmem>>
    tpu.wait_dma2 semaphore(%arg9 : memref<!tpu.dma_semaphore, #tpu.memory_space<semaphore_mem>>) src(%dma_wait3A_170 : memref<32x1024xf32, #tpu.memory_space<vmem>>) dst(%dma_wait3A_166 : memref<32x1024xf32, #tpu.memory_space<hbm>>)
    %dma_start3A_171 = arith.constant 4 : i32
    %dma_start3A_172 = arith.constant 0 : i32
    %dma_start3A_173 = arith.constant 0 : i32
    %dma_start3A_174 = arith.constant 0 : i32
    %dma_start3A_175 = tpu.memref_slice %arg6[%dma_start3A_172, %dma_start3A_173, %dma_start3A_174] : memref<2x32x1024xf32, #tpu.memory_space<vmem>> -> memref<1x32x1024xf32, #tpu.memory_space<vmem>>
    %dma_start3A_176 = tpu.memref_squeeze %dma_start3A_175 : memref<1x32x1024xf32, #tpu.memory_space<vmem>> -> memref<32x1024xf32, #tpu.memory_space<vmem>>
    %dma_start3A_177 = arith.constant 0 : i32
    %dma_start3A_178 = tpu.memref_slice %arg5[%dma_start3A_171, %dma_start3A_177] : memref<8x32xi32, #tpu.memory_space<vmem>> -> memref<1x32xi32, #tpu.memory_space<vmem>>
    %dma_start3A_179 = tpu.memref_squeeze %dma_start3A_178 : memref<1x32xi32, #tpu.memory_space<vmem>> -> memref<32xi32, #tpu.memory_space<vmem>>
    %dma_start3A_180 = arith.constant 0 : i32
    %dma_start3A_181 = arith.constant 0 : i32
    %dma_start3A_182 = tpu.memref_slice %arg2[%dma_start3A_180, %dma_start3A_181] : memref<12288x1024xf32, #tpu.memory_space<hbm>> -> memref<12288x1024xf32, #tpu.memory_space<hbm>>
    tpu.enqueue_indirect_dma source(%dma_start3A_182 : memref<12288x1024xf32, #tpu.memory_space<hbm>>) target(%dma_start3A_176 : memref<32x1024xf32, #tpu.memory_space<vmem>>) offsets(%dma_start3A_179 : memref<32xi32, #tpu.memory_space<vmem>>) semaphore(%arg7 : memref<!tpu.dma_semaphore, #tpu.memory_space<semaphore_mem>>)
    %dma_wait3A_183 = arith.constant 3 : i32
    %dma_wait3A_184 = arith.constant 1 : i32
    %dma_wait3A_185 = arith.constant 0 : i32
    %dma_wait3A_186 = arith.constant 0 : i32
    %dma_wait3A_187 = tpu.memref_slice %arg6[%dma_wait3A_184, %dma_wait3A_185, %dma_wait3A_186] : memref<2x32x1024xf32, #tpu.memory_space<vmem>> -> memref<1x32x1024xf32, #tpu.memory_space<vmem>>
    %dma_wait3A_188 = tpu.memref_squeeze %dma_wait3A_187 : memref<1x32x1024xf32, #tpu.memory_space<vmem>> -> memref<32x1024xf32, #tpu.memory_space<vmem>>
    %dma_wait3A_189 = arith.constant 0 : i32
    %dma_wait3A_190 = tpu.memref_slice %arg5[%dma_wait3A_183, %dma_wait3A_189] : memref<8x32xi32, #tpu.memory_space<vmem>> -> memref<1x32xi32, #tpu.memory_space<vmem>>
    %dma_wait3A_191 = tpu.memref_squeeze %dma_wait3A_190 : memref<1x32xi32, #tpu.memory_space<vmem>> -> memref<32xi32, #tpu.memory_space<vmem>>
    %dma_wait3A_192 = arith.constant 0 : i32
    %dma_wait3A_193 = arith.constant 0 : i32
    %dma_wait3A_194 = tpu.memref_slice %arg2[%dma_wait3A_192, %dma_wait3A_193] : memref<12288x1024xf32, #tpu.memory_space<hbm>> -> memref<12288x1024xf32, #tpu.memory_space<hbm>>
    tpu.wait_indirect_dma semaphore(%arg8 : memref<!tpu.dma_semaphore, #tpu.memory_space<semaphore_mem>>) src(%dma_wait3A_194 : memref<12288x1024xf32, #tpu.memory_space<hbm>>) dst(%dma_wait3A_188 : memref<32x1024xf32, #tpu.memory_space<vmem>>)
    %add3A_195 = arith.constant 96 : i32
    %add3A_196 = arith.addi %mul3A_2, %add3A_195 : i32
    %multiple_of3A_197 = tpu.assume_multiple %add3A_196, 8 : i32
    %dma_start3A_198 = arith.constant 1 : i32
    %dma_start3A_199 = arith.constant 0 : i32
    %dma_start3A_200 = arith.constant 0 : i32
    %dma_start3A_201 = tpu.memref_slice %arg6[%dma_start3A_198, %dma_start3A_199, %dma_start3A_200] : memref<2x32x1024xf32, #tpu.memory_space<vmem>> -> memref<1x32x1024xf32, #tpu.memory_space<vmem>>
    %dma_start3A_202 = tpu.memref_squeeze %dma_start3A_201 : memref<1x32x1024xf32, #tpu.memory_space<vmem>> -> memref<32x1024xf32, #tpu.memory_space<vmem>>
    %dma_start3A_203 = arith.constant 0 : i32
    %dma_start3A_204 = tpu.memref_slice %arg4[%multiple_of3A_197, %dma_start3A_203] : memref<8192x1024xf32, #tpu.memory_space<hbm>> -> memref<32x1024xf32, #tpu.memory_space<hbm>>
    %dma_start3A_205 = arith.constant 0 : i32
    %dma_start3A_206 = tpu.memref_slice %arg4[%multiple_of3A_197, %dma_start3A_205] : memref<8192x1024xf32, #tpu.memory_space<hbm>> -> memref<32x1024xf32, #tpu.memory_space<hbm>>
    %dma_start3A_207 = arith.constant 0 : i32
    %dma_start3A_208 = arith.constant 0 : i32
    %dma_start3A_209 = tpu.memref_slice %arg6[%dma_start3A_198, %dma_start3A_207, %dma_start3A_208] : memref<2x32x1024xf32, #tpu.memory_space<vmem>> -> memref<1x32x1024xf32, #tpu.memory_space<vmem>>
    %dma_start3A_210 = tpu.memref_squeeze %dma_start3A_209 : memref<1x32x1024xf32, #tpu.memory_space<vmem>> -> memref<32x1024xf32, #tpu.memory_space<vmem>>
    tpu.enqueue_dma source(%dma_start3A_210 : memref<32x1024xf32, #tpu.memory_space<vmem>>) target(%dma_start3A_206 : memref<32x1024xf32, #tpu.memory_space<hbm>>) target_semaphore(%arg10 : memref<!tpu.dma_semaphore, #tpu.memory_space<semaphore_mem>>)
    %dma_wait3A_211 = arith.constant 1 : i32
    %dma_wait3A_212 = arith.constant 0 : i32
    %dma_wait3A_213 = arith.constant 0 : i32
    %dma_wait3A_214 = tpu.memref_slice %arg6[%dma_wait3A_211, %dma_wait3A_212, %dma_wait3A_213] : memref<2x32x1024xf32, #tpu.memory_space<vmem>> -> memref<1x32x1024xf32, #tpu.memory_space<vmem>>
    %dma_wait3A_215 = tpu.memref_squeeze %dma_wait3A_214 : memref<1x32x1024xf32, #tpu.memory_space<vmem>> -> memref<32x1024xf32, #tpu.memory_space<vmem>>
    %dma_wait3A_216 = arith.constant 0 : i32
    %dma_wait3A_217 = tpu.memref_slice %arg4[%multiple_of3A_197, %dma_wait3A_216] : memref<8192x1024xf32, #tpu.memory_space<hbm>> -> memref<32x1024xf32, #tpu.memory_space<hbm>>
    %dma_wait3A_218 = arith.constant 0 : i32
    %dma_wait3A_219 = tpu.memref_slice %arg4[%multiple_of3A_197, %dma_wait3A_218] : memref<8192x1024xf32, #tpu.memory_space<hbm>> -> memref<32x1024xf32, #tpu.memory_space<hbm>>
    %dma_wait3A_220 = arith.constant 0 : i32
    %dma_wait3A_221 = arith.constant 0 : i32
    %dma_wait3A_222 = tpu.memref_slice %arg6[%dma_wait3A_211, %dma_wait3A_220, %dma_wait3A_221] : memref<2x32x1024xf32, #tpu.memory_space<vmem>> -> memref<1x32x1024xf32, #tpu.memory_space<vmem>>
    %dma_wait3A_223 = tpu.memref_squeeze %dma_wait3A_222 : memref<1x32x1024xf32, #tpu.memory_space<vmem>> -> memref<32x1024xf32, #tpu.memory_space<vmem>>
    tpu.wait_dma2 semaphore(%arg10 : memref<!tpu.dma_semaphore, #tpu.memory_space<semaphore_mem>>) src(%dma_wait3A_223 : memref<32x1024xf32, #tpu.memory_space<vmem>>) dst(%dma_wait3A_219 : memref<32x1024xf32, #tpu.memory_space<hbm>>)
    %dma_start3A_224 = arith.constant 5 : i32
    %dma_start3A_225 = arith.constant 1 : i32
    %dma_start3A_226 = arith.constant 0 : i32
    %dma_start3A_227 = arith.constant 0 : i32
    %dma_start3A_228 = tpu.memref_slice %arg6[%dma_start3A_225, %dma_start3A_226, %dma_start3A_227] : memref<2x32x1024xf32, #tpu.memory_space<vmem>> -> memref<1x32x1024xf32, #tpu.memory_space<vmem>>
    %dma_start3A_229 = tpu.memref_squeeze %dma_start3A_228 : memref<1x32x1024xf32, #tpu.memory_space<vmem>> -> memref<32x1024xf32, #tpu.memory_space<vmem>>
    %dma_start3A_230 = arith.constant 0 : i32
    %dma_start3A_231 = tpu.memref_slice %arg5[%dma_start3A_224, %dma_start3A_230] : memref<8x32xi32, #tpu.memory_space<vmem>> -> memref<1x32xi32, #tpu.memory_space<vmem>>
    %dma_start3A_232 = tpu.memref_squeeze %dma_start3A_231 : memref<1x32xi32, #tpu.memory_space<vmem>> -> memref<32xi32, #tpu.memory_space<vmem>>
    %dma_start3A_233 = arith.constant 0 : i32
    %dma_start3A_234 = arith.constant 0 : i32
    %dma_start3A_235 = tpu.memref_slice %arg2[%dma_start3A_233, %dma_start3A_234] : memref<12288x1024xf32, #tpu.memory_space<hbm>> -> memref<12288x1024xf32, #tpu.memory_space<hbm>>
    tpu.enqueue_indirect_dma source(%dma_start3A_235 : memref<12288x1024xf32, #tpu.memory_space<hbm>>) target(%dma_start3A_229 : memref<32x1024xf32, #tpu.memory_space<vmem>>) offsets(%dma_start3A_232 : memref<32xi32, #tpu.memory_space<vmem>>) semaphore(%arg8 : memref<!tpu.dma_semaphore, #tpu.memory_space<semaphore_mem>>)
    %dma_wait3A_236 = arith.constant 4 : i32
    %dma_wait3A_237 = arith.constant 0 : i32
    %dma_wait3A_238 = arith.constant 0 : i32
    %dma_wait3A_239 = arith.constant 0 : i32
    %dma_wait3A_240 = tpu.memref_slice %arg6[%dma_wait3A_237, %dma_wait3A_238, %dma_wait3A_239] : memref<2x32x1024xf32, #tpu.memory_space<vmem>> -> memref<1x32x1024xf32, #tpu.memory_space<vmem>>
    %dma_wait3A_241 = tpu.memref_squeeze %dma_wait3A_240 : memref<1x32x1024xf32, #tpu.memory_space<vmem>> -> memref<32x1024xf32, #tpu.memory_space<vmem>>
    %dma_wait3A_242 = arith.constant 0 : i32
    %dma_wait3A_243 = tpu.memref_slice %arg5[%dma_wait3A_236, %dma_wait3A_242] : memref<8x32xi32, #tpu.memory_space<vmem>> -> memref<1x32xi32, #tpu.memory_space<vmem>>
    %dma_wait3A_244 = tpu.memref_squeeze %dma_wait3A_243 : memref<1x32xi32, #tpu.memory_space<vmem>> -> memref<32xi32, #tpu.memory_space<vmem>>
    %dma_wait3A_245 = arith.constant 0 : i32
    %dma_wait3A_246 = arith.constant 0 : i32
    %dma_wait3A_247 = tpu.memref_slice %arg2[%dma_wait3A_245, %dma_wait3A_246] : memref<12288x1024xf32, #tpu.memory_space<hbm>> -> memref<12288x1024xf32, #tpu.memory_space<hbm>>
    tpu.wait_indirect_dma semaphore(%arg7 : memref<!tpu.dma_semaphore, #tpu.memory_space<semaphore_mem>>) src(%dma_wait3A_247 : memref<12288x1024xf32, #tpu.memory_space<hbm>>) dst(%dma_wait3A_241 : memref<32x1024xf32, #tpu.memory_space<vmem>>)
    %add3A_248 = arith.constant 128 : i32
    %add3A_249 = arith.addi %mul3A_2, %add3A_248 : i32
    %multiple_of3A_250 = tpu.assume_multiple %add3A_249, 8 : i32
    %dma_start3A_251 = arith.constant 0 : i32
    %dma_start3A_252 = arith.constant 0 : i32
    %dma_start3A_253 = arith.constant 0 : i32
    %dma_start3A_254 = tpu.memref_slice %arg6[%dma_start3A_251, %dma_start3A_252, %dma_start3A_253] : memref<2x32x1024xf32, #tpu.memory_space<vmem>> -> memref<1x32x1024xf32, #tpu.memory_space<vmem>>
    %dma_start3A_255 = tpu.memref_squeeze %dma_start3A_254 : memref<1x32x1024xf32, #tpu.memory_space<vmem>> -> memref<32x1024xf32, #tpu.memory_space<vmem>>
    %dma_start3A_256 = arith.constant 0 : i32
    %dma_start3A_257 = tpu.memref_slice %arg4[%multiple_of3A_250, %dma_start3A_256] : memref<8192x1024xf32, #tpu.memory_space<hbm>> -> memref<32x1024xf32, #tpu.memory_space<hbm>>
    %dma_start3A_258 = arith.constant 0 : i32
    %dma_start3A_259 = tpu.memref_slice %arg4[%multiple_of3A_250, %dma_start3A_258] : memref<8192x1024xf32, #tpu.memory_space<hbm>> -> memref<32x1024xf32, #tpu.memory_space<hbm>>
    %dma_start3A_260 = arith.constant 0 : i32
    %dma_start3A_261 = arith.constant 0 : i32
    %dma_start3A_262 = tpu.memref_slice %arg6[%dma_start3A_251, %dma_start3A_260, %dma_start3A_261] : memref<2x32x1024xf32, #tpu.memory_space<vmem>> -> memref<1x32x1024xf32, #tpu.memory_space<vmem>>
    %dma_start3A_263 = tpu.memref_squeeze %dma_start3A_262 : memref<1x32x1024xf32, #tpu.memory_space<vmem>> -> memref<32x1024xf32, #tpu.memory_space<vmem>>
    tpu.enqueue_dma source(%dma_start3A_263 : memref<32x1024xf32, #tpu.memory_space<vmem>>) target(%dma_start3A_259 : memref<32x1024xf32, #tpu.memory_space<hbm>>) target_semaphore(%arg9 : memref<!tpu.dma_semaphore, #tpu.memory_space<semaphore_mem>>)
    %dma_wait3A_264 = arith.constant 0 : i32
    %dma_wait3A_265 = arith.constant 0 : i32
    %dma_wait3A_266 = arith.constant 0 : i32
    %dma_wait3A_267 = tpu.memref_slice %arg6[%dma_wait3A_264, %dma_wait3A_265, %dma_wait3A_266] : memref<2x32x1024xf32, #tpu.memory_space<vmem>> -> memref<1x32x1024xf32, #tpu.memory_space<vmem>>
    %dma_wait3A_268 = tpu.memref_squeeze %dma_wait3A_267 : memref<1x32x1024xf32, #tpu.memory_space<vmem>> -> memref<32x1024xf32, #tpu.memory_space<vmem>>
    %dma_wait3A_269 = arith.constant 0 : i32
    %dma_wait3A_270 = tpu.memref_slice %arg4[%multiple_of3A_250, %dma_wait3A_269] : memref<8192x1024xf32, #tpu.memory_space<hbm>> -> memref<32x1024xf32, #tpu.memory_space<hbm>>
    %dma_wait3A_271 = arith.constant 0 : i32
    %dma_wait3A_272 = tpu.memref_slice %arg4[%multiple_of3A_250, %dma_wait3A_271] : memref<8192x1024xf32, #tpu.memory_space<hbm>> -> memref<32x1024xf32, #tpu.memory_space<hbm>>
    %dma_wait3A_273 = arith.constant 0 : i32
    %dma_wait3A_274 = arith.constant 0 : i32
    %dma_wait3A_275 = tpu.memref_slice %arg6[%dma_wait3A_264, %dma_wait3A_273, %dma_wait3A_274] : memref<2x32x1024xf32, #tpu.memory_space<vmem>> -> memref<1x32x1024xf32, #tpu.memory_space<vmem>>
    %dma_wait3A_276 = tpu.memref_squeeze %dma_wait3A_275 : memref<1x32x1024xf32, #tpu.memory_space<vmem>> -> memref<32x1024xf32, #tpu.memory_space<vmem>>
    tpu.wait_dma2 semaphore(%arg9 : memref<!tpu.dma_semaphore, #tpu.memory_space<semaphore_mem>>) src(%dma_wait3A_276 : memref<32x1024xf32, #tpu.memory_space<vmem>>) dst(%dma_wait3A_272 : memref<32x1024xf32, #tpu.memory_space<hbm>>)
    %dma_start3A_277 = arith.constant 6 : i32
    %dma_start3A_278 = arith.constant 0 : i32
    %dma_start3A_279 = arith.constant 0 : i32
    %dma_start3A_280 = arith.constant 0 : i32
    %dma_start3A_281 = tpu.memref_slice %arg6[%dma_start3A_278, %dma_start3A_279, %dma_start3A_280] : memref<2x32x1024xf32, #tpu.memory_space<vmem>> -> memref<1x32x1024xf32, #tpu.memory_space<vmem>>
    %dma_start3A_282 = tpu.memref_squeeze %dma_start3A_281 : memref<1x32x1024xf32, #tpu.memory_space<vmem>> -> memref<32x1024xf32, #tpu.memory_space<vmem>>
    %dma_start3A_283 = arith.constant 0 : i32
    %dma_start3A_284 = tpu.memref_slice %arg5[%dma_start3A_277, %dma_start3A_283] : memref<8x32xi32, #tpu.memory_space<vmem>> -> memref<1x32xi32, #tpu.memory_space<vmem>>
    %dma_start3A_285 = tpu.memref_squeeze %dma_start3A_284 : memref<1x32xi32, #tpu.memory_space<vmem>> -> memref<32xi32, #tpu.memory_space<vmem>>
    %dma_start3A_286 = arith.constant 0 : i32
    %dma_start3A_287 = arith.constant 0 : i32
    %dma_start3A_288 = tpu.memref_slice %arg2[%dma_start3A_286, %dma_start3A_287] : memref<12288x1024xf32, #tpu.memory_space<hbm>> -> memref<12288x1024xf32, #tpu.memory_space<hbm>>
    tpu.enqueue_indirect_dma source(%dma_start3A_288 : memref<12288x1024xf32, #tpu.memory_space<hbm>>) target(%dma_start3A_282 : memref<32x1024xf32, #tpu.memory_space<vmem>>) offsets(%dma_start3A_285 : memref<32xi32, #tpu.memory_space<vmem>>) semaphore(%arg7 : memref<!tpu.dma_semaphore, #tpu.memory_space<semaphore_mem>>)
    %dma_wait3A_289 = arith.constant 5 : i32
    %dma_wait3A_290 = arith.constant 1 : i32
    %dma_wait3A_291 = arith.constant 0 : i32
    %dma_wait3A_292 = arith.constant 0 : i32
    %dma_wait3A_293 = tpu.memref_slice %arg6[%dma_wait3A_290, %dma_wait3A_291, %dma_wait3A_292] : memref<2x32x1024xf32, #tpu.memory_space<vmem>> -> memref<1x32x1024xf32, #tpu.memory_space<vmem>>
    %dma_wait3A_294 = tpu.memref_squeeze %dma_wait3A_293 : memref<1x32x1024xf32, #tpu.memory_space<vmem>> -> memref<32x1024xf32, #tpu.memory_space<vmem>>
    %dma_wait3A_295 = arith.constant 0 : i32
    %dma_wait3A_296 = tpu.memref_slice %arg5[%dma_wait3A_289, %dma_wait3A_295] : memref<8x32xi32, #tpu.memory_space<vmem>> -> memref<1x32xi32, #tpu.memory_space<vmem>>
    %dma_wait3A_297 = tpu.memref_squeeze %dma_wait3A_296 : memref<1x32xi32, #tpu.memory_space<vmem>> -> memref<32xi32, #tpu.memory_space<vmem>>
    %dma_wait3A_298 = arith.constant 0 : i32
    %dma_wait3A_299 = arith.constant 0 : i32
    %dma_wait3A_300 = tpu.memref_slice %arg2[%dma_wait3A_298, %dma_wait3A_299] : memref<12288x1024xf32, #tpu.memory_space<hbm>> -> memref<12288x1024xf32, #tpu.memory_space<hbm>>
    tpu.wait_indirect_dma semaphore(%arg8 : memref<!tpu.dma_semaphore, #tpu.memory_space<semaphore_mem>>) src(%dma_wait3A_300 : memref<12288x1024xf32, #tpu.memory_space<hbm>>) dst(%dma_wait3A_294 : memref<32x1024xf32, #tpu.memory_space<vmem>>)
    %add3A_301 = arith.constant 160 : i32
    %add3A_302 = arith.addi %mul3A_2, %add3A_301 : i32
    %multiple_of3A_303 = tpu.assume_multiple %add3A_302, 8 : i32
    %dma_start3A_304 = arith.constant 1 : i32
    %dma_start3A_305 = arith.constant 0 : i32
    %dma_start3A_306 = arith.constant 0 : i32
    %dma_start3A_307 = tpu.memref_slice %arg6[%dma_start3A_304, %dma_start3A_305, %dma_start3A_306] : memref<2x32x1024xf32, #tpu.memory_space<vmem>> -> memref<1x32x1024xf32, #tpu.memory_space<vmem>>
    %dma_start3A_308 = tpu.memref_squeeze %dma_start3A_307 : memref<1x32x1024xf32, #tpu.memory_space<vmem>> -> memref<32x1024xf32, #tpu.memory_space<vmem>>
    %dma_start3A_309 = arith.constant 0 : i32
    %dma_start3A_310 = tpu.memref_slice %arg4[%multiple_of3A_303, %dma_start3A_309] : memref<8192x1024xf32, #tpu.memory_space<hbm>> -> memref<32x1024xf32, #tpu.memory_space<hbm>>
    %dma_start3A_311 = arith.constant 0 : i32
    %dma_start3A_312 = tpu.memref_slice %arg4[%multiple_of3A_303, %dma_start3A_311] : memref<8192x1024xf32, #tpu.memory_space<hbm>> -> memref<32x1024xf32, #tpu.memory_space<hbm>>
    %dma_start3A_313 = arith.constant 0 : i32
    %dma_start3A_314 = arith.constant 0 : i32
    %dma_start3A_315 = tpu.memref_slice %arg6[%dma_start3A_304, %dma_start3A_313, %dma_start3A_314] : memref<2x32x1024xf32, #tpu.memory_space<vmem>> -> memref<1x32x1024xf32, #tpu.memory_space<vmem>>
    %dma_start3A_316 = tpu.memref_squeeze %dma_start3A_315 : memref<1x32x1024xf32, #tpu.memory_space<vmem>> -> memref<32x1024xf32, #tpu.memory_space<vmem>>
    tpu.enqueue_dma source(%dma_start3A_316 : memref<32x1024xf32, #tpu.memory_space<vmem>>) target(%dma_start3A_312 : memref<32x1024xf32, #tpu.memory_space<hbm>>) target_semaphore(%arg10 : memref<!tpu.dma_semaphore, #tpu.memory_space<semaphore_mem>>)
    %dma_wait3A_317 = arith.constant 1 : i32
    %dma_wait3A_318 = arith.constant 0 : i32
    %dma_wait3A_319 = arith.constant 0 : i32
    %dma_wait3A_320 = tpu.memref_slice %arg6[%dma_wait3A_317, %dma_wait3A_318, %dma_wait3A_319] : memref<2x32x1024xf32, #tpu.memory_space<vmem>> -> memref<1x32x1024xf32, #tpu.memory_space<vmem>>
    %dma_wait3A_321 = tpu.memref_squeeze %dma_wait3A_320 : memref<1x32x1024xf32, #tpu.memory_space<vmem>> -> memref<32x1024xf32, #tpu.memory_space<vmem>>
    %dma_wait3A_322 = arith.constant 0 : i32
    %dma_wait3A_323 = tpu.memref_slice %arg4[%multiple_of3A_303, %dma_wait3A_322] : memref<8192x1024xf32, #tpu.memory_space<hbm>> -> memref<32x1024xf32, #tpu.memory_space<hbm>>
    %dma_wait3A_324 = arith.constant 0 : i32
    %dma_wait3A_325 = tpu.memref_slice %arg4[%multiple_of3A_303, %dma_wait3A_324] : memref<8192x1024xf32, #tpu.memory_space<hbm>> -> memref<32x1024xf32, #tpu.memory_space<hbm>>
    %dma_wait3A_326 = arith.constant 0 : i32
    %dma_wait3A_327 = arith.constant 0 : i32
    %dma_wait3A_328 = tpu.memref_slice %arg6[%dma_wait3A_317, %dma_wait3A_326, %dma_wait3A_327] : memref<2x32x1024xf32, #tpu.memory_space<vmem>> -> memref<1x32x1024xf32, #tpu.memory_space<vmem>>
    %dma_wait3A_329 = tpu.memref_squeeze %dma_wait3A_328 : memref<1x32x1024xf32, #tpu.memory_space<vmem>> -> memref<32x1024xf32, #tpu.memory_space<vmem>>
    tpu.wait_dma2 semaphore(%arg10 : memref<!tpu.dma_semaphore, #tpu.memory_space<semaphore_mem>>) src(%dma_wait3A_329 : memref<32x1024xf32, #tpu.memory_space<vmem>>) dst(%dma_wait3A_325 : memref<32x1024xf32, #tpu.memory_space<hbm>>)
    %dma_start3A_330 = arith.constant 7 : i32
    %dma_start3A_331 = arith.constant 1 : i32
    %dma_start3A_332 = arith.constant 0 : i32
    %dma_start3A_333 = arith.constant 0 : i32
    %dma_start3A_334 = tpu.memref_slice %arg6[%dma_start3A_331, %dma_start3A_332, %dma_start3A_333] : memref<2x32x1024xf32, #tpu.memory_space<vmem>> -> memref<1x32x1024xf32, #tpu.memory_space<vmem>>
    %dma_start3A_335 = tpu.memref_squeeze %dma_start3A_334 : memref<1x32x1024xf32, #tpu.memory_space<vmem>> -> memref<32x1024xf32, #tpu.memory_space<vmem>>
    %dma_start3A_336 = arith.constant 0 : i32
    %dma_start3A_337 = tpu.memref_slice %arg5[%dma_start3A_330, %dma_start3A_336] : memref<8x32xi32, #tpu.memory_space<vmem>> -> memref<1x32xi32, #tpu.memory_space<vmem>>
    %dma_start3A_338 = tpu.memref_squeeze %dma_start3A_337 : memref<1x32xi32, #tpu.memory_space<vmem>> -> memref<32xi32, #tpu.memory_space<vmem>>
    %dma_start3A_339 = arith.constant 0 : i32
    %dma_start3A_340 = arith.constant 0 : i32
    %dma_start3A_341 = tpu.memref_slice %arg2[%dma_start3A_339, %dma_start3A_340] : memref<12288x1024xf32, #tpu.memory_space<hbm>> -> memref<12288x1024xf32, #tpu.memory_space<hbm>>
    tpu.enqueue_indirect_dma source(%dma_start3A_341 : memref<12288x1024xf32, #tpu.memory_space<hbm>>) target(%dma_start3A_335 : memref<32x1024xf32, #tpu.memory_space<vmem>>) offsets(%dma_start3A_338 : memref<32xi32, #tpu.memory_space<vmem>>) semaphore(%arg8 : memref<!tpu.dma_semaphore, #tpu.memory_space<semaphore_mem>>)
    %dma_wait3A_342 = arith.constant 6 : i32
    %dma_wait3A_343 = arith.constant 0 : i32
    %dma_wait3A_344 = arith.constant 0 : i32
    %dma_wait3A_345 = arith.constant 0 : i32
    %dma_wait3A_346 = tpu.memref_slice %arg6[%dma_wait3A_343, %dma_wait3A_344, %dma_wait3A_345] : memref<2x32x1024xf32, #tpu.memory_space<vmem>> -> memref<1x32x1024xf32, #tpu.memory_space<vmem>>
    %dma_wait3A_347 = tpu.memref_squeeze %dma_wait3A_346 : memref<1x32x1024xf32, #tpu.memory_space<vmem>> -> memref<32x1024xf32, #tpu.memory_space<vmem>>
    %dma_wait3A_348 = arith.constant 0 : i32
    %dma_wait3A_349 = tpu.memref_slice %arg5[%dma_wait3A_342, %dma_wait3A_348] : memref<8x32xi32, #tpu.memory_space<vmem>> -> memref<1x32xi32, #tpu.memory_space<vmem>>
    %dma_wait3A_350 = tpu.memref_squeeze %dma_wait3A_349 : memref<1x32xi32, #tpu.memory_space<vmem>> -> memref<32xi32, #tpu.memory_space<vmem>>
    %dma_wait3A_351 = arith.constant 0 : i32
    %dma_wait3A_352 = arith.constant 0 : i32
    %dma_wait3A_353 = tpu.memref_slice %arg2[%dma_wait3A_351, %dma_wait3A_352] : memref<12288x1024xf32, #tpu.memory_space<hbm>> -> memref<12288x1024xf32, #tpu.memory_space<hbm>>
    tpu.wait_indirect_dma semaphore(%arg7 : memref<!tpu.dma_semaphore, #tpu.memory_space<semaphore_mem>>) src(%dma_wait3A_353 : memref<12288x1024xf32, #tpu.memory_space<hbm>>) dst(%dma_wait3A_347 : memref<32x1024xf32, #tpu.memory_space<vmem>>)
    %add3A_354 = arith.constant 192 : i32
    %add3A_355 = arith.addi %mul3A_2, %add3A_354 : i32
    %multiple_of3A_356 = tpu.assume_multiple %add3A_355, 8 : i32
    %dma_start3A_357 = arith.constant 0 : i32
    %dma_start3A_358 = arith.constant 0 : i32
    %dma_start3A_359 = arith.constant 0 : i32
    %dma_start3A_360 = tpu.memref_slice %arg6[%dma_start3A_357, %dma_start3A_358, %dma_start3A_359] : memref<2x32x1024xf32, #tpu.memory_space<vmem>> -> memref<1x32x1024xf32, #tpu.memory_space<vmem>>
    %dma_start3A_361 = tpu.memref_squeeze %dma_start3A_360 : memref<1x32x1024xf32, #tpu.memory_space<vmem>> -> memref<32x1024xf32, #tpu.memory_space<vmem>>
    %dma_start3A_362 = arith.constant 0 : i32
    %dma_start3A_363 = tpu.memref_slice %arg4[%multiple_of3A_356, %dma_start3A_362] : memref<8192x1024xf32, #tpu.memory_space<hbm>> -> memref<32x1024xf32, #tpu.memory_space<hbm>>
    %dma_start3A_364 = arith.constant 0 : i32
    %dma_start3A_365 = tpu.memref_slice %arg4[%multiple_of3A_356, %dma_start3A_364] : memref<8192x1024xf32, #tpu.memory_space<hbm>> -> memref<32x1024xf32, #tpu.memory_space<hbm>>
    %dma_start3A_366 = arith.constant 0 : i32
    %dma_start3A_367 = arith.constant 0 : i32
    %dma_start3A_368 = tpu.memref_slice %arg6[%dma_start3A_357, %dma_start3A_366, %dma_start3A_367] : memref<2x32x1024xf32, #tpu.memory_space<vmem>> -> memref<1x32x1024xf32, #tpu.memory_space<vmem>>
    %dma_start3A_369 = tpu.memref_squeeze %dma_start3A_368 : memref<1x32x1024xf32, #tpu.memory_space<vmem>> -> memref<32x1024xf32, #tpu.memory_space<vmem>>
    tpu.enqueue_dma source(%dma_start3A_369 : memref<32x1024xf32, #tpu.memory_space<vmem>>) target(%dma_start3A_365 : memref<32x1024xf32, #tpu.memory_space<hbm>>) target_semaphore(%arg9 : memref<!tpu.dma_semaphore, #tpu.memory_space<semaphore_mem>>)
    %dma_wait3A_370 = arith.constant 7 : i32
    %dma_wait3A_371 = arith.constant 1 : i32
    %dma_wait3A_372 = arith.constant 0 : i32
    %dma_wait3A_373 = arith.constant 0 : i32
    %dma_wait3A_374 = tpu.memref_slice %arg6[%dma_wait3A_371, %dma_wait3A_372, %dma_wait3A_373] : memref<2x32x1024xf32, #tpu.memory_space<vmem>> -> memref<1x32x1024xf32, #tpu.memory_space<vmem>>
    %dma_wait3A_375 = tpu.memref_squeeze %dma_wait3A_374 : memref<1x32x1024xf32, #tpu.memory_space<vmem>> -> memref<32x1024xf32, #tpu.memory_space<vmem>>
    %dma_wait3A_376 = arith.constant 0 : i32
    %dma_wait3A_377 = tpu.memref_slice %arg5[%dma_wait3A_370, %dma_wait3A_376] : memref<8x32xi32, #tpu.memory_space<vmem>> -> memref<1x32xi32, #tpu.memory_space<vmem>>
    %dma_wait3A_378 = tpu.memref_squeeze %dma_wait3A_377 : memref<1x32xi32, #tpu.memory_space<vmem>> -> memref<32xi32, #tpu.memory_space<vmem>>
    %dma_wait3A_379 = arith.constant 0 : i32
    %dma_wait3A_380 = arith.constant 0 : i32
    %dma_wait3A_381 = tpu.memref_slice %arg2[%dma_wait3A_379, %dma_wait3A_380] : memref<12288x1024xf32, #tpu.memory_space<hbm>> -> memref<12288x1024xf32, #tpu.memory_space<hbm>>
    tpu.wait_indirect_dma semaphore(%arg8 : memref<!tpu.dma_semaphore, #tpu.memory_space<semaphore_mem>>) src(%dma_wait3A_381 : memref<12288x1024xf32, #tpu.memory_space<hbm>>) dst(%dma_wait3A_375 : memref<32x1024xf32, #tpu.memory_space<vmem>>)
    %add3A_382 = arith.constant 224 : i32
    %add3A_383 = arith.addi %mul3A_2, %add3A_382 : i32
    %multiple_of3A_384 = tpu.assume_multiple %add3A_383, 8 : i32
    %dma_start3A_385 = arith.constant 1 : i32
    %dma_start3A_386 = arith.constant 0 : i32
    %dma_start3A_387 = arith.constant 0 : i32
    %dma_start3A_388 = tpu.memref_slice %arg6[%dma_start3A_385, %dma_start3A_386, %dma_start3A_387] : memref<2x32x1024xf32, #tpu.memory_space<vmem>> -> memref<1x32x1024xf32, #tpu.memory_space<vmem>>
    %dma_start3A_389 = tpu.memref_squeeze %dma_start3A_388 : memref<1x32x1024xf32, #tpu.memory_space<vmem>> -> memref<32x1024xf32, #tpu.memory_space<vmem>>
    %dma_start3A_390 = arith.constant 0 : i32
    %dma_start3A_391 = tpu.memref_slice %arg4[%multiple_of3A_384, %dma_start3A_390] : memref<8192x1024xf32, #tpu.memory_space<hbm>> -> memref<32x1024xf32, #tpu.memory_space<hbm>>
    %dma_start3A_392 = arith.constant 0 : i32
    %dma_start3A_393 = tpu.memref_slice %arg4[%multiple_of3A_384, %dma_start3A_392] : memref<8192x1024xf32, #tpu.memory_space<hbm>> -> memref<32x1024xf32, #tpu.memory_space<hbm>>
    %dma_start3A_394 = arith.constant 0 : i32
    %dma_start3A_395 = arith.constant 0 : i32
    %dma_start3A_396 = tpu.memref_slice %arg6[%dma_start3A_385, %dma_start3A_394, %dma_start3A_395] : memref<2x32x1024xf32, #tpu.memory_space<vmem>> -> memref<1x32x1024xf32, #tpu.memory_space<vmem>>
    %dma_start3A_397 = tpu.memref_squeeze %dma_start3A_396 : memref<1x32x1024xf32, #tpu.memory_space<vmem>> -> memref<32x1024xf32, #tpu.memory_space<vmem>>
    tpu.enqueue_dma source(%dma_start3A_397 : memref<32x1024xf32, #tpu.memory_space<vmem>>) target(%dma_start3A_393 : memref<32x1024xf32, #tpu.memory_space<hbm>>) target_semaphore(%arg10 : memref<!tpu.dma_semaphore, #tpu.memory_space<semaphore_mem>>)
    %dma_wait3A_398 = arith.constant 0 : i32
    %dma_wait3A_399 = arith.constant 0 : i32
    %dma_wait3A_400 = arith.constant 0 : i32
    %dma_wait3A_401 = tpu.memref_slice %arg6[%dma_wait3A_398, %dma_wait3A_399, %dma_wait3A_400] : memref<2x32x1024xf32, #tpu.memory_space<vmem>> -> memref<1x32x1024xf32, #tpu.memory_space<vmem>>
    %dma_wait3A_402 = tpu.memref_squeeze %dma_wait3A_401 : memref<1x32x1024xf32, #tpu.memory_space<vmem>> -> memref<32x1024xf32, #tpu.memory_space<vmem>>
    %dma_wait3A_403 = arith.constant 0 : i32
    %dma_wait3A_404 = tpu.memref_slice %arg4[%multiple_of3A_356, %dma_wait3A_403] : memref<8192x1024xf32, #tpu.memory_space<hbm>> -> memref<32x1024xf32, #tpu.memory_space<hbm>>
    %dma_wait3A_405 = arith.constant 0 : i32
    %dma_wait3A_406 = tpu.memref_slice %arg4[%multiple_of3A_356, %dma_wait3A_405] : memref<8192x1024xf32, #tpu.memory_space<hbm>> -> memref<32x1024xf32, #tpu.memory_space<hbm>>
    %dma_wait3A_407 = arith.constant 0 : i32
    %dma_wait3A_408 = arith.constant 0 : i32
    %dma_wait3A_409 = tpu.memref_slice %arg6[%dma_wait3A_398, %dma_wait3A_407, %dma_wait3A_408] : memref<2x32x1024xf32, #tpu.memory_space<vmem>> -> memref<1x32x1024xf32, #tpu.memory_space<vmem>>
    %dma_wait3A_410 = tpu.memref_squeeze %dma_wait3A_409 : memref<1x32x1024xf32, #tpu.memory_space<vmem>> -> memref<32x1024xf32, #tpu.memory_space<vmem>>
    tpu.wait_dma2 semaphore(%arg9 : memref<!tpu.dma_semaphore, #tpu.memory_space<semaphore_mem>>) src(%dma_wait3A_410 : memref<32x1024xf32, #tpu.memory_space<vmem>>) dst(%dma_wait3A_406 : memref<32x1024xf32, #tpu.memory_space<hbm>>)
    %dma_wait3A_411 = arith.constant 1 : i32
    %dma_wait3A_412 = arith.constant 0 : i32
    %dma_wait3A_413 = arith.constant 0 : i32
    %dma_wait3A_414 = tpu.memref_slice %arg6[%dma_wait3A_411, %dma_wait3A_412, %dma_wait3A_413] : memref<2x32x1024xf32, #tpu.memory_space<vmem>> -> memref<1x32x1024xf32, #tpu.memory_space<vmem>>
    %dma_wait3A_415 = tpu.memref_squeeze %dma_wait3A_414 : memref<1x32x1024xf32, #tpu.memory_space<vmem>> -> memref<32x1024xf32, #tpu.memory_space<vmem>>
    %dma_wait3A_416 = arith.constant 0 : i32
    %dma_wait3A_417 = tpu.memref_slice %arg4[%multiple_of3A_384, %dma_wait3A_416] : memref<8192x1024xf32, #tpu.memory_space<hbm>> -> memref<32x1024xf32, #tpu.memory_space<hbm>>
    %dma_wait3A_418 = arith.constant 0 : i32
    %dma_wait3A_419 = tpu.memref_slice %arg4[%multiple_of3A_384, %dma_wait3A_418] : memref<8192x1024xf32, #tpu.memory_space<hbm>> -> memref<32x1024xf32, #tpu.memory_space<hbm>>
    %dma_wait3A_420 = arith.constant 0 : i32
    %dma_wait3A_421 = arith.constant 0 : i32
    %dma_wait3A_422 = tpu.memref_slice %arg6[%dma_wait3A_411, %dma_wait3A_420, %dma_wait3A_421] : memref<2x32x1024xf32, #tpu.memory_space<vmem>> -> memref<1x32x1024xf32, #tpu.memory_space<vmem>>
    %dma_wait3A_423 = tpu.memref_squeeze %dma_wait3A_422 : memref<1x32x1024xf32, #tpu.memory_space<vmem>> -> memref<32x1024xf32, #tpu.memory_space<vmem>>
    tpu.wait_dma2 semaphore(%arg10 : memref<!tpu.dma_semaphore, #tpu.memory_space<semaphore_mem>>) src(%dma_wait3A_423 : memref<32x1024xf32, #tpu.memory_space<vmem>>) dst(%dma_wait3A_419 : memref<32x1024xf32, #tpu.memory_space<hbm>>)
    return
  }
}

module attributes {stable_mosaic.version = 14 : i64} {
  func.func @_moe_block_body(%arg0: i32, %arg1: memref<24xi32, #tpu.memory_space<smem>>, %arg2: memref<512x1024xf32, #tpu.memory_space<vmem>>, %arg3: memref<512x128xf32, #tpu.memory_space<vmem>>, %arg4: memref<1x512x1024xf32, #tpu.memory_space<vmem>>, %arg5: memref<1x1x512xf32, #tpu.memory_space<vmem>>, %arg6: memref<1x1024x512xf32, #tpu.memory_space<vmem>>, %arg7: memref<1x1x1024xf32, #tpu.memory_space<vmem>>, %arg8: memref<512x1024xf32, #tpu.memory_space<vmem>>) attributes {dimension_semantics = [#tpu.dimension_semantics<arbitrary>], iteration_bounds = array<i64: 24>, scalar_prefetch = 1 : i64, scratch_operands = 0 : i64, tpu.core_type = #tpu.core_type<tc>, window_params = [{transform_indices = @transform_0, window_bounds = array<i64: 512, 1024>}, {transform_indices = @transform_1, window_bounds = array<i64: 512, 128>}, {transform_indices = @transform_2, window_bounds = array<i64: 1, 512, 1024>}, {transform_indices = @transform_3, window_bounds = array<i64: 1, 1, 512>}, {transform_indices = @transform_4, window_bounds = array<i64: 1, 1024, 512>}, {transform_indices = @transform_5, window_bounds = array<i64: 1, 1, 1024>}, {transform_indices = @transform_6, window_bounds = array<i64: 512, 1024>}]} {
    %get3A = arith.index_cast %arg0 : i32 to index
    %get3A_0 = memref.load %arg1[%get3A] : memref<24xi32, #tpu.memory_space<smem>>
    %lt3A = arith.constant 8 : i32
    %lt3A_1 = arith.cmpi slt, %get3A_0, %lt3A : i32
    %convert_element_type3A = arith.extui %lt3A_1 : i1 to i32
    %cond3A = arith.constant 0 : i32
    %cond3A_2 = arith.cmpi ne, %convert_element_type3A, %cond3A : i32
    scf.if %cond3A_2 {
      %get3A_3 = arith.constant 0 : index
      %get3A_4 = arith.constant 0 : index
      %get3A_5 = vector.load %arg2[%get3A_3, %get3A_4] : memref<512x1024xf32, #tpu.memory_space<vmem>>, vector<512x1024xf32>
      %max3A = arith.constant 0.000000e+00 : f32
      %max3A_6 = vector.broadcast %max3A : f32 to vector<512x1024xf32>
      %max3A_7 = arith.maximumf %get3A_5, %max3A_6 : vector<512x1024xf32>
      %get3A_8 = arith.constant 0 : index
      %get3A_9 = arith.constant 0 : index
      %get3A_10 = arith.constant 0 : index
      %get3A_11 = vector.load %arg4[%get3A_8, %get3A_9, %get3A_10] : memref<1x512x1024xf32, #tpu.memory_space<vmem>>, vector<1x512x1024xf32>
      %get3A_12 = vector.shape_cast %get3A_11 : vector<1x512x1024xf32> to vector<512x1024xf32>
      %dot_general3A = arith.constant dense<0.000000e+00> : vector<512x512xf32>
      %dot_general3A_13 = tpu.matmul %max3A_7, %get3A_12, %dot_general3A {dimension_numbers = #tpu.dot_dimension_numbers<[1], [1], [0], [0], [0, 0, 1, 0], [], []>, transpose_lhs_hint = false} : vector<512x1024xf32>, vector<512x1024xf32>, vector<512x512xf32> -> vector<512x512xf32>
      %get3A_14 = arith.constant 0 : index
      %get3A_15 = arith.constant 0 : index
      %get3A_16 = arith.constant 0 : index
      %get3A_17 = vector.load %arg5[%get3A_14, %get3A_15, %get3A_16] : memref<1x1x512xf32, #tpu.memory_space<vmem>>, vector<1x1x512xf32>
      %get3A_18 = vector.shape_cast %get3A_17 : vector<1x1x512xf32> to vector<512xf32>
      %broadcast_in_dim3A = vector.shape_cast %get3A_18 : vector<512xf32> to vector<1x512xf32>
      %add3A = vector.broadcast %broadcast_in_dim3A : vector<1x512xf32> to vector<512x512xf32>
      %add3A_19 = arith.addf %dot_general3A_13, %add3A : vector<512x512xf32>
      %max3A_20 = arith.constant 0.000000e+00 : f32
      %max3A_21 = vector.broadcast %max3A_20 : f32 to vector<512x512xf32>
      %max3A_22 = arith.maximumf %add3A_19, %max3A_21 : vector<512x512xf32>
      %get3A_23 = arith.constant 0 : index
      %get3A_24 = arith.constant 0 : index
      %get3A_25 = arith.constant 0 : index
      %get3A_26 = vector.load %arg6[%get3A_23, %get3A_24, %get3A_25] : memref<1x1024x512xf32, #tpu.memory_space<vmem>>, vector<1x1024x512xf32>
      %get3A_27 = vector.shape_cast %get3A_26 : vector<1x1024x512xf32> to vector<1024x512xf32>
      %dot_general3A_28 = arith.constant dense<0.000000e+00> : vector<512x1024xf32>
      %dot_general3A_29 = tpu.matmul %max3A_22, %get3A_27, %dot_general3A_28 {dimension_numbers = #tpu.dot_dimension_numbers<[1], [1], [0], [0], [0, 0, 1, 0], [], []>, transpose_lhs_hint = false} : vector<512x512xf32>, vector<1024x512xf32>, vector<512x1024xf32> -> vector<512x1024xf32>
      %get3A_30 = arith.constant 0 : index
      %get3A_31 = arith.constant 0 : index
      %get3A_32 = arith.constant 0 : index
      %get3A_33 = vector.load %arg7[%get3A_30, %get3A_31, %get3A_32] : memref<1x1x1024xf32, #tpu.memory_space<vmem>>, vector<1x1x1024xf32>
      %get3A_34 = vector.shape_cast %get3A_33 : vector<1x1x1024xf32> to vector<1024xf32>
      %broadcast_in_dim3A_35 = vector.shape_cast %get3A_34 : vector<1024xf32> to vector<1x1024xf32>
      %add3A_36 = vector.broadcast %broadcast_in_dim3A_35 : vector<1x1024xf32> to vector<512x1024xf32>
      %add3A_37 = arith.addf %dot_general3A_29, %add3A_36 : vector<512x1024xf32>
      %get3A_38 = arith.constant 0 : index
      %get3A_39 = arith.constant 0 : index
      %get3A_40 = vector.load %arg3[%get3A_38, %get3A_39] : memref<512x128xf32, #tpu.memory_space<vmem>>, vector<512x1xf32>
      %mul3A = vector.broadcast %get3A_40 : vector<512x1xf32> to vector<512x1024xf32>
      %mul3A_41 = arith.mulf %mul3A, %add3A_37 : vector<512x1024xf32>
      %add3A_42 = arith.addf %get3A_5, %mul3A_41 : vector<512x1024xf32>
      %swap3A = arith.constant 0 : index
      %swap3A_43 = arith.constant 0 : index
      %swap3A_44 = vector.load %arg8[%swap3A, %swap3A_43] : memref<512x1024xf32, #tpu.memory_space<vmem>>, vector<512x1024xf32>
      tpu.vector_store %arg8[%swap3A, %swap3A_43], %add3A_42 {strides = array<i32>} : memref<512x1024xf32, #tpu.memory_space<vmem>>, vector<512x1024xf32>,
    } else {
    }
    return
  }
  func.func @transform_0(%arg0: i32, %arg1: memref<24xi32, #tpu.memory_space<smem>>) -> (i32, i32) {
    %get3A = arith.index_cast %arg0 : i32 to index
    %get3A_0 = memref.load %arg1[%get3A] : memref<24xi32, #tpu.memory_space<smem>>
    %lt3A = arith.constant 8 : i32
    %lt3A_1 = arith.cmpi slt, %get3A_0, %lt3A : i32
    %jit3A = arith.constant 0 : i32
    %select_n3A = arith.select %lt3A_1, %arg0, %jit3A : i32
    %c0_i32 = arith.constant 0 : i32
    %c0_i32_2 = arith.constant 0 : i32
    return %select_n3A, %c0_i32 : i32, i32
  }
  func.func @transform_1(%arg0: i32, %arg1: memref<24xi32, #tpu.memory_space<smem>>) -> (i32, i32) {
    %get3A = arith.index_cast %arg0 : i32 to index
    %get3A_0 = memref.load %arg1[%get3A] : memref<24xi32, #tpu.memory_space<smem>>
    %lt3A = arith.constant 8 : i32
    %lt3A_1 = arith.cmpi slt, %get3A_0, %lt3A : i32
    %jit3A = arith.constant 0 : i32
    %select_n3A = arith.select %lt3A_1, %arg0, %jit3A : i32
    %c0_i32 = arith.constant 0 : i32
    %c0_i32_2 = arith.constant 0 : i32
    return %select_n3A, %c0_i32 : i32, i32
  }
  func.func @transform_2(%arg0: i32, %arg1: memref<24xi32, #tpu.memory_space<smem>>) -> (i32, i32, i32) {
    %get3A = arith.index_cast %arg0 : i32 to index
    %get3A_0 = memref.load %arg1[%get3A] : memref<24xi32, #tpu.memory_space<smem>>
    %min3A = arith.constant 7 : i32
    %min3A_1 = arith.minsi %get3A_0, %min3A : i32
    %c0_i32 = arith.constant 0 : i32
    %c0_i32_2 = arith.constant 0 : i32
    %c0_i32_3 = arith.constant 0 : i32
    return %min3A_1, %c0_i32, %c0_i32_2 : i32, i32, i32
  }
  func.func @transform_3(%arg0: i32, %arg1: memref<24xi32, #tpu.memory_space<smem>>) -> (i32, i32, i32) {
    %get3A = arith.index_cast %arg0 : i32 to index
    %get3A_0 = memref.load %arg1[%get3A] : memref<24xi32, #tpu.memory_space<smem>>
    %min3A = arith.constant 7 : i32
    %min3A_1 = arith.minsi %get3A_0, %min3A : i32
    %c0_i32 = arith.constant 0 : i32
    %c0_i32_2 = arith.constant 0 : i32
    %c0_i32_3 = arith.constant 0 : i32
    return %min3A_1, %c0_i32, %c0_i32_2 : i32, i32, i32
  }
  func.func @transform_4(%arg0: i32, %arg1: memref<24xi32, #tpu.memory_space<smem>>) -> (i32, i32, i32) {
    %get3A = arith.index_cast %arg0 : i32 to index
    %get3A_0 = memref.load %arg1[%get3A] : memref<24xi32, #tpu.memory_space<smem>>
    %min3A = arith.constant 7 : i32
    %min3A_1 = arith.minsi %get3A_0, %min3A : i32
    %c0_i32 = arith.constant 0 : i32
    %c0_i32_2 = arith.constant 0 : i32
    %c0_i32_3 = arith.constant 0 : i32
    return %min3A_1, %c0_i32, %c0_i32_2 : i32, i32, i32
  }
  func.func @transform_5(%arg0: i32, %arg1: memref<24xi32, #tpu.memory_space<smem>>) -> (i32, i32, i32) {
    %get3A = arith.index_cast %arg0 : i32 to index
    %get3A_0 = memref.load %arg1[%get3A] : memref<24xi32, #tpu.memory_space<smem>>
    %min3A = arith.constant 7 : i32
    %min3A_1 = arith.minsi %get3A_0, %min3A : i32
    %c0_i32 = arith.constant 0 : i32
    %c0_i32_2 = arith.constant 0 : i32
    %c0_i32_3 = arith.constant 0 : i32
    return %min3A_1, %c0_i32, %c0_i32_2 : i32, i32, i32
  }
  func.func @transform_6(%arg0: i32, %arg1: memref<24xi32, #tpu.memory_space<smem>>) -> (i32, i32) {
    %c0_i32 = arith.constant 0 : i32
    %c0_i32_0 = arith.constant 0 : i32
    return %arg0, %c0_i32 : i32, i32
  }
}

</mosaic_0001>

<sc_bundles>
// kernel: kernel.5.cloned.1.call-start
scs
__scs_entry_jumppad:
0x0: {  	(pc) =	sbr.rel $0x88, $3  }
0x1: {  	(tag) =	ssettag $0x0;
	lr =	simm.s32 $0x1  }
0x2: {  	[smem:$0x3F9A] =	sst lr;
	_ =	strace $0xD0000000  }
0x3: {  	_ = 	snop  }
0x4: {  	_ = 	snop  }
0x5: {  	_ = 	snop  }
0x6: {  	_ = 	snop  }
0x7: {  	_ = 	snop  }
__scs_overlays_trampoline_lowered:
0x8: {  	[smem:$0x3FA9] =	sst s0  }
0x9: {  	[smem:$0x3FAA] =	sst s1  }
0xa: {  	[smem:$0x3FAB] =	sst s2  }
0xb: {  	[smem:$0x3FAC] =	sst s3  }
0xc: {  	[smem:$0x3FAD] =	sst s4  }
0xd: {  	[smem:$0x3FAE] =	sst s5  }
0xe: {  	[smem:$0x3FAF] =	sst s6  }
0xf: {  	[smem:$0x3FB0] =	sst s7  }
0x10: {  	[smem:$0x3FB1] =	sst s8  }
0x11: {  	[smem:$0x3FB2] =	sst s9;
	s0 =	simm.s32 @!p0 $0x0  }
0x12: {  	s1 =	sld [smem:$0x3F98];
	s0 =	simm.s32 @p0 $0x1  }
0x13: {  	[smem:$0x3FB3] =	sst s0;
	s0 =	simm.s32 @!p1 $0x0  }
0x14: {  	s2 =	sld [smem:$0x3F97];
	s0 =	simm.s32 @p1 $0x1  }
0x15: {  	[smem:$0x3FB4] =	sst s0;
	s0 =	simm.s32 @!p2 $0x0  }
0x16: {  	s3 =	sld [smem:$0x3FDB];
	s0 =	simm.s32 @p2 $0x1  }
0x17: {  	s4 =	simm.s32 $0x1BF5;
	[smem:$0x3FB6] =	sst s0  }
0x18: {  	s0 =	sld [smem:$0x3F99];
	_ =	swait.ge [sflag:s4], $0x0  }
0x19: {  	s7 =	sld [smem:$0x3F9A]  }
0x1a: {  	s8 =	sadd.s32 $0xFFFFE003, lr  }
0x1b: {  	s9 =	sadd.s32 $0xFFFFFEF7, lr;
	s5 =	simm.s32 $0xFFFFFFFF;
	p2 =	slt.u32 s8, $0xFFFFF086  }
0x1c: {  	p1 =	slt.u32 s9, $0xF7A;
	s5 =	simm.s32 @!p2 $0x0  }
0x1d: {  	s5 =	simm.s32 @p1 $0x1;
	p0 =	seq.s32 s7, s2  }
0x1e: {  	s7 =	smul.u32 @!p0 $0xF7A, s2;
	p2 =	seq.s32 @!p0 s5, $0x0  }
0x1f: {  	s9 =	smul.u32 $0xF7A, s1;
	s8 =	simm.s32 @!p0 $0x1BF5;
	p2 =	por !p2, p0  }
0x20: {  	[sflag:s8] =	ssyncset.s32 @!p0 $0xFFFFF086;
	s6 =	sadd.s32 @!p0 s3, s7;
	s7 =	simm.s32 @!p0 $0x108  }
0x21: {  	s3 =	sadd.s32 s3, s9;
	s6 =	sadd.s32 @!p0 $0x88, s6;
	s7 =	simm.s32 @p2 $0x1082  }
0x22: {  	[simem:s7], [sflag:s8] =	dma.local @!p0 [hbm:s6], $0xF7A  }
0x23: {  	s9 =	sor.u32 $0xD0000000, s2;
	s6 =	simm.s32 $0x108;
	_ =	swait.ge @!p0 [sflag:s8], $0x0  }
0x24: {  	s3 =	sadd.s32 $0x88, s3;
	s6 =	simm.s32 @!p1 $0x1082;
	[sflag:s4] =	ssyncset.s32 $0xFFFFF086  }
0x25: {  	[simem:s6], [sflag:s4] =	dma.local [hbm:s3], $0xF7A  }
0x26: {  	[smem:$0x3F9A] =	sst s1;
	(tag) =	ssettag s2;
	_ =	strace s9  }
0x27: {  	s1 =	sld [smem:$0x3FAA]  }
0x28: {  	s2 =	sld [smem:$0x3FAB]  }
0x29: {  	s4 =	sld [smem:$0x3FAD]  }
0x2a: {  	p0 =	seq.s32 s5, $0x0;
	s5 =	sld [smem:$0x3FAE]  }
0x2b: {  	s6 =	sld [smem:$0x3FAF]  }
0x2c: {  	s7 =	sld [smem:$0x3FB0]  }
0x2d: {  	s3 =	simm.s32 $0x108;
	s8 =	sld [smem:$0x3FB1]  }
0x2e: {  	s3 =	simm.s32 @!p0 $0x1082;
	s9 =	sld [smem:$0x3FB2]  }
0x2f: {  	lr =	sadd.s32 s0, s3;
	s0 =	sld [smem:$0x3FA9]  }
0x30: {  	s3 =	sld [smem:$0x3FAC]  }
0x31: {  	[smem:$0x3FB5] =	sst s10  }
0x32: {  	s10 =	sld [smem:$0x3FB3];
	_ =	sdelay $0x3  }
0x33: {  	p0 =	seq.s32 s10, $0x1;
	s10 =	sld [smem:$0x3FB5];
	_ =	sdelay $0x3  }
0x34: {  	[smem:$0x3FB5] =	sst s10  }
0x35: {  	s10 =	sld [smem:$0x3FB4];
	_ =	sdelay $0x3  }
0x36: {  	p1 =	seq.s32 s10, $0x1;
	s10 =	sld [smem:$0x3FB5];
	_ =	sdelay $0x3  }
0x37: {  	[smem:$0x3FB5] =	sst s10  }
0x38: {  	s10 =	sld [smem:$0x3FB6]  }
0x39: {  	_ = 	snop;
	(pc) =	sbr.ind lr, $3  }
0x3a: {  	_ = 	snop  }
0x3b: {  	_ = 	snop  }
0x3c: {  	p2 =	seq.s32 s10, $0x1;
	s10 =	sld [smem:$0x3FB5]  }
0x3d: {  	_ =	shalt  }
0x3e: {  	_ =	shalt  }
0x3f: {  	_ =	shalt  }
0x40: {  	_ =	shalt  }
0x41: {  	_ =	shalt  }
0x42: {  	_ =	shalt  }
0x43: {  	_ =	shalt  }
0x44: {  	_ =	shalt  }
0x45: {  	_ =	shalt  }
0x46: {  	_ =	shalt  }
0x47: {  	_ =	shalt  }
0x48: {  	_ =	shalt  }
0x49: {  	_ =	shalt  }
0x4a: {  	_ =	shalt  }
0x4b: {  	_ =	shalt  }
0x4c: {  	_ =	shalt  }
0x4d: {  	_ =	shalt  }
0x4e: {  	_ =	shalt  }
0x4f: {  	_ =	shalt  }
0x50: {  	_ =	shalt  }
0x51: {  	_ =	shalt  }
0x52: {  	_ =	shalt  }
0x53: {  	_ =	shalt  }
0x54: {  	_ =	shalt  }
0x55: {  	_ =	shalt  }
0x56: {  	_ =	shalt  }
0x57: {  	_ =	shalt  }
0x58: {  	_ =	shalt  }
0x59: {  	_ =	shalt  }
0x5a: {  	_ =	shalt  }
0x5b: {  	_ =	shalt  }
0x5c: {  	_ =	shalt  }
0x5d: {  	_ =	shalt  }
0x5e: {  	_ =	shalt  }
0x5f: {  	_ =	shalt  }
0x60: {  	_ =	shalt  }
0x61: {  	_ =	shalt  }
0x62: {  	_ =	shalt  }
0x63: {  	_ =	shalt  }
0x64: {  	_ =	shalt  }
0x65: {  	_ =	shalt  }
0x66: {  	_ =	shalt  }
0x67: {  	_ =	shalt  }
0x68: {  	_ =	shalt  }
0x69: {  	_ =	shalt  }
0x6a: {  	_ =	shalt  }
0x6b: {  	_ =	shalt  }
0x6c: {  	_ =	shalt  }
0x6d: {  	_ =	shalt  }
0x6e: {  	_ =	shalt  }
0x6f: {  	_ =	shalt  }
0x70: {  	_ =	shalt  }
0x71: {  	_ =	shalt  }
0x72: {  	_ =	shalt  }
0x73: {  	_ =	shalt  }
0x74: {  	_ =	shalt  }
0x75: {  	_ =	shalt  }
0x76: {  	_ =	shalt  }
0x77: {  	_ =	shalt  }
0x78: {  	_ =	shalt  }
0x79: {  	_ =	shalt  }
0x7a: {  	_ =	shalt  }
0x7b: {  	_ =	shalt  }
0x7c: {  	_ =	shalt  }
0x7d: {  	_ =	shalt  }
0x7e: {  	_ =	shalt  }
0x7f: {  	_ =	shalt  }
0x80: {  	_ =	shalt  }
0x81: {  	_ =	shalt  }
0x82: {  	_ =	shalt  }
0x83: {  	_ =	shalt  }
0x84: {  	_ =	shalt  }
0x85: {  	_ =	shalt  }
0x86: {  	_ =	shalt  }
0x87: {  	_ =	shalt  }
.Lfunc_end0:
.L_simem_size_0:
called_computation_lowered:
.L_overlay_start_0:
0x88: {  	s2 =	sld [smem:$0x3FD9]  }
0x89: {  	s3 =	sld [smem:$0x3FFE];
	_ =	sdelay $0x1  }
0x8a: {  	s1 =	srdreg.scid  }
0x8b: {  	s0 =	sand.u32 $0x1, s1  }
0x8c: {  	s17 =	sshll.u32 s0, $0xA;
	s2 =	sadd.s32 s3, s2  }
0x8d: {  	s2 =	sadd.s32 s2, s17  }
0x8e: {  	[smem:$0x3FC1] =	sst s2  }
0x8f: {  	_ = 	snop  }
0x90: {  	s2 =	sld [smem:$0x3FC9]  }
0x91: {  	s18 =	sld [smem:$0x3FD0];
	(tm) =	ssettm $0x1  }
0x92: {  	s4 =	sld [smem:$0x3FFB];
	_ =	sdelay $0x3  }
0x93: {  	_ =	strace s4  }
0x94: {  	s4 =	sld [smem:$0x3FFC];
	_ =	sdelay $0x3  }
0x95: {  	_ =	strace s4  }
0x96: {  	s4 =	sld [smem:$0x3FFD];
	_ =	sdelay $0x3  }
0x97: {  	_ =	strace s4  }
0x98: {  	_ =	strace $0x8FFFFFFF  }
0x99: {  	s19 =	sld [smem:$0x3FDB];
	_ =	sdelay $0x1  }
0x9a: {  	s5 =	simm.s32 $_scs_section_size  }
0x9b: {  	s6 =	simm.s32 $_size__tile_overlayer_lowered;
	s7 =	simm.s32 $_tile_overlayer_lowered  }
0x9c: {  	s22 =	simm.s32 $0x1BFF;
	s21 =	sshll.u32 s7, $0x1;
	s4 =	sadd.s32 s5, s19  }
0x9d: {  	s8 =	simm.s32 $0x0;
	s20 =	sshll.u32 s6, $0x1;
	s6 =	sadd.s32 s21, s4  }
0x9e: {  	[timem:s8], [sflag:s22] =	dma.local [hbm:s6], s20  }
0x9f: {  	_ =	swait.ge [sflag:s22], s20  }
0xa0: {  	s5 =	ssub.s32 $0x0, s20;
	[sflag:s22] =	ssyncset.done $0x0  }
0xa1: {  	[sflag:s22] =	ssyncadd.s32 s5;
	_ =	sdelay $0x1  }
0xa2: {  	s23 =	simm.s32 $0x1B8B  }
0xa3: {  	_ =	swait.ge [sflag:s23], $0x1  }
0xa4: {  	[sflag:s23] =	ssyncset.done $0x0  }
0xa5: {  	s25 =	simm.s32 $0x1B8E;
	s24 =	sld [smem:$0x3FFE];
	[sflag:s23] =	ssyncadd.s32 $0xFFFFFFFF  }
0xa6: {  	s26 =	simm.s32 $execute0_lowered;
	[smem:$0x3FD2] =	sst s25  }
0xa7: {  	s6 =	sshll.u32 s26, $0x1;
	_ =	strace $0x80000046;
	[dreg:$0x1] =	wrdreg $0xFFFFFFFF  }
0xa8: {  	s28 =	simm.s32 $_size_execute0_lowered;
	s4 =	sadd.s32 s4, s6;
	[dreg:$0x0] =	wrdreg $0x0  }
0xa9: {  	s6 =	sshll.u32 s28, $0x1;
	[dreg:$0x2] =	wrdreg s4  }
0xaa: {  	[dreg:$0x3] =	wrdreg s6  }
0xab: {  	[dreg:$0x4] =	wrdreg $0xC0  }
0xac: {  	_ =	task [dreg:s8], $0x5FFFF  }
0xad: {  	[dreg:$0x1] =	wrdreg $0xFFFFFFFF  }
0xae: {  	[dreg:$0x0] =	wrdreg $0x60  }
0xaf: {  	[dreg:$0x2] =	wrdreg s2  }
0xb0: {  	[dreg:$0x3] =	wrdreg s24  }
0xb1: {  	[dreg:$0x4] =	wrdreg s18  }
0xb2: {  	[dreg:$0x5] =	wrdreg $0x9  }
0xb3: {  	_ =	task.clear_ibuf [dreg:s8], $0x6FFFF;
	_ =	strace $0x90000046  }
0xb4: {  	s29 =	simm.s32 $0x9;
	_ =	strace $0x80000048  }
0xb5: {  	_ =	swait.ge [sflag:s29], $0x1  }
0xb6: {  	[sflag:s29] =	ssyncadd.s32 $0xFFFFFFFF  }
0xb7: {  	_ =	strace $0x90000048  }
0xb8: {  	_ =	sfence  }
0xb9: {  	s30 =	sld [smem:$0x0];
	_ =	sdelay $0x2  }
0xba: {  	s31 =	sshll.u32 s1, $0xD;
	s1 =	sshrl.u32 s1, $0x2  }
0xbb: {  	s3 =	sand.u32 $0x4000, s31;
	s1 =	sadd.s32 s1, s30  }
0xbc: {  	s0 =	sor.u32 s3, s0;
	s1 =	sshll.u32 s1, $0x11  }
0xbd: {  	s0 =	sor.u32 s1, s0  }
0xbe: {  	s0 =	sadd.s32 $0x8F2B, s0  }
0xbf: {  	[sflag:s0] =	ssyncadd.remote.s32 $0x1  }
0xc0: {  	_ =	sfence.sel $0xFFFF  }
0xc1: {  	[dreg:$0x0] =	wrdreg $0xFFFFFFFF;
	(pc) =	sbr.abs _section_cstart, $3  }
0xc2: {  	[dreg:$0x1] =	wrdreg $0xFFFFFFFF  }
0xc3: {  	_ =	task.clear_ibuf [dreg:s8], $0x2FFFF;
	_ =	strace $0x9FFFFFFF  }
0xc4: {  	(tm) =	ssettm $0x7FFFFFFF  }
0xc5: {  	_ =	shalt  }
tec
execute0_lowered:
.L_overlay_start_1:
0x0: {  	(tag) =	ssettag $0x1  }
0x1: {  	s0 =	rddreg [dreg:$0x0]  }
0x2: {  	s1 =	rddreg [dreg:$0x1]  }
0x3: {  	s2 =	srdreg.scid;
	s4 =	stileid.u32  }
0x4: {  	s3 =	simm.s32 $0x0;
	s28 =	simm.s32 $0x200;
	s11 =	simm.s32 $0x10200  }
0x5: {  	s29 =	simm.s32 $0x80;
	s30 =	simm.s32 $0x100;
	s31 =	simm.s32 $0x180  }
0x6: {  	s2 =	sand.u32 $0x1, s2;
	s4 =	sshll.u32 s4, $0x1;
	[smem:$0x7FF] =	sst s3  }
0x7: {  	s8 =	sadd.s32 $0x800, s1;
	_ =	strace $0x80000047;
	[dreg:$0xd] =	wrdreg s29  }
0x8: {  	s5 =	sor.u32 s2, s4;
	s4 =	sadd.s32 $0x20800, s1;
	[dreg:$0xe] =	wrdreg s30  }
0x9: {  	s2 =	ssub.s32 $0x2, s2;
	[dreg:$0xf] =	wrdreg s31;
	s6 =	sshll.u32 s5, $0x6  }
0xa: {  	s7 =	sshrl.u32 s2, $0x1;
	s16 =	sshll.u32 s5, $0xF;
	s9 =	sshll.u32 s5, $0xC  }
0xb: {  	s10 =	sshll.u32 s5, $0x5;
	s5 =	sadd.s32 $0x20900, s1;
	s6 =	sadd.s32 s1, s6  }
0xc: {  	s17 =	sadd.s32 s8, s9;
	s18 =	sor.u32 $0x8, s10;
	s2 =	ssub.s32 s2, s7  }
0xd: {  	s21 =	sor.u32 $0x10, s10;
	s10 =	sor.u32 $0x18, s10;
	[dreg:$0x4] =	wrdreg s6  }
0xe: {  	s6 =	sadd.s32 s0, s16;
	[dreg:$0x6] =	wrdreg s17;
	s19 =	sshll.u32 s18, $0xA  }
0xf: {  	s22 =	sshll.u32 s21, $0xA;
	s9 =	sshll.u32 s21, $0x7;
	s24 =	sshll.u32 s10, $0xA  }
0x10: {  	s25 =	sshll.u32 s10, $0x7;
	[dreg:$0x5] =	wrdreg s6;
	s7 =	sadd.s32 s0, s19  }
0x11: {  	s6 =	sshll.u32 s18, $0x7;
	s23 =	sadd.s32 s8, s9;
	[dreg:$0x7] =	wrdreg s7  }
0x12: {  	s26 =	sadd.s32 s8, s25;
	s9 =	simm.s32 $0x3;
	[dreg:$0xa] =	wrdreg s23  }
0x13: {  	s20 =	sadd.s32 s8, s6;
	s6 =	sadd.s32 $0x20A00, s1;
	[dreg:$0xc] =	wrdreg s26  }
0x14: {  	v2 =	vlaneseq.u32;
	s7 =	sadd.s32 s0, s22;
	s0 =	sadd.s32 s0, s24;
	[dreg:$0x8] =	wrdreg s20  }
0x15: {  	vm0 =	vmmov $0xffff;
	v1 =	vshrl.u32 v2, $0x3;
	s8 =	smax.u32 s2, $0x1;
	s22 =	simm.s32 $0x1;
	[dreg:$0x9] =	wrdreg s7  }
0x16: {  	v0 =	vand.u32 $0x7, v2;
	v2 =	vor.u32 $0x8, v2;
	v1 =	vmul.u32 $0x8, v1;
	s23 =	simm.s32 $0x2;
	s7 =	sadd.s32 $0x20B00, s1;
	[dreg:$0xb] =	wrdreg s0  }
.LBB2_1:
0x17: {  	s24 =	rddreg [dreg:$0x4]  }
0x18: {  	[tilespmem:s3], [sflag:$0x3] =	stream.linear.gather [hbm4b:s24+s3], $0x200, $0x38;
	[tilespmem:$0x12200] =	vst v63  }
0x19: {  	_ =	swait.ge [sflag:s9], $0x200  }
0x1a: {  	[sflag:s9] =	ssyncset.done $0x0  }
0x1b: {  	s25 =	rddreg [dreg:$0x5];
	[sflag:s9] =	ssyncadd.s32 $0xFFFFFE00  }
0x1c: {  	[tilespmem:s28], [sflag:$0x3] =	stream.linear.gather [hbm4b:s25+s3], $0x10000, $0x38;
	[tilespmem:$0x12200] =	vst v63  }
0x1d: {  	_ =	swait.ge [sflag:s9], $0x10000  }
0x1e: {  	[sflag:s9] =	ssyncset.done $0x0  }
0x1f: {  	s26 =	rddreg [dreg:$0x6];
	[sflag:s9] =	ssyncadd.s32 $0xFFFF0000  }
0x20: {  	[tilespmem:s11], [sflag:$0x3] =	stream.linear.gather [hbm4b:s26+s3], $0x2000, $0x38;
	[tilespmem:$0x12200] =	vst v63  }
0x21: {  	_ =	swait.ge [sflag:s9], $0x2000  }
0x22: {  	[sflag:s9] =	ssyncset.done $0x0  }
0x23: {  	[sflag:s9] =	ssyncadd.s32 $0xFFFFE000  }
0x24: {  	v3 =	vld [tilespmem:$0x0];
	_ =	sdelay $0x4  }
0x25: {  	v4 =	vshll.u32 v3, $0x3  }
0x26: {  	v3 =	vand.u32 $0x7, v3;
	v4 =	vand.u32 $0xFFFFFFC0, v4  }
0x27: {  	v3 =	vor.u32 v3, v4  }
0x28: {  	v4 =	vperm.xlane v3, v0;
	_ =	sdelay $0x1  }
0x29: {  	v4 =	vadd.s32 v1, v4;
	_ =	sdelay $0x4  }
0x2a: {  	[hbm4b:s4+s3] =	stream.indirect_vreg.scatter [tilespmem:s28], [sflag:$0x1], $0x80, v4, vm0, $0xb8;
	[tilespmem:$0x12200] =	vst v63  }
0x2b: {  	s0 =	simm.s32 $0xA00;
	v3 =	vperm.xlane v3, v2  }
0x2c: {  	[hbm4b:s5+s3] =	stream.indirect_vreg.scatter [tilespmem:s0], [sflag:$0x1], $0x80, v4, vm0, $0xb8;
	[tilespmem:$0x12200] =	vst v63  }
0x2d: {  	s29 =	simm.s32 $0x1200;
	v3 =	vadd.s32 v1, v3  }
0x2e: {  	[hbm4b:s6+s3] =	stream.indirect_vreg.scatter [tilespmem:s29], [sflag:$0x1], $0x80, v4, vm0, $0xb8;
	[tilespmem:$0x12200] =	vst v63  }
0x2f: {  	s30 =	simm.s32 $0x1A00  }
0x30: {  	[hbm4b:s7+s3] =	stream.indirect_vreg.scatter [tilespmem:s30], [sflag:$0x1], $0x80, v4, vm0, $0xb8;
	[tilespmem:$0x12200] =	vst v63  }
0x31: {  	s31 =	simm.s32 $0x2200  }
0x32: {  	[hbm4b:s4+s3] =	stream.indirect_vreg.scatter [tilespmem:s31], [sflag:$0x1], $0x80, v3, vm0, $0xb8;
	[tilespmem:$0x12200] =	vst v63  }
0x33: {  	s1 =	simm.s32 $0x2A00  }
0x34: {  	[hbm4b:s5+s3] =	stream.indirect_vreg.scatter [tilespmem:s1], [sflag:$0x1], $0x80, v3, vm0, $0xb8;
	[tilespmem:$0x12200] =	vst v63  }
0x35: {  	s2 =	simm.s32 $0x3200  }
0x36: {  	[hbm4b:s6+s3] =	stream.indirect_vreg.scatter [tilespmem:s2], [sflag:$0x1], $0x80, v3, vm0, $0xb8;
	[tilespmem:$0x12200] =	vst v63  }
0x37: {  	s10 =	simm.s32 $0x3A00  }
0x38: {  	[hbm4b:s7+s3] =	stream.indirect_vreg.scatter [tilespmem:s10], [sflag:$0x1], $0x80, v3, vm0, $0xb8;
	[tilespmem:$0x12200] =	vst v63  }
0x39: {  	v3 =	vld [tilespmem:$0x10];
	_ =	sdelay $0x4  }
0x3a: {  	v49 =	vshll.u32 v3, $0x3  }
0x3b: {  	v3 =	vand.u32 $0x7, v3;
	v4 =	vand.u32 $0xFFFFFFC0, v49  }
0x3c: {  	v3 =	vor.u32 v3, v4  }
0x3d: {  	v4 =	vperm.xlane v3, v0;
	_ =	sdelay $0x1  }
0x3e: {  	v4 =	vadd.s32 v1, v4;
	_ =	sdelay $0x3  }
0x3f: {  	s12 =	simm.s32 $0x4200  }
0x40: {  	[hbm4b:s4+s3] =	stream.indirect_vreg.scatter [tilespmem:s12], [sflag:$0x1], $0x80, v4, vm0, $0xb8;
	[tilespmem:$0x12200] =	vst v63  }
0x41: {  	s13 =	simm.s32 $0x4A00;
	v3 =	vperm.xlane v3, v2  }
0x42: {  	[hbm4b:s5+s3] =	stream.indirect_vreg.scatter [tilespmem:s13], [sflag:$0x1], $0x80, v4, vm0, $0xb8;
	[tilespmem:$0x12200] =	vst v63  }
0x43: {  	s14 =	simm.s32 $0x5200;
	v3 =	vadd.s32 v1, v3  }
0x44: {  	[hbm4b:s6+s3] =	stream.indirect_vreg.scatter [tilespmem:s14], [sflag:$0x1], $0x80, v4, vm0, $0xb8;
	[tilespmem:$0x12200] =	vst v63  }
0x45: {  	s15 =	simm.s32 $0x5A00  }
0x46: {  	[hbm4b:s7+s3] =	stream.indirect_vreg.scatter [tilespmem:s15], [sflag:$0x1], $0x80, v4, vm0, $0xb8;
	[tilespmem:$0x12200] =	vst v63  }
0x47: {  	s16 =	simm.s32 $0x6200  }
0x48: {  	[hbm4b:s4+s3] =	stream.indirect_vreg.scatter [tilespmem:s16], [sflag:$0x1], $0x80, v3, vm0, $0xb8;
	[tilespmem:$0x12200] =	vst v63  }
0x49: {  	s21 =	simm.s32 $0x6A00  }
0x4a: {  	[hbm4b:s5+s3] =	stream.indirect_vreg.scatter [tilespmem:s21], [sflag:$0x1], $0x80, v3, vm0, $0xb8;
	[tilespmem:$0x12200] =	vst v63  }
0x4b: {  	s24 =	simm.s32 $0x7200  }
0x4c: {  	[hbm4b:s6+s3] =	stream.indirect_vreg.scatter [tilespmem:s24], [sflag:$0x1], $0x80, v3, vm0, $0xb8;
	[tilespmem:$0x12200] =	vst v63  }
0x4d: {  	s25 =	simm.s32 $0x7A00  }
0x4e: {  	[hbm4b:s7+s3] =	stream.indirect_vreg.scatter [tilespmem:s25], [sflag:$0x1], $0x80, v3, vm0, $0xb8;
	[tilespmem:$0x12200] =	vst v63  }
0x4f: {  	v3 =	vld [tilespmem:$0x20];
	_ =	sdelay $0x4  }
0x50: {  	v50 =	vshll.u32 v3, $0x3  }
0x51: {  	v3 =	vand.u32 $0x7, v3;
	v4 =	vand.u32 $0xFFFFFFC0, v50  }
0x52: {  	v3 =	vor.u32 v3, v4  }
0x53: {  	v4 =	vperm.xlane v3, v0;
	_ =	sdelay $0x1  }
0x54: {  	v4 =	vadd.s32 v1, v4;
	_ =	sdelay $0x3  }
0x55: {  	s29 =	simm.s32 $0x8200  }
0x56: {  	[hbm4b:s4+s3] =	stream.indirect_vreg.scatter [tilespmem:s29], [sflag:$0x1], $0x80, v4, vm0, $0xb8;
	[tilespmem:$0x12200] =	vst v63  }
0x57: {  	s31 =	simm.s32 $0x8A00;
	v3 =	vperm.xlane v3, v2  }
0x58: {  	[hbm4b:s5+s3] =	stream.indirect_vreg.scatter [tilespmem:s31], [sflag:$0x1], $0x80, v4, vm0, $0xb8;
	[tilespmem:$0x12200] =	vst v63  }
0x59: {  	s15 =	simm.s32 $0x9200;
	v3 =	vadd.s32 v1, v3  }
0x5a: {  	[hbm4b:s6+s3] =	stream.indirect_vreg.scatter [tilespmem:s15], [sflag:$0x1], $0x80, v4, vm0, $0xb8;
	[tilespmem:$0x12200] =	vst v63  }
0x5b: {  	s16 =	simm.s32 $0x9A00  }
0x5c: {  	[hbm4b:s7+s3] =	stream.indirect_vreg.scatter [tilespmem:s16], [sflag:$0x1], $0x80, v4, vm0, $0xb8;
	[tilespmem:$0x12200] =	vst v63  }
0x5d: {  	s25 =	simm.s32 $0xA200  }
0x5e: {  	[hbm4b:s4+s3] =	stream.indirect_vreg.scatter [tilespmem:s25], [sflag:$0x1], $0x80, v3, vm0, $0xb8;
	[tilespmem:$0x12200] =	vst v63  }
0x5f: {  	s29 =	simm.s32 $0xAA00  }
0x60: {  	[hbm4b:s5+s3] =	stream.indirect_vreg.scatter [tilespmem:s29], [sflag:$0x1], $0x80, v3, vm0, $0xb8;
	[tilespmem:$0x12200] =	vst v63  }
0x61: {  	s31 =	simm.s32 $0xB200  }
0x62: {  	[hbm4b:s6+s3] =	stream.indirect_vreg.scatter [tilespmem:s31], [sflag:$0x1], $0x80, v3, vm0, $0xb8;
	[tilespmem:$0x12200] =	vst v63  }
0x63: {  	s15 =	simm.s32 $0xBA00  }
0x64: {  	[hbm4b:s7+s3] =	stream.indirect_vreg.scatter [tilespmem:s15], [sflag:$0x1], $0x80, v3, vm0, $0xb8;
	[tilespmem:$0x12200] =	vst v63  }
0x65: {  	v3 =	vld [tilespmem:$0x30];
	_ =	sdelay $0x4  }
0x66: {  	v51 =	vshll.u32 v3, $0x3  }
0x67: {  	v3 =	vand.u32 $0x7, v3;
	v4 =	vand.u32 $0xFFFFFFC0, v51  }
0x68: {  	v3 =	vor.u32 v3, v4  }
0x69: {  	v4 =	vperm.xlane v3, v0;
	_ =	sdelay $0x1  }
0x6a: {  	v4 =	vadd.s32 v1, v4;
	_ =	sdelay $0x3  }
0x6b: {  	s16 =	simm.s32 $0xC200  }
0x6c: {  	[hbm4b:s4+s3] =	stream.indirect_vreg.scatter [tilespmem:s16], [sflag:$0x1], $0x80, v4, vm0, $0xb8;
	[tilespmem:$0x12200] =	vst v63  }
0x6d: {  	s25 =	simm.s32 $0xCA00;
	v3 =	vperm.xlane v3, v2  }
0x6e: {  	[hbm4b:s5+s3] =	stream.indirect_vreg.scatter [tilespmem:s25], [sflag:$0x1], $0x80, v4, vm0, $0xb8;
	[tilespmem:$0x12200] =	vst v63  }
0x6f: {  	s29 =	simm.s32 $0xD200;
	v3 =	vadd.s32 v1, v3  }
0x70: {  	[hbm4b:s6+s3] =	stream.indirect_vreg.scatter [tilespmem:s29], [sflag:$0x1], $0x80, v4, vm0, $0xb8;
	[tilespmem:$0x12200] =	vst v63  }
0x71: {  	s31 =	simm.s32 $0xDA00  }
0x72: {  	[hbm4b:s7+s3] =	stream.indirect_vreg.scatter [tilespmem:s31], [sflag:$0x1], $0x80, v4, vm0, $0xb8;
	[tilespmem:$0x12200] =	vst v63  }
0x73: {  	s25 =	simm.s32 $0xE200  }
0x74: {  	[hbm4b:s4+s3] =	stream.indirect_vreg.scatter [tilespmem:s25], [sflag:$0x1], $0x80, v3, vm0, $0xb8;
	[tilespmem:$0x12200] =	vst v63  }
0x75: {  	s29 =	simm.s32 $0xEA00  }
0x76: {  	[hbm4b:s5+s3] =	stream.indirect_vreg.scatter [tilespmem:s29], [sflag:$0x1], $0x80, v3, vm0, $0xb8;
	[tilespmem:$0x12200] =	vst v63  }
0x77: {  	s31 =	simm.s32 $0xF200  }
0x78: {  	[hbm4b:s6+s3] =	stream.indirect_vreg.scatter [tilespmem:s31], [sflag:$0x1], $0x80, v3, vm0, $0xb8;
	[tilespmem:$0x12200] =	vst v63  }
0x79: {  	s25 =	simm.s32 $0xFA00  }
0x7a: {  	[hbm4b:s7+s3] =	stream.indirect_vreg.scatter [tilespmem:s25], [sflag:$0x1], $0x80, v3, vm0, $0xb8;
	[tilespmem:$0x12200] =	vst v63  }
0x7b: {  	s29 =	simm.s32 $0x40;
	s25 =	rddreg [dreg:$0x2]  }
0x7c: {  	[hbm4b:s25+s29] =	stream.indirect.scatter [tilespmem:s11], [sflag:$0x2], $0x80, s3, s29, $0xb8;
	[tilespmem:$0x12200] =	vst v63  }
0x7d: {  	_ =	swait.ge [sflag:s22], $0x10000  }
0x7e: {  	[sflag:s22] =	ssyncset.done $0x0  }
0x7f: {  	[sflag:s22] =	ssyncadd.s32 $0xFFFF0000  }
0x80: {  	_ =	swait.ge [sflag:s23], $0x2000  }
0x81: {  	[sflag:s23] =	ssyncset.done $0x0  }
0x82: {  	s31 =	rddreg [dreg:$0x7];
	[sflag:s23] =	ssyncadd.s32 $0xFFFFE000  }
0x83: {  	[tilespmem:s28], [sflag:$0x3] =	stream.linear.gather [hbm4b:s31+s3], $0x10000, $0x38;
	[tilespmem:$0x12200] =	vst v63  }
0x84: {  	_ =	swait.ge [sflag:s9], $0x10000  }
0x85: {  	[sflag:s9] =	ssyncset.done $0x0  }
0x86: {  	s31 =	rddreg [dreg:$0x8];
	[sflag:s9] =	ssyncadd.s32 $0xFFFF0000  }
0x87: {  	[tilespmem:s11], [sflag:$0x3] =	stream.linear.gather [hbm4b:s31+s3], $0x2000, $0x38;
	[tilespmem:$0x12200] =	vst v63  }
0x88: {  	_ =	swait.ge [sflag:s9], $0x2000  }
0x89: {  	[sflag:s9] =	ssyncset.done $0x0  }
0x8a: {  	[sflag:s9] =	ssyncadd.s32 $0xFFFFE000  }
0x8b: {  	v3 =	vld [tilespmem:$0x80];
	_ =	sdelay $0x4  }
0x8c: {  	v52 =	vshll.u32 v3, $0x3  }
0x8d: {  	v3 =	vand.u32 $0x7, v3;
	v4 =	vand.u32 $0xFFFFFFC0, v52  }
0x8e: {  	v3 =	vor.u32 v3, v4  }
0x8f: {  	v4 =	vperm.xlane v3, v0;
	_ =	sdelay $0x1  }
0x90: {  	v4 =	vadd.s32 v1, v4;
	_ =	sdelay $0x4  }
0x91: {  	[hbm4b:s4+s3] =	stream.indirect_vreg.scatter [tilespmem:s28], [sflag:$0x1], $0x80, v4, vm0, $0xb8;
	[tilespmem:$0x12200] =	vst v63  }
0x92: {  	s19 =	simm.s32 $0xA00;
	v3 =	vperm.xlane v3, v2  }
0x93: {  	[hbm4b:s5+s3] =	stream.indirect_vreg.scatter [tilespmem:s19], [sflag:$0x1], $0x80, v4, vm0, $0xb8;
	[tilespmem:$0x12200] =	vst v63  }
0x94: {  	s18 =	simm.s32 $0x1200;
	v3 =	vadd.s32 v1, v3  }
0x95: {  	[hbm4b:s6+s3] =	stream.indirect_vreg.scatter [tilespmem:s18], [sflag:$0x1], $0x80, v4, vm0, $0xb8;
	[tilespmem:$0x12200] =	vst v63  }
0x96: {  	s20 =	simm.s32 $0x1A00  }
0x97: {  	[hbm4b:s7+s3] =	stream.indirect_vreg.scatter [tilespmem:s20], [sflag:$0x1], $0x80, v4, vm0, $0xb8;
	[tilespmem:$0x12200] =	vst v63  }
0x98: {  	s26 =	simm.s32 $0x2200  }
0x99: {  	[hbm4b:s4+s3] =	stream.indirect_vreg.scatter [tilespmem:s26], [sflag:$0x1], $0x80, v3, vm0, $0xb8;
	[tilespmem:$0x12200] =	vst v63  }
0x9a: {  	s30 =	simm.s32 $0x2A00  }
0x9b: {  	[hbm4b:s5+s3] =	stream.indirect_vreg.scatter [tilespmem:s30], [sflag:$0x1], $0x80, v3, vm0, $0xb8;
	[tilespmem:$0x12200] =	vst v63  }
0x9c: {  	s1 =	simm.s32 $0x3200  }
0x9d: {  	[hbm4b:s6+s3] =	stream.indirect_vreg.scatter [tilespmem:s1], [sflag:$0x1], $0x80, v3, vm0, $0xb8;
	[tilespmem:$0x12200] =	vst v63  }
0x9e: {  	s17 =	simm.s32 $0x3A00  }
0x9f: {  	[hbm4b:s7+s3] =	stream.indirect_vreg.scatter [tilespmem:s17], [sflag:$0x1], $0x80, v3, vm0, $0xb8;
	[tilespmem:$0x12200] =	vst v63  }
0xa0: {  	v3 =	vld [tilespmem:$0x90];
	_ =	sdelay $0x4  }
0xa1: {  	v53 =	vshll.u32 v3, $0x3  }
0xa2: {  	v3 =	vand.u32 $0x7, v3;
	v4 =	vand.u32 $0xFFFFFFC0, v53  }
0xa3: {  	v3 =	vor.u32 v3, v4  }
0xa4: {  	v4 =	vperm.xlane v3, v0;
	_ =	sdelay $0x1  }
0xa5: {  	v4 =	vadd.s32 v1, v4;
	_ =	sdelay $0x3  }
0xa6: {  	s18 =	simm.s32 $0x4200  }
0xa7: {  	[hbm4b:s4+s3] =	stream.indirect_vreg.scatter [tilespmem:s18], [sflag:$0x1], $0x80, v4, vm0, $0xb8;
	[tilespmem:$0x12200] =	vst v63  }
0xa8: {  	s19 =	simm.s32 $0x4A00;
	v3 =	vperm.xlane v3, v2  }
0xa9: {  	[hbm4b:s5+s3] =	stream.indirect_vreg.scatter [tilespmem:s19], [sflag:$0x1], $0x80, v4, vm0, $0xb8;
	[tilespmem:$0x12200] =	vst v63  }
0xaa: {  	s2 =	simm.s32 $0x5200;
	v3 =	vadd.s32 v1, v3  }
0xab: {  	[hbm4b:s6+s3] =	stream.indirect_vreg.scatter [tilespmem:s2], [sflag:$0x1], $0x80, v4, vm0, $0xb8;
	[tilespmem:$0x12200] =	vst v63  }
0xac: {  	s10 =	simm.s32 $0x5A00  }
0xad: {  	[hbm4b:s7+s3] =	stream.indirect_vreg.scatter [tilespmem:s10], [sflag:$0x1], $0x80, v4, vm0, $0xb8;
	[tilespmem:$0x12200] =	vst v63  }
0xae: {  	s12 =	simm.s32 $0x6200  }
0xaf: {  	[hbm4b:s4+s3] =	stream.indirect_vreg.scatter [tilespmem:s12], [sflag:$0x1], $0x80, v3, vm0, $0xb8;
	[tilespmem:$0x12200] =	vst v63  }
0xb0: {  	s13 =	simm.s32 $0x6A00  }
0xb1: {  	[hbm4b:s5+s3] =	stream.indirect_vreg.scatter [tilespmem:s13], [sflag:$0x1], $0x80, v3, vm0, $0xb8;
	[tilespmem:$0x12200] =	vst v63  }
0xb2: {  	s14 =	simm.s32 $0x7200  }
0xb3: {  	[hbm4b:s6+s3] =	stream.indirect_vreg.scatter [tilespmem:s14], [sflag:$0x1], $0x80, v3, vm0, $0xb8;
	[tilespmem:$0x12200] =	vst v63  }
0xb4: {  	s20 =	simm.s32 $0x7A00  }
0xb5: {  	[hbm4b:s7+s3] =	stream.indirect_vreg.scatter [tilespmem:s20], [sflag:$0x1], $0x80, v3, vm0, $0xb8;
	[tilespmem:$0x12200] =	vst v63  }
0xb6: {  	v3 =	vld [tilespmem:$0xA0];
	_ =	sdelay $0x4  }
0xb7: {  	v54 =	vshll.u32 v3, $0x3  }
0xb8: {  	v3 =	vand.u32 $0x7, v3;
	v4 =	vand.u32 $0xFFFFFFC0, v54  }
0xb9: {  	v3 =	vor.u32 v3, v4  }
0xba: {  	v4 =	vperm.xlane v3, v0;
	_ =	sdelay $0x1  }
0xbb: {  	v4 =	vadd.s32 v1, v4;
	_ =	sdelay $0x3  }
0xbc: {  	s21 =	simm.s32 $0x8200  }
0xbd: {  	[hbm4b:s4+s3] =	stream.indirect_vreg.scatter [tilespmem:s21], [sflag:$0x1], $0x80, v4, vm0, $0xb8;
	[tilespmem:$0x12200] =	vst v63  }
0xbe: {  	s26 =	simm.s32 $0x8A00;
	v3 =	vperm.xlane v3, v2  }
0xbf: {  	[hbm4b:s5+s3] =	stream.indirect_vreg.scatter [tilespmem:s26], [sflag:$0x1], $0x80, v4, vm0, $0xb8;
	[tilespmem:$0x12200] =	vst v63  }
0xc0: {  	v3 =	vadd.s32 v1, v3;
	s21 =	simm.s32 $0x9200  }
0xc1: {  	[hbm4b:s6+s3] =	stream.indirect_vreg.scatter [tilespmem:s21], [sflag:$0x1], $0x80, v4, vm0, $0xb8;
	[tilespmem:$0x12200] =	vst v63  }
0xc2: {  	s0 =	simm.s32 $0x9A00  }
0xc3: {  	[hbm4b:s7+s3] =	stream.indirect_vreg.scatter [tilespmem:s0], [sflag:$0x1], $0x80, v4, vm0, $0xb8;
	[tilespmem:$0x12200] =	vst v63  }
0xc4: {  	s10 =	simm.s32 $0xA200  }
0xc5: {  	[hbm4b:s4+s3] =	stream.indirect_vreg.scatter [tilespmem:s10], [sflag:$0x1], $0x80, v3, vm0, $0xb8;
	[tilespmem:$0x12200] =	vst v63  }
0xc6: {  	s1 =	simm.s32 $0xAA00  }
0xc7: {  	[hbm4b:s5+s3] =	stream.indirect_vreg.scatter [tilespmem:s1], [sflag:$0x1], $0x80, v3, vm0, $0xb8;
	[tilespmem:$0x12200] =	vst v63  }
0xc8: {  	s2 =	simm.s32 $0xB200  }
0xc9: {  	[hbm4b:s6+s3] =	stream.indirect_vreg.scatter [tilespmem:s2], [sflag:$0x1], $0x80, v3, vm0, $0xb8;
	[tilespmem:$0x12200] =	vst v63  }
0xca: {  	s15 =	simm.s32 $0xBA00  }
0xcb: {  	[hbm4b:s7+s3] =	stream.indirect_vreg.scatter [tilespmem:s15], [sflag:$0x1], $0x80, v3, vm0, $0xb8;
	[tilespmem:$0x12200] =	vst v63  }
0xcc: {  	v3 =	vld [tilespmem:$0xB0];
	_ =	sdelay $0x4  }
0xcd: {  	v55 =	vshll.u32 v3, $0x3  }
0xce: {  	v3 =	vand.u32 $0x7, v3;
	v4 =	vand.u32 $0xFFFFFFC0, v55  }
0xcf: {  	v3 =	vor.u32 v3, v4  }
0xd0: {  	v4 =	vperm.xlane v3, v0;
	_ =	sdelay $0x1  }
0xd1: {  	v4 =	vadd.s32 v1, v4;
	_ =	sdelay $0x3  }
0xd2: {  	s16 =	simm.s32 $0xC200  }
0xd3: {  	[hbm4b:s4+s3] =	stream.indirect_vreg.scatter [tilespmem:s16], [sflag:$0x1], $0x80, v4, vm0, $0xb8;
	[tilespmem:$0x12200] =	vst v63  }
0xd4: {  	s17 =	simm.s32 $0xCA00;
	v3 =	vperm.xlane v3, v2  }
0xd5: {  	[hbm4b:s5+s3] =	stream.indirect_vreg.scatter [tilespmem:s17], [sflag:$0x1], $0x80, v4, vm0, $0xb8;
	[tilespmem:$0x12200] =	vst v63  }
0xd6: {  	s12 =	simm.s32 $0xD200;
	v3 =	vadd.s32 v1, v3  }
0xd7: {  	[hbm4b:s6+s3] =	stream.indirect_vreg.scatter [tilespmem:s12], [sflag:$0x1], $0x80, v4, vm0, $0xb8;
	[tilespmem:$0x12200] =	vst v63  }
0xd8: {  	s13 =	simm.s32 $0xDA00  }
0xd9: {  	[hbm4b:s7+s3] =	stream.indirect_vreg.scatter [tilespmem:s13], [sflag:$0x1], $0x80, v4, vm0, $0xb8;
	[tilespmem:$0x12200] =	vst v63  }
0xda: {  	s14 =	simm.s32 $0xE200  }
0xdb: {  	[hbm4b:s4+s3] =	stream.indirect_vreg.scatter [tilespmem:s14], [sflag:$0x1], $0x80, v3, vm0, $0xb8;
	[tilespmem:$0x12200] =	vst v63  }
0xdc: {  	s15 =	simm.s32 $0xEA00  }
0xdd: {  	[hbm4b:s5+s3] =	stream.indirect_vreg.scatter [tilespmem:s15], [sflag:$0x1], $0x80, v3, vm0, $0xb8;
	[tilespmem:$0x12200] =	vst v63  }
0xde: {  	s16 =	simm.s32 $0xF200  }
0xdf: {  	[hbm4b:s6+s3] =	stream.indirect_vreg.scatter [tilespmem:s16], [sflag:$0x1], $0x80, v3, vm0, $0xb8;
	[tilespmem:$0x12200] =	vst v63  }
0xe0: {  	s0 =	simm.s32 $0xFA00  }
0xe1: {  	[hbm4b:s7+s3] =	stream.indirect_vreg.scatter [tilespmem:s0], [sflag:$0x1], $0x80, v3, vm0, $0xb8;
	[tilespmem:$0x12200] =	vst v63  }
0xe2: {  	s29 =	simm.s32 $0x40;
	s24 =	rddreg [dreg:$0xd]  }
0xe3: {  	[hbm4b:s25+s29] =	stream.indirect.scatter [tilespmem:s11], [sflag:$0x2], $0x80, s24, s29, $0xb8;
	[tilespmem:$0x12200] =	vst v63  }
0xe4: {  	_ =	swait.ge [sflag:s22], $0x10000  }
0xe5: {  	[sflag:s22] =	ssyncset.done $0x0  }
0xe6: {  	[sflag:s22] =	ssyncadd.s32 $0xFFFF0000  }
0xe7: {  	_ =	swait.ge [sflag:s23], $0x2000  }
0xe8: {  	[sflag:s23] =	ssyncset.done $0x0  }
0xe9: {  	s29 =	rddreg [dreg:$0x9];
	[sflag:s23] =	ssyncadd.s32 $0xFFFFE000  }
0xea: {  	[tilespmem:s28], [sflag:$0x3] =	stream.linear.gather [hbm4b:s29+s3], $0x10000, $0x38;
	[tilespmem:$0x12200] =	vst v63  }
0xeb: {  	_ =	swait.ge [sflag:s9], $0x10000  }
0xec: {  	[sflag:s9] =	ssyncset.done $0x0  }
0xed: {  	s29 =	rddreg [dreg:$0xa];
	[sflag:s9] =	ssyncadd.s32 $0xFFFF0000  }
0xee: {  	[tilespmem:s11], [sflag:$0x3] =	stream.linear.gather [hbm4b:s29+s3], $0x2000, $0x38;
	[tilespmem:$0x12200] =	vst v63  }
0xef: {  	_ =	swait.ge [sflag:s9], $0x2000  }
0xf0: {  	[sflag:s9] =	ssyncset.done $0x0  }
0xf1: {  	[sflag:s9] =	ssyncadd.s32 $0xFFFFE000  }
0xf2: {  	v3 =	vld [tilespmem:$0x100];
	_ =	sdelay $0x4  }
0xf3: {  	v56 =	vshll.u32 v3, $0x3  }
0xf4: {  	v3 =	vand.u32 $0x7, v3;
	v4 =	vand.u32 $0xFFFFFFC0, v56  }
0xf5: {  	v3 =	vor.u32 v3, v4  }
0xf6: {  	v4 =	vperm.xlane v3, v0;
	_ =	sdelay $0x1  }
0xf7: {  	v4 =	vadd.s32 v1, v4;
	_ =	sdelay $0x4  }
0xf8: {  	[hbm4b:s4+s3] =	stream.indirect_vreg.scatter [tilespmem:s28], [sflag:$0x1], $0x80, v4, vm0, $0xb8;
	[tilespmem:$0x12200] =	vst v63  }
0xf9: {  	s29 =	simm.s32 $0xA00;
	v3 =	vperm.xlane v3, v2  }
0xfa: {  	[hbm4b:s5+s3] =	stream.indirect_vreg.scatter [tilespmem:s29], [sflag:$0x1], $0x80, v4, vm0, $0xb8;
	[tilespmem:$0x12200] =	vst v63  }
0xfb: {  	v3 =	vadd.s32 v1, v3;
	s29 =	simm.s32 $0x1200  }
0xfc: {  	[hbm4b:s6+s3] =	stream.indirect_vreg.scatter [tilespmem:s29], [sflag:$0x1], $0x80, v4, vm0, $0xb8;
	[tilespmem:$0x12200] =	vst v63  }
0xfd: {  	s29 =	simm.s32 $0x1A00  }
0xfe: {  	[hbm4b:s7+s3] =	stream.indirect_vreg.scatter [tilespmem:s29], [sflag:$0x1], $0x80, v4, vm0, $0xb8;
	[tilespmem:$0x12200] =	vst v63  }
0xff: {  	s29 =	simm.s32 $0x2200  }
0x100: {  	[hbm4b:s4+s3] =	stream.indirect_vreg.scatter [tilespmem:s29], [sflag:$0x1], $0x80, v3, vm0, $0xb8;
	[tilespmem:$0x12200] =	vst v63  }
0x101: {  	s29 =	simm.s32 $0x2A00  }
0x102: {  	[hbm4b:s5+s3] =	stream.indirect_vreg.scatter [tilespmem:s29], [sflag:$0x1], $0x80, v3, vm0, $0xb8;
	[tilespmem:$0x12200] =	vst v63  }
0x103: {  	s30 =	simm.s32 $0x3200  }
0x104: {  	[hbm4b:s6+s3] =	stream.indirect_vreg.scatter [tilespmem:s30], [sflag:$0x1], $0x80, v3, vm0, $0xb8;
	[tilespmem:$0x12200] =	vst v63  }
0x105: {  	s29 =	simm.s32 $0x3A00  }
0x106: {  	[hbm4b:s7+s3] =	stream.indirect_vreg.scatter [tilespmem:s29], [sflag:$0x1], $0x80, v3, vm0, $0xb8;
	[tilespmem:$0x12200] =	vst v63  }
0x107: {  	v3 =	vld [tilespmem:$0x110];
	_ =	sdelay $0x4  }
0x108: {  	v57 =	vshll.u32 v3, $0x3  }
0x109: {  	v3 =	vand.u32 $0x7, v3;
	v4 =	vand.u32 $0xFFFFFFC0, v57  }
0x10a: {  	v3 =	vor.u32 v3, v4  }
0x10b: {  	v4 =	vperm.xlane v3, v0;
	_ =	sdelay $0x1  }
0x10c: {  	v4 =	vadd.s32 v1, v4;
	_ =	sdelay $0x4  }
0x10d: {  	[hbm4b:s4+s3] =	stream.indirect_vreg.scatter [tilespmem:s18], [sflag:$0x1], $0x80, v4, vm0, $0xb8;
	[tilespmem:$0x12200] =	vst v63  }
0x10e: {  	v3 =	vperm.xlane v3, v2  }
0x10f: {  	[hbm4b:s5+s3] =	stream.indirect_vreg.scatter [tilespmem:s19], [sflag:$0x1], $0x80, v4, vm0, $0xb8;
	[tilespmem:$0x12200] =	vst v63  }
0x110: {  	s31 =	simm.s32 $0x5200;
	v3 =	vadd.s32 v1, v3  }
0x111: {  	[hbm4b:s6+s3] =	stream.indirect_vreg.scatter [tilespmem:s31], [sflag:$0x1], $0x80, v4, vm0, $0xb8;
	[tilespmem:$0x12200] =	vst v63  }
0x112: {  	s29 =	simm.s32 $0x5A00  }
0x113: {  	[hbm4b:s7+s3] =	stream.indirect_vreg.scatter [tilespmem:s29], [sflag:$0x1], $0x80, v4, vm0, $0xb8;
	[tilespmem:$0x12200] =	vst v63  }
0x114: {  	s24 =	simm.s32 $0x6200  }
0x115: {  	[hbm4b:s4+s3] =	stream.indirect_vreg.scatter [tilespmem:s24], [sflag:$0x1], $0x80, v3, vm0, $0xb8;
	[tilespmem:$0x12200] =	vst v63  }
0x116: {  	s24 =	simm.s32 $0x6A00  }
0x117: {  	[hbm4b:s5+s3] =	stream.indirect_vreg.scatter [tilespmem:s24], [sflag:$0x1], $0x80, v3, vm0, $0xb8;
	[tilespmem:$0x12200] =	vst v63  }
0x118: {  	s24 =	simm.s32 $0x7200  }
0x119: {  	[hbm4b:s6+s3] =	stream.indirect_vreg.scatter [tilespmem:s24], [sflag:$0x1], $0x80, v3, vm0, $0xb8;
	[tilespmem:$0x12200] =	vst v63  }
0x11a: {  	_ = 	snop  }
0x11b: {  	[hbm4b:s7+s3] =	stream.indirect_vreg.scatter [tilespmem:s20], [sflag:$0x1], $0x80, v3, vm0, $0xb8;
	[tilespmem:$0x12200] =	vst v63  }
0x11c: {  	v3 =	vld [tilespmem:$0x120];
	_ =	sdelay $0x4  }
0x11d: {  	v58 =	vshll.u32 v3, $0x3  }
0x11e: {  	v3 =	vand.u32 $0x7, v3;
	v4 =	vand.u32 $0xFFFFFFC0, v58  }
0x11f: {  	v3 =	vor.u32 v3, v4  }
0x120: {  	v4 =	vperm.xlane v3, v0;
	_ =	sdelay $0x1  }
0x121: {  	v4 =	vadd.s32 v1, v4;
	_ =	sdelay $0x3  }
0x122: {  	s24 =	simm.s32 $0x8200  }
0x123: {  	[hbm4b:s4+s3] =	stream.indirect_vreg.scatter [tilespmem:s24], [sflag:$0x1], $0x80, v4, vm0, $0xb8;
	[tilespmem:$0x12200] =	vst v63  }
0x124: {  	v3 =	vperm.xlane v3, v2  }
0x125: {  	[hbm4b:s5+s3] =	stream.indirect_vreg.scatter [tilespmem:s26], [sflag:$0x1], $0x80, v4, vm0, $0xb8;
	[tilespmem:$0x12200] =	vst v63  }
0x126: {  	v3 =	vadd.s32 v1, v3  }
0x127: {  	[hbm4b:s6+s3] =	stream.indirect_vreg.scatter [tilespmem:s21], [sflag:$0x1], $0x80, v4, vm0, $0xb8;
	[tilespmem:$0x12200] =	vst v63  }
0x128: {  	s24 =	simm.s32 $0x9A00  }
0x129: {  	[hbm4b:s7+s3] =	stream.indirect_vreg.scatter [tilespmem:s24], [sflag:$0x1], $0x80, v4, vm0, $0xb8;
	[tilespmem:$0x12200] =	vst v63  }
0x12a: {  	_ = 	snop  }
0x12b: {  	[hbm4b:s4+s3] =	stream.indirect_vreg.scatter [tilespmem:s10], [sflag:$0x1], $0x80, v3, vm0, $0xb8;
	[tilespmem:$0x12200] =	vst v63  }
0x12c: {  	_ = 	snop  }
0x12d: {  	[hbm4b:s5+s3] =	stream.indirect_vreg.scatter [tilespmem:s1], [sflag:$0x1], $0x80, v3, vm0, $0xb8;
	[tilespmem:$0x12200] =	vst v63  }
0x12e: {  	_ = 	snop  }
0x12f: {  	[hbm4b:s6+s3] =	stream.indirect_vreg.scatter [tilespmem:s2], [sflag:$0x1], $0x80, v3, vm0, $0xb8;
	[tilespmem:$0x12200] =	vst v63  }
0x130: {  	s24 =	simm.s32 $0xBA00  }
0x131: {  	[hbm4b:s7+s3] =	stream.indirect_vreg.scatter [tilespmem:s24], [sflag:$0x1], $0x80, v3, vm0, $0xb8;
	[tilespmem:$0x12200] =	vst v63  }
0x132: {  	v3 =	vld [tilespmem:$0x130];
	_ =	sdelay $0x4  }
0x133: {  	v59 =	vshll.u32 v3, $0x3  }
0x134: {  	v3 =	vand.u32 $0x7, v3;
	v4 =	vand.u32 $0xFFFFFFC0, v59  }
0x135: {  	v3 =	vor.u32 v3, v4  }
0x136: {  	v4 =	vperm.xlane v3, v0;
	_ =	sdelay $0x1  }
0x137: {  	v4 =	vadd.s32 v1, v4;
	_ =	sdelay $0x3  }
0x138: {  	s24 =	simm.s32 $0xC200  }
0x139: {  	[hbm4b:s4+s3] =	stream.indirect_vreg.scatter [tilespmem:s24], [sflag:$0x1], $0x80, v4, vm0, $0xb8;
	[tilespmem:$0x12200] =	vst v63  }
0x13a: {  	v3 =	vperm.xlane v3, v2  }
0x13b: {  	[hbm4b:s5+s3] =	stream.indirect_vreg.scatter [tilespmem:s17], [sflag:$0x1], $0x80, v4, vm0, $0xb8;
	[tilespmem:$0x12200] =	vst v63  }
0x13c: {  	v3 =	vadd.s32 v1, v3  }
0x13d: {  	[hbm4b:s6+s3] =	stream.indirect_vreg.scatter [tilespmem:s12], [sflag:$0x1], $0x80, v4, vm0, $0xb8;
	[tilespmem:$0x12200] =	vst v63  }
0x13e: {  	_ = 	snop  }
0x13f: {  	[hbm4b:s7+s3] =	stream.indirect_vreg.scatter [tilespmem:s13], [sflag:$0x1], $0x80, v4, vm0, $0xb8;
	[tilespmem:$0x12200] =	vst v63  }
0x140: {  	_ = 	snop  }
0x141: {  	[hbm4b:s4+s3] =	stream.indirect_vreg.scatter [tilespmem:s14], [sflag:$0x1], $0x80, v3, vm0, $0xb8;
	[tilespmem:$0x12200] =	vst v63  }
0x142: {  	_ = 	snop  }
0x143: {  	[hbm4b:s5+s3] =	stream.indirect_vreg.scatter [tilespmem:s15], [sflag:$0x1], $0x80, v3, vm0, $0xb8;
	[tilespmem:$0x12200] =	vst v63  }
0x144: {  	_ = 	snop  }
0x145: {  	[hbm4b:s6+s3] =	stream.indirect_vreg.scatter [tilespmem:s16], [sflag:$0x1], $0x80, v3, vm0, $0xb8;
	[tilespmem:$0x12200] =	vst v63  }
0x146: {  	_ = 	snop  }
0x147: {  	[hbm4b:s7+s3] =	stream.indirect_vreg.scatter [tilespmem:s0], [sflag:$0x1], $0x80, v3, vm0, $0xb8;
	[tilespmem:$0x12200] =	vst v63  }
0x148: {  	s24 =	rddreg [dreg:$0xe];
	s0 =	simm.s32 $0x40  }
0x149: {  	[hbm4b:s25+s0] =	stream.indirect.scatter [tilespmem:s11], [sflag:$0x2], $0x80, s24, s0, $0xb8;
	[tilespmem:$0x12200] =	vst v63  }
0x14a: {  	_ =	swait.ge [sflag:s22], $0x10000  }
0x14b: {  	[sflag:s22] =	ssyncset.done $0x0  }
0x14c: {  	[sflag:s22] =	ssyncadd.s32 $0xFFFF0000  }
0x14d: {  	_ =	swait.ge [sflag:s23], $0x2000  }
0x14e: {  	[sflag:s23] =	ssyncset.done $0x0  }
0x14f: {  	s24 =	rddreg [dreg:$0xb];
	[sflag:s23] =	ssyncadd.s32 $0xFFFFE000  }
0x150: {  	[tilespmem:s28], [sflag:$0x3] =	stream.linear.gather [hbm4b:s24+s3], $0x10000, $0x38;
	[tilespmem:$0x12200] =	vst v63  }
0x151: {  	_ =	swait.ge [sflag:s9], $0x10000  }
0x152: {  	[sflag:s9] =	ssyncset.done $0x0  }
0x153: {  	s24 =	rddreg [dreg:$0xc];
	[sflag:s9] =	ssyncadd.s32 $0xFFFF0000  }
0x154: {  	[tilespmem:s11], [sflag:$0x3] =	stream.linear.gather [hbm4b:s24+s3], $0x2000, $0x38;
	[tilespmem:$0x12200] =	vst v63  }
0x155: {  	_ =	swait.ge [sflag:s9], $0x2000  }
0x156: {  	[sflag:s9] =	ssyncset.done $0x0  }
0x157: {  	[sflag:s9] =	ssyncadd.s32 $0xFFFFE000  }
0x158: {  	v3 =	vld [tilespmem:$0x180];
	_ =	sdelay $0x4  }
0x159: {  	v60 =	vshll.u32 v3, $0x3  }
0x15a: {  	v3 =	vand.u32 $0x7, v3;
	v4 =	vand.u32 $0xFFFFFFC0, v60  }
0x15b: {  	v3 =	vor.u32 v3, v4  }
0x15c: {  	v4 =	vperm.xlane v3, v0;
	_ =	sdelay $0x1  }
0x15d: {  	v4 =	vadd.s32 v1, v4;
	_ =	sdelay $0x4  }
0x15e: {  	[hbm4b:s4+s3] =	stream.indirect_vreg.scatter [tilespmem:s28], [sflag:$0x1], $0x80, v4, vm0, $0xb8;
	[tilespmem:$0x12200] =	vst v63  }
0x15f: {  	s24 =	simm.s32 $0xA00;
	v3 =	vperm.xlane v3, v2  }
0x160: {  	[hbm4b:s5+s3] =	stream.indirect_vreg.scatter [tilespmem:s24], [sflag:$0x1], $0x80, v4, vm0, $0xb8;
	[tilespmem:$0x12200] =	vst v63  }
0x161: {  	v3 =	vadd.s32 v1, v3;
	s24 =	simm.s32 $0x1200  }
0x162: {  	[hbm4b:s6+s3] =	stream.indirect_vreg.scatter [tilespmem:s24], [sflag:$0x1], $0x80, v4, vm0, $0xb8;
	[tilespmem:$0x12200] =	vst v63  }
0x163: {  	s24 =	simm.s32 $0x1A00  }
0x164: {  	[hbm4b:s7+s3] =	stream.indirect_vreg.scatter [tilespmem:s24], [sflag:$0x1], $0x80, v4, vm0, $0xb8;
	[tilespmem:$0x12200] =	vst v63  }
0x165: {  	s24 =	simm.s32 $0x2200  }
0x166: {  	[hbm4b:s4+s3] =	stream.indirect_vreg.scatter [tilespmem:s24], [sflag:$0x1], $0x80, v3, vm0, $0xb8;
	[tilespmem:$0x12200] =	vst v63  }
0x167: {  	s24 =	simm.s32 $0x2A00  }
0x168: {  	[hbm4b:s5+s3] =	stream.indirect_vreg.scatter [tilespmem:s24], [sflag:$0x1], $0x80, v3, vm0, $0xb8;
	[tilespmem:$0x12200] =	vst v63  }
0x169: {  	s30 =	simm.s32 $0x3200  }
0x16a: {  	[hbm4b:s6+s3] =	stream.indirect_vreg.scatter [tilespmem:s30], [sflag:$0x1], $0x80, v3, vm0, $0xb8;
	[tilespmem:$0x12200] =	vst v63  }
0x16b: {  	s30 =	simm.s32 $0x3A00  }
0x16c: {  	[hbm4b:s7+s3] =	stream.indirect_vreg.scatter [tilespmem:s30], [sflag:$0x1], $0x80, v3, vm0, $0xb8;
	[tilespmem:$0x12200] =	vst v63  }
0x16d: {  	v3 =	vld [tilespmem:$0x190];
	_ =	sdelay $0x4  }
0x16e: {  	v61 =	vshll.u32 v3, $0x3  }
0x16f: {  	v3 =	vand.u32 $0x7, v3;
	v4 =	vand.u32 $0xFFFFFFC0, v61  }
0x170: {  	v3 =	vor.u32 v3, v4  }
0x171: {  	v4 =	vperm.xlane v3, v0;
	_ =	sdelay $0x1  }
0x172: {  	v4 =	vadd.s32 v1, v4;
	_ =	sdelay $0x3  }
0x173: {  	s18 =	simm.s32 $0x4200  }
0x174: {  	[hbm4b:s4+s3] =	stream.indirect_vreg.scatter [tilespmem:s18], [sflag:$0x1], $0x80, v4, vm0, $0xb8;
	[tilespmem:$0x12200] =	vst v63  }
0x175: {  	s19 =	simm.s32 $0x4A00;
	v3 =	vperm.xlane v3, v2  }
0x176: {  	[hbm4b:s5+s3] =	stream.indirect_vreg.scatter [tilespmem:s19], [sflag:$0x1], $0x80, v4, vm0, $0xb8;
	[tilespmem:$0x12200] =	vst v63  }
0x177: {  	s31 =	simm.s32 $0x5200;
	v3 =	vadd.s32 v1, v3  }
0x178: {  	[hbm4b:s6+s3] =	stream.indirect_vreg.scatter [tilespmem:s31], [sflag:$0x1], $0x80, v4, vm0, $0xb8;
	[tilespmem:$0x12200] =	vst v63  }
0x179: {  	s29 =	simm.s32 $0x5A00  }
0x17a: {  	[hbm4b:s7+s3] =	stream.indirect_vreg.scatter [tilespmem:s29], [sflag:$0x1], $0x80, v4, vm0, $0xb8;
	[tilespmem:$0x12200] =	vst v63  }
0x17b: {  	s30 =	simm.s32 $0x6200  }
0x17c: {  	[hbm4b:s4+s3] =	stream.indirect_vreg.scatter [tilespmem:s30], [sflag:$0x1], $0x80, v3, vm0, $0xb8;
	[tilespmem:$0x12200] =	vst v63  }
0x17d: {  	s31 =	simm.s32 $0x6A00  }
0x17e: {  	[hbm4b:s5+s3] =	stream.indirect_vreg.scatter [tilespmem:s31], [sflag:$0x1], $0x80, v3, vm0, $0xb8;
	[tilespmem:$0x12200] =	vst v63  }
0x17f: {  	s19 =	simm.s32 $0x7200  }
0x180: {  	[hbm4b:s6+s3] =	stream.indirect_vreg.scatter [tilespmem:s19], [sflag:$0x1], $0x80, v3, vm0, $0xb8;
	[tilespmem:$0x12200] =	vst v63  }
0x181: {  	s20 =	simm.s32 $0x7A00  }
0x182: {  	[hbm4b:s7+s3] =	stream.indirect_vreg.scatter [tilespmem:s20], [sflag:$0x1], $0x80, v3, vm0, $0xb8;
	[tilespmem:$0x12200] =	vst v63  }
0x183: {  	v3 =	vld [tilespmem:$0x1A0];
	_ =	sdelay $0x4  }
0x184: {  	v62 =	vshll.u32 v3, $0x3  }
0x185: {  	v3 =	vand.u32 $0x7, v3;
	v4 =	vand.u32 $0xFFFFFFC0, v62  }
0x186: {  	v3 =	vor.u32 v3, v4  }
0x187: {  	v4 =	vperm.xlane v3, v0;
	_ =	sdelay $0x1  }
0x188: {  	v4 =	vadd.s32 v1, v4;
	_ =	sdelay $0x3  }
0x189: {  	s20 =	simm.s32 $0x8200  }
0x18a: {  	[hbm4b:s4+s3] =	stream.indirect_vreg.scatter [tilespmem:s20], [sflag:$0x1], $0x80, v4, vm0, $0xb8;
	[tilespmem:$0x12200] =	vst v63  }
0x18b: {  	s26 =	simm.s32 $0x8A00;
	v3 =	vperm.xlane v3, v2  }
0x18c: {  	[hbm4b:s5+s3] =	stream.indirect_vreg.scatter [tilespmem:s26], [sflag:$0x1], $0x80, v4, vm0, $0xb8;
	[tilespmem:$0x12200] =	vst v63  }
0x18d: {  	s21 =	simm.s32 $0x9200;
	v3 =	vadd.s32 v1, v3  }
0x18e: {  	[hbm4b:s6+s3] =	stream.indirect_vreg.scatter [tilespmem:s21], [sflag:$0x1], $0x80, v4, vm0, $0xb8;
	[tilespmem:$0x12200] =	vst v63  }
0x18f: {  	s24 =	simm.s32 $0x9A00  }
0x190: {  	[hbm4b:s7+s3] =	stream.indirect_vreg.scatter [tilespmem:s24], [sflag:$0x1], $0x80, v4, vm0, $0xb8;
	[tilespmem:$0x12200] =	vst v63  }
0x191: {  	s10 =	simm.s32 $0xA200  }
0x192: {  	[hbm4b:s4+s3] =	stream.indirect_vreg.scatter [tilespmem:s10], [sflag:$0x1], $0x80, v3, vm0, $0xb8;
	[tilespmem:$0x12200] =	vst v63  }
0x193: {  	s1 =	simm.s32 $0xAA00  }
0x194: {  	[hbm4b:s5+s3] =	stream.indirect_vreg.scatter [tilespmem:s1], [sflag:$0x1], $0x80, v3, vm0, $0xb8;
	[tilespmem:$0x12200] =	vst v63  }
0x195: {  	s2 =	simm.s32 $0xB200  }
0x196: {  	[hbm4b:s6+s3] =	stream.indirect_vreg.scatter [tilespmem:s2], [sflag:$0x1], $0x80, v3, vm0, $0xb8;
	[tilespmem:$0x12200] =	vst v63  }
0x197: {  	s26 =	simm.s32 $0xBA00  }
0x198: {  	[hbm4b:s7+s3] =	stream.indirect_vreg.scatter [tilespmem:s26], [sflag:$0x1], $0x80, v3, vm0, $0xb8;
	[tilespmem:$0x12200] =	vst v63  }
0x199: {  	v3 =	vld [tilespmem:$0x1B0];
	_ =	sdelay $0x4  }
0x19a: {  	v63 =	vshll.u32 v3, $0x3  }
0x19b: {  	v3 =	vand.u32 $0x7, v3;
	v4 =	vand.u32 $0xFFFFFFC0, v63  }
0x19c: {  	v3 =	vor.u32 v3, v4  }
0x19d: {  	v4 =	vperm.xlane v3, v0;
	_ =	sdelay $0x1  }
0x19e: {  	v4 =	vadd.s32 v1, v4;
	_ =	sdelay $0x3  }
0x19f: {  	s29 =	simm.s32 $0xC200  }
0x1a0: {  	[hbm4b:s4+s3] =	stream.indirect_vreg.scatter [tilespmem:s29], [sflag:$0x1], $0x80, v4, vm0, $0xb8;
	[tilespmem:$0x12200] =	vst v63  }
0x1a1: {  	s17 =	simm.s32 $0xCA00;
	v3 =	vperm.xlane v3, v2  }
0x1a2: {  	[hbm4b:s5+s3] =	stream.indirect_vreg.scatter [tilespmem:s17], [sflag:$0x1], $0x80, v4, vm0, $0xb8;
	[tilespmem:$0x12200] =	vst v63  }
0x1a3: {  	s12 =	simm.s32 $0xD200;
	v3 =	vadd.s32 v1, v3  }
0x1a4: {  	[hbm4b:s6+s3] =	stream.indirect_vreg.scatter [tilespmem:s12], [sflag:$0x1], $0x80, v4, vm0, $0xb8;
	[tilespmem:$0x12200] =	vst v63  }
0x1a5: {  	s13 =	simm.s32 $0xDA00  }
0x1a6: {  	[hbm4b:s7+s3] =	stream.indirect_vreg.scatter [tilespmem:s13], [sflag:$0x1], $0x80, v4, vm0, $0xb8;
	[tilespmem:$0x12200] =	vst v63  }
0x1a7: {  	s14 =	simm.s32 $0xE200  }
0x1a8: {  	[hbm4b:s4+s3] =	stream.indirect_vreg.scatter [tilespmem:s14], [sflag:$0x1], $0x80, v3, vm0, $0xb8;
	[tilespmem:$0x12200] =	vst v63  }
0x1a9: {  	s15 =	simm.s32 $0xEA00  }
0x1aa: {  	[hbm4b:s5+s3] =	stream.indirect_vreg.scatter [tilespmem:s15], [sflag:$0x1], $0x80, v3, vm0, $0xb8;
	[tilespmem:$0x12200] =	vst v63  }
0x1ab: {  	s16 =	simm.s32 $0xF200  }
0x1ac: {  	[hbm4b:s6+s3] =	stream.indirect_vreg.scatter [tilespmem:s16], [sflag:$0x1], $0x80, v3, vm0, $0xb8;
	[tilespmem:$0x12200] =	vst v63  }
0x1ad: {  	s31 =	simm.s32 $0xFA00  }
0x1ae: {  	[hbm4b:s7+s3] =	stream.indirect_vreg.scatter [tilespmem:s31], [sflag:$0x1], $0x80, v3, vm0, $0xb8;
	[tilespmem:$0x12200] =	vst v63  }
0x1af: {  	s0 =	simm.s32 $0x40;
	s30 =	rddreg [dreg:$0xf]  }
0x1b0: {  	[hbm4b:s25+s0] =	stream.indirect.scatter [tilespmem:s11], [sflag:$0x2], $0x80, s30, s0, $0xb8;
	[tilespmem:$0x12200] =	vst v63  }
0x1b1: {  	p0 =	sne.s32 s8, $0x1;
	_ =	swait.ge [sflag:s22], $0x10000  }
.Ltmp0:
0x1b2: {  	[sflag:s22] =	ssyncset.done $0x0;
	(pc) =	sbr.rel @p0 .LBB2_1-.Ltmp0, $4  }
0x1b3: {  	[sflag:s22] =	ssyncadd.s32 $0xFFFF0000  }
0x1b4: {  	_ =	swait.ge [sflag:s23], $0x2000  }
0x1b5: {  	[sflag:s23] =	ssyncset.done $0x0  }
0x1b6: {  	s8 =	sadd.s32 $0xFFFFFFFF, s8;
	[sflag:s23] =	ssyncadd.s32 $0xFFFFE000  }
0x1b7: {  	_ =	sfence.sel $0x180000  }
0x1b8: {  	[bflag:$0x0] =	sbarrier.arrive $0xFFFF  }
0x1b9: {  	_ =	strace $0x90000047  }
0x1ba: {  	s0 =	stileid.u32;
	[bflag:$0x2] =	sbarrier.arrive $0xFFFF  }
0x1bb: {  	p0 =	sne.s32 s0, $0x0;
	s0 =	rddreg [dreg:$0x3]  }
0x1bc: {  	s0 =	sadd.s32 @!p0 $0x100000, s0  }
0x1bd: {  	[sflag:s0] =	ssyncadd.tile.s32 @!p0 $0x1;
	_ =	shalt  }
.Lfunc_end2:
_tile_overlayer_lowered:
.L_overlay_start_2:
0x1be: {  	(tag) =	ssettag $0x2  }
0x1bf: {  	s0 =	rddreg [dreg:$0x0];
	s2 =	stileid.u32  }
0x1c0: {  	s1 =	rddreg [dreg:$0x1];
	p0 =	sne.s32 s2, $0x0  }
0x1c1: {  	s3 =	rddreg [dreg:$0x2];
	[bflag:$0x3] =	sbarrier.arrive $0xFFFF;
	s2 =	simm.s32 @!p0 $0x1C03  }
0x1c2: {  	[timem:s3], [sflag:s2] =	dma.local @!p0 [hbm:s0], s1  }
0x1c3: {  	s0 =	simm.s32 @!p0 $0x3  }
0x1c4: {  	_ =	swait.ge @!p0 [sflag:s0], s1  }
0x1c5: {  	s1 =	ssub.s32 @!p0 $0x0, s1;
	[sflag:s0] =	ssyncset.done @!p0 $0x0  }
0x1c6: {  	[sflag:s0] =	ssyncadd.s32 @!p0 s1  }
0x1c7: {  	[bflag:$0x3] =	sbarrier.arrive $0xFFFF  }
0x1c8: {  	_ =	shalt  }

// kernel: kernel.8.cloned.1.call-start
scs
__scs_entry_jumppad:
0x0: {  	(pc) =	sbr.rel $0x88, $3  }
0x1: {  	(tag) =	ssettag $0x0;
	lr =	simm.s32 $0x1  }
0x2: {  	[smem:$0x3F9A] =	sst lr;
	_ =	strace $0xD0000000  }
0x3: {  	_ = 	snop  }
0x4: {  	_ = 	snop  }
0x5: {  	_ = 	snop  }
0x6: {  	_ = 	snop  }
0x7: {  	_ = 	snop  }
__scs_overlays_trampoline_lowered:
0x8: {  	[smem:$0x3FA9] =	sst s0  }
0x9: {  	[smem:$0x3FAA] =	sst s1  }
0xa: {  	[smem:$0x3FAB] =	sst s2  }
0xb: {  	[smem:$0x3FAC] =	sst s3  }
0xc: {  	[smem:$0x3FAD] =	sst s4  }
0xd: {  	[smem:$0x3FAE] =	sst s5  }
0xe: {  	[smem:$0x3FAF] =	sst s6  }
0xf: {  	[smem:$0x3FB0] =	sst s7  }
0x10: {  	[smem:$0x3FB1] =	sst s8  }
0x11: {  	[smem:$0x3FB2] =	sst s9;
	s0 =	simm.s32 @!p0 $0x0  }
0x12: {  	s1 =	sld [smem:$0x3F98];
	s0 =	simm.s32 @p0 $0x1  }
0x13: {  	[smem:$0x3FB3] =	sst s0;
	s0 =	simm.s32 @!p1 $0x0  }
0x14: {  	s2 =	sld [smem:$0x3F97];
	s0 =	simm.s32 @p1 $0x1  }
0x15: {  	[smem:$0x3FB4] =	sst s0;
	s0 =	simm.s32 @!p2 $0x0  }
0x16: {  	s3 =	sld [smem:$0x3FDB];
	s0 =	simm.s32 @p2 $0x1  }
0x17: {  	s4 =	simm.s32 $0x1BF5;
	[smem:$0x3FB6] =	sst s0  }
0x18: {  	s0 =	sld [smem:$0x3F99];
	_ =	swait.ge [sflag:s4], $0x0  }
0x19: {  	s7 =	sld [smem:$0x3F9A]  }
0x1a: {  	s8 =	sadd.s32 $0xFFFFE003, lr  }
0x1b: {  	s9 =	sadd.s32 $0xFFFFFEF7, lr;
	s5 =	simm.s32 $0xFFFFFFFF;
	p2 =	slt.u32 s8, $0xFFFFF086  }
0x1c: {  	p1 =	slt.u32 s9, $0xF7A;
	s5 =	simm.s32 @!p2 $0x0  }
0x1d: {  	s5 =	simm.s32 @p1 $0x1;
	p0 =	seq.s32 s7, s2  }
0x1e: {  	s7 =	smul.u32 @!p0 $0xF7A, s2;
	p2 =	seq.s32 @!p0 s5, $0x0  }
0x1f: {  	s9 =	smul.u32 $0xF7A, s1;
	s8 =	simm.s32 @!p0 $0x1BF5;
	p2 =	por !p2, p0  }
0x20: {  	[sflag:s8] =	ssyncset.s32 @!p0 $0xFFFFF086;
	s6 =	sadd.s32 @!p0 s3, s7;
	s7 =	simm.s32 @!p0 $0x108  }
0x21: {  	s3 =	sadd.s32 s3, s9;
	s6 =	sadd.s32 @!p0 $0x88, s6;
	s7 =	simm.s32 @p2 $0x1082  }
0x22: {  	[simem:s7], [sflag:s8] =	dma.local @!p0 [hbm:s6], $0xF7A  }
0x23: {  	s9 =	sor.u32 $0xD0000000, s2;
	s6 =	simm.s32 $0x108;
	_ =	swait.ge @!p0 [sflag:s8], $0x0  }
0x24: {  	s3 =	sadd.s32 $0x88, s3;
	s6 =	simm.s32 @!p1 $0x1082;
	[sflag:s4] =	ssyncset.s32 $0xFFFFF086  }
0x25: {  	[simem:s6], [sflag:s4] =	dma.local [hbm:s3], $0xF7A  }
0x26: {  	[smem:$0x3F9A] =	sst s1;
	(tag) =	ssettag s2;
	_ =	strace s9  }
0x27: {  	s1 =	sld [smem:$0x3FAA]  }
0x28: {  	s2 =	sld [smem:$0x3FAB]  }
0x29: {  	s4 =	sld [smem:$0x3FAD]  }
0x2a: {  	p0 =	seq.s32 s5, $0x0;
	s5 =	sld [smem:$0x3FAE]  }
0x2b: {  	s6 =	sld [smem:$0x3FAF]  }
0x2c: {  	s7 =	sld [smem:$0x3FB0]  }
0x2d: {  	s3 =	simm.s32 $0x108;
	s8 =	sld [smem:$0x3FB1]  }
0x2e: {  	s3 =	simm.s32 @!p0 $0x1082;
	s9 =	sld [smem:$0x3FB2]  }
0x2f: {  	lr =	sadd.s32 s0, s3;
	s0 =	sld [smem:$0x3FA9]  }
0x30: {  	s3 =	sld [smem:$0x3FAC]  }
0x31: {  	[smem:$0x3FB5] =	sst s10  }
0x32: {  	s10 =	sld [smem:$0x3FB3];
	_ =	sdelay $0x3  }
0x33: {  	p0 =	seq.s32 s10, $0x1;
	s10 =	sld [smem:$0x3FB5];
	_ =	sdelay $0x3  }
0x34: {  	[smem:$0x3FB5] =	sst s10  }
0x35: {  	s10 =	sld [smem:$0x3FB4];
	_ =	sdelay $0x3  }
0x36: {  	p1 =	seq.s32 s10, $0x1;
	s10 =	sld [smem:$0x3FB5];
	_ =	sdelay $0x3  }
0x37: {  	[smem:$0x3FB5] =	sst s10  }
0x38: {  	s10 =	sld [smem:$0x3FB6]  }
0x39: {  	_ = 	snop;
	(pc) =	sbr.ind lr, $3  }
0x3a: {  	_ = 	snop  }
0x3b: {  	_ = 	snop  }
0x3c: {  	p2 =	seq.s32 s10, $0x1;
	s10 =	sld [smem:$0x3FB5]  }
0x3d: {  	_ =	shalt  }
0x3e: {  	_ =	shalt  }
0x3f: {  	_ =	shalt  }
0x40: {  	_ =	shalt  }
0x41: {  	_ =	shalt  }
0x42: {  	_ =	shalt  }
0x43: {  	_ =	shalt  }
0x44: {  	_ =	shalt  }
0x45: {  	_ =	shalt  }
0x46: {  	_ =	shalt  }
0x47: {  	_ =	shalt  }
0x48: {  	_ =	shalt  }
0x49: {  	_ =	shalt  }
0x4a: {  	_ =	shalt  }
0x4b: {  	_ =	shalt  }
0x4c: {  	_ =	shalt  }
0x4d: {  	_ =	shalt  }
0x4e: {  	_ =	shalt  }
0x4f: {  	_ =	shalt  }
0x50: {  	_ =	shalt  }
0x51: {  	_ =	shalt  }
0x52: {  	_ =	shalt  }
0x53: {  	_ =	shalt  }
0x54: {  	_ =	shalt  }
0x55: {  	_ =	shalt  }
0x56: {  	_ =	shalt  }
0x57: {  	_ =	shalt  }
0x58: {  	_ =	shalt  }
0x59: {  	_ =	shalt  }
0x5a: {  	_ =	shalt  }
0x5b: {  	_ =	shalt  }
0x5c: {  	_ =	shalt  }
0x5d: {  	_ =	shalt  }
0x5e: {  	_ =	shalt  }
0x5f: {  	_ =	shalt  }
0x60: {  	_ =	shalt  }
0x61: {  	_ =	shalt  }
0x62: {  	_ =	shalt  }
0x63: {  	_ =	shalt  }
0x64: {  	_ =	shalt  }
0x65: {  	_ =	shalt  }
0x66: {  	_ =	shalt  }
0x67: {  	_ =	shalt  }
0x68: {  	_ =	shalt  }
0x69: {  	_ =	shalt  }
0x6a: {  	_ =	shalt  }
0x6b: {  	_ =	shalt  }
0x6c: {  	_ =	shalt  }
0x6d: {  	_ =	shalt  }
0x6e: {  	_ =	shalt  }
0x6f: {  	_ =	shalt  }
0x70: {  	_ =	shalt  }
0x71: {  	_ =	shalt  }
0x72: {  	_ =	shalt  }
0x73: {  	_ =	shalt  }
0x74: {  	_ =	shalt  }
0x75: {  	_ =	shalt  }
0x76: {  	_ =	shalt  }
0x77: {  	_ =	shalt  }
0x78: {  	_ =	shalt  }
0x79: {  	_ =	shalt  }
0x7a: {  	_ =	shalt  }
0x7b: {  	_ =	shalt  }
0x7c: {  	_ =	shalt  }
0x7d: {  	_ =	shalt  }
0x7e: {  	_ =	shalt  }
0x7f: {  	_ =	shalt  }
0x80: {  	_ =	shalt  }
0x81: {  	_ =	shalt  }
0x82: {  	_ =	shalt  }
0x83: {  	_ =	shalt  }
0x84: {  	_ =	shalt  }
0x85: {  	_ =	shalt  }
0x86: {  	_ =	shalt  }
0x87: {  	_ =	shalt  }
.Lfunc_end0:
.L_simem_size_0:
called_computation.1_lowered:
.L_overlay_start_0:
0x88: {  	s2 =	sld [smem:$0x3FD9]  }
0x89: {  	s3 =	sld [smem:$0x3FFE];
	_ =	sdelay $0x1  }
0x8a: {  	s1 =	srdreg.scid  }
0x8b: {  	s0 =	sand.u32 $0x1, s1  }
0x8c: {  	s17 =	sshll.u32 s0, $0xA;
	s2 =	sadd.s32 s3, s2  }
0x8d: {  	s2 =	sadd.s32 s2, s17  }
0x8e: {  	[smem:$0x3FC1] =	sst s2  }
0x8f: {  	_ = 	snop  }
0x90: {  	s2 =	sld [smem:$0x3FD0];
	(tm) =	ssettm $0x1  }
0x91: {  	s18 =	sld [smem:$0x3FFB];
	_ =	sdelay $0x3  }
0x92: {  	_ =	strace s18  }
0x93: {  	s3 =	sld [smem:$0x3FFC];
	_ =	sdelay $0x3  }
0x94: {  	_ =	strace s3  }
0x95: {  	s3 =	sld [smem:$0x3FFD];
	_ =	sdelay $0x3  }
0x96: {  	_ =	strace s3  }
0x97: {  	_ =	strace $0x8FFFFFFF  }
0x98: {  	s19 =	sld [smem:$0x3FDB];
	_ =	sdelay $0x1  }
0x99: {  	s4 =	simm.s32 $_scs_section_size  }
0x9a: {  	s5 =	simm.s32 $_size__tile_overlayer_lowered;
	s6 =	simm.s32 $_tile_overlayer_lowered  }
0x9b: {  	s22 =	simm.s32 $0x1BFF;
	s21 =	sshll.u32 s6, $0x1;
	s3 =	sadd.s32 s4, s19  }
0x9c: {  	s7 =	simm.s32 $0x0;
	s20 =	sshll.u32 s5, $0x1;
	s5 =	sadd.s32 s21, s3  }
0x9d: {  	[timem:s7], [sflag:s22] =	dma.local [hbm:s5], s20  }
0x9e: {  	_ =	swait.ge [sflag:s22], s20  }
0x9f: {  	s4 =	ssub.s32 $0x0, s20;
	[sflag:s22] =	ssyncset.done $0x0  }
0xa0: {  	[sflag:s22] =	ssyncadd.s32 s4;
	_ =	sdelay $0x1  }
0xa1: {  	s23 =	simm.s32 $0x1B8B  }
0xa2: {  	_ =	swait.ge [sflag:s23], $0x1  }
0xa3: {  	[sflag:s23] =	ssyncset.done $0x0  }
0xa4: {  	s25 =	simm.s32 $0x1B8E;
	s24 =	sld [smem:$0x3FFE];
	[sflag:s23] =	ssyncadd.s32 $0xFFFFFFFF  }
0xa5: {  	s26 =	simm.s32 $execute0_lowered;
	[smem:$0x3FD2] =	sst s25  }
0xa6: {  	s5 =	sshll.u32 s26, $0x1;
	_ =	strace $0x80000049;
	[dreg:$0x1] =	wrdreg $0xFFFFFFFF  }
0xa7: {  	s28 =	simm.s32 $_size_execute0_lowered;
	s3 =	sadd.s32 s3, s5;
	[dreg:$0x0] =	wrdreg $0x0  }
0xa8: {  	s5 =	sshll.u32 s28, $0x1;
	[dreg:$0x2] =	wrdreg s3  }
0xa9: {  	[dreg:$0x3] =	wrdreg s5  }
0xaa: {  	[dreg:$0x4] =	wrdreg $0xC0  }
0xab: {  	_ =	task [dreg:s7], $0x5FFFF  }
0xac: {  	[dreg:$0x1] =	wrdreg $0xFFFFFFFF  }
0xad: {  	[dreg:$0x0] =	wrdreg $0x60  }
0xae: {  	[dreg:$0x2] =	wrdreg s24  }
0xaf: {  	[dreg:$0x3] =	wrdreg s2  }
0xb0: {  	[dreg:$0x4] =	wrdreg $0x9  }
0xb1: {  	_ =	task.clear_ibuf [dreg:s7], $0x5FFFF;
	_ =	strace $0x90000049  }
0xb2: {  	s29 =	simm.s32 $0x9;
	_ =	strace $0x8000004B  }
0xb3: {  	_ =	swait.ge [sflag:s29], $0x1  }
0xb4: {  	[sflag:s29] =	ssyncadd.s32 $0xFFFFFFFF  }
0xb5: {  	_ =	strace $0x9000004B  }
0xb6: {  	_ =	sfence  }
0xb7: {  	s30 =	sld [smem:$0x0];
	_ =	sdelay $0x2  }
0xb8: {  	s31 =	sshll.u32 s1, $0xD;
	s1 =	sshrl.u32 s1, $0x2  }
0xb9: {  	s3 =	sand.u32 $0x4000, s31;
	s1 =	sadd.s32 s1, s30  }
0xba: {  	s0 =	sor.u32 s3, s0;
	s1 =	sshll.u32 s1, $0x11  }
0xbb: {  	s0 =	sor.u32 s1, s0  }
0xbc: {  	s0 =	sadd.s32 $0x8F2B, s0  }
0xbd: {  	[sflag:s0] =	ssyncadd.remote.s32 $0x1  }
0xbe: {  	_ =	sfence.sel $0xFFFF  }
0xbf: {  	[dreg:$0x0] =	wrdreg $0xFFFFFFFF;
	(pc) =	sbr.abs _section_cstart, $3  }
0xc0: {  	[dreg:$0x1] =	wrdreg $0xFFFFFFFF  }
0xc1: {  	_ =	task.clear_ibuf [dreg:s7], $0x2FFFF;
	_ =	strace $0x9FFFFFFF  }
0xc2: {  	(tm) =	ssettm $0x7FFFFFFF  }
0xc3: {  	_ =	shalt  }
tec
execute0_lowered:
.L_overlay_start_1:
0x0: {  	(tag) =	ssettag $0x1  }
0x1: {  	s0 =	srdreg.scid;
	s1 =	rddreg [dreg:$0x0]  }
0x2: {  	s2 =	stileid.u32;
	s3 =	rddreg [dreg:$0x1];
	s10 =	simm.s32 $0x400  }
0x3: {  	s18 =	simm.s32 $0x1;
	s19 =	simm.s32 $0x3;
	s28 =	simm.s32 $0x2400  }
0x4: {  	s29 =	simm.s32 $0x2C00;
	s30 =	simm.s32 $0x3400;
	s31 =	simm.s32 $0x3C00  }
0x5: {  	s16 =	simm.s32 $0x4C00;
	s9 =	simm.s32 $0x5C00;
	s11 =	simm.s32 $0x6400  }
0x6: {  	s12 =	simm.s32 $0x6C00;
	s0 =	sand.u32 $0x1, s0;
	s2 =	sshll.u32 s2, $0x1  }
0x7: {  	s13 =	simm.s32 $0x7400;
	s14 =	simm.s32 $0x7C00;
	s4 =	sor.u32 s0, s2  }
0x8: {  	s2 =	simm.s32 $0x0;
	s5 =	sshll.u32 s4, $0x7;
	s4 =	sshll.u32 s4, $0xF  }
0x9: {  	[smem:$0x7FF] =	sst s2;
	s5 =	sadd.s32 s5, s1;
	s8 =	sadd.s32 s3, s4  }
0xa: {  	_ =	strace $0x8000004A;
	s5 =	sadd.s32 $0x1A0800, s5;
	[dreg:$0xb] =	wrdreg s8  }
0xb: {  	s6 =	sadd.s32 $0x1A1A00, s1;
	s3 =	sadd.s32 $0x1000, s8;
	[dreg:$0x3] =	wrdreg s5  }
0xc: {  	s7 =	sadd.s32 $0x1A1B00, s1;
	s20 =	sadd.s32 $0x2000, s8;
	[dreg:$0x4] =	wrdreg s3  }
0xd: {  	s0 =	ssub.s32 $0x2, s0;
	s22 =	sadd.s32 $0x3000, s8;
	[dreg:$0x5] =	wrdreg s20  }
0xe: {  	s21 =	sshrl.u32 s0, $0x1;
	s23 =	sadd.s32 $0x4000, s8;
	[dreg:$0x6] =	wrdreg s22  }
0xf: {  	s4 =	sadd.s32 $0x1A1800, s1;
	s24 =	sadd.s32 $0x5000, s8;
	[dreg:$0x7] =	wrdreg s23  }
0x10: {  	s0 =	ssub.s32 s0, s21;
	s25 =	sadd.s32 $0x6000, s8;
	[dreg:$0x8] =	wrdreg s24  }
0x11: {  	s21 =	simm.s32 $0x4;
	s26 =	sadd.s32 $0x7000, s8;
	[dreg:$0x9] =	wrdreg s25  }
0x12: {  	v2 =	vlaneseq.u32;
	s8 =	smax.u32 s0, $0x1;
	s5 =	sadd.s32 $0x1A1900, s1;
	[dreg:$0xa] =	wrdreg s26  }
0x13: {  	vm0 =	vmmov $0xffff;
	v1 =	vshrl.u32 v2, $0x3;
	s26 =	simm.s32 $0x8400;
	s20 =	simm.s32 $0x2;
	s23 =	simm.s32 $0xC00  }
0x14: {  	v0 =	vand.u32 $0x7, v2;
	v2 =	vor.u32 $0x8, v2;
	v1 =	vmul.u32 $0x8, v1;
	s24 =	simm.s32 $0x1400;
	s25 =	simm.s32 $0x1C00;
	s3 =	simm.s32 $0x5400  }
.LBB2_1:
0x15: {  	s22 =	rddreg [dreg:$0x3];
	s15 =	simm.s32 $0x5  }
0x16: {  	[tilespmem:s2], [sflag:$0x5] =	stream.linear.gather [hbm4b:s22+s2], $0x400, $0x38;
	[tilespmem:$0x10400] =	vst v63  }
0x17: {  	_ =	swait.ge [sflag:s15], $0x400  }
0x18: {  	[sflag:s15] =	ssyncset.done $0x0  }
0x19: {  	[sflag:s15] =	ssyncadd.s32 $0xFFFFFC00  }
0x1a: {  	v3 =	vld [tilespmem:$0x0];
	_ =	sdelay $0x4  }
0x1b: {  	v4 =	vshll.u32 v3, $0x3  }
0x1c: {  	v3 =	vand.u32 $0x7, v3;
	v4 =	vand.u32 $0xFFFFFFC0, v4  }
0x1d: {  	v3 =	vor.u32 v3, v4  }
0x1e: {  	v4 =	vperm.xlane v3, v0;
	_ =	sdelay $0x1  }
0x1f: {  	v4 =	vadd.s32 v1, v4;
	_ =	sdelay $0x4  }
0x20: {  	[tilespmem:s10], [sflag:$0x1] =	stream.indirect_vreg.gather [hbm4b:s4+s2], $0x80, v4, vm0, $0xb8;
	[tilespmem:$0x10400] =	vst v63  }
0x21: {  	v3 =	vperm.xlane v3, v2  }
0x22: {  	[tilespmem:s23], [sflag:$0x1] =	stream.indirect_vreg.gather [hbm4b:s5+s2], $0x80, v4, vm0, $0xb8;
	[tilespmem:$0x10400] =	vst v63  }
0x23: {  	v3 =	vadd.s32 v1, v3  }
0x24: {  	[tilespmem:s24], [sflag:$0x1] =	stream.indirect_vreg.gather [hbm4b:s6+s2], $0x80, v4, vm0, $0xb8;
	[tilespmem:$0x10400] =	vst v63  }
0x25: {  	_ = 	snop  }
0x26: {  	[tilespmem:s25], [sflag:$0x1] =	stream.indirect_vreg.gather [hbm4b:s7+s2], $0x80, v4, vm0, $0xb8;
	[tilespmem:$0x10400] =	vst v63  }
0x27: {  	_ = 	snop  }
0x28: {  	[tilespmem:s28], [sflag:$0x1] =	stream.indirect_vreg.gather [hbm4b:s4+s2], $0x80, v3, vm0, $0xb8;
	[tilespmem:$0x10400] =	vst v63  }
0x29: {  	_ = 	snop  }
0x2a: {  	[tilespmem:s29], [sflag:$0x1] =	stream.indirect_vreg.gather [hbm4b:s5+s2], $0x80, v3, vm0, $0xb8;
	[tilespmem:$0x10400] =	vst v63  }
0x2b: {  	_ = 	snop  }
0x2c: {  	[tilespmem:s30], [sflag:$0x1] =	stream.indirect_vreg.gather [hbm4b:s6+s2], $0x80, v3, vm0, $0xb8;
	[tilespmem:$0x10400] =	vst v63  }
0x2d: {  	_ = 	snop  }
0x2e: {  	[tilespmem:s31], [sflag:$0x1] =	stream.indirect_vreg.gather [hbm4b:s7+s2], $0x80, v3, vm0, $0xb8;
	[tilespmem:$0x10400] =	vst v63  }
0x2f: {  	v3 =	vld [tilespmem:$0x10];
	_ =	sdelay $0x4  }
0x30: {  	v49 =	vshll.u32 v3, $0x3  }
0x31: {  	v3 =	vand.u32 $0x7, v3;
	v4 =	vand.u32 $0xFFFFFFC0, v49  }
0x32: {  	v3 =	vor.u32 v3, v4  }
0x33: {  	v4 =	vperm.xlane v3, v0;
	_ =	sdelay $0x1  }
0x34: {  	v4 =	vadd.s32 v1, v4;
	_ =	sdelay $0x3  }
0x35: {  	s1 =	simm.s32 $0x4400  }
0x36: {  	[tilespmem:s1], [sflag:$0x1] =	stream.indirect_vreg.gather [hbm4b:s4+s2], $0x80, v4, vm0, $0xb8;
	[tilespmem:$0x10400] =	vst v63  }
0x37: {  	v3 =	vperm.xlane v3, v2  }
0x38: {  	[tilespmem:s16], [sflag:$0x1] =	stream.indirect_vreg.gather [hbm4b:s5+s2], $0x80, v4, vm0, $0xb8;
	[tilespmem:$0x10400] =	vst v63  }
0x39: {  	v3 =	vadd.s32 v1, v3  }
0x3a: {  	[tilespmem:s3], [sflag:$0x1] =	stream.indirect_vreg.gather [hbm4b:s6+s2], $0x80, v4, vm0, $0xb8;
	[tilespmem:$0x10400] =	vst v63  }
0x3b: {  	_ = 	snop  }
0x3c: {  	[tilespmem:s9], [sflag:$0x1] =	stream.indirect_vreg.gather [hbm4b:s7+s2], $0x80, v4, vm0, $0xb8;
	[tilespmem:$0x10400] =	vst v63  }
0x3d: {  	_ = 	snop  }
0x3e: {  	[tilespmem:s11], [sflag:$0x1] =	stream.indirect_vreg.gather [hbm4b:s4+s2], $0x80, v3, vm0, $0xb8;
	[tilespmem:$0x10400] =	vst v63  }
0x3f: {  	_ = 	snop  }
0x40: {  	[tilespmem:s12], [sflag:$0x1] =	stream.indirect_vreg.gather [hbm4b:s5+s2], $0x80, v3, vm0, $0xb8;
	[tilespmem:$0x10400] =	vst v63  }
0x41: {  	_ = 	snop  }
0x42: {  	[tilespmem:s13], [sflag:$0x1] =	stream.indirect_vreg.gather [hbm4b:s6+s2], $0x80, v3, vm0, $0xb8;
	[tilespmem:$0x10400] =	vst v63  }
0x43: {  	_ = 	snop  }
0x44: {  	[tilespmem:s14], [sflag:$0x1] =	stream.indirect_vreg.gather [hbm4b:s7+s2], $0x80, v3, vm0, $0xb8;
	[tilespmem:$0x10400] =	vst v63  }
0x45: {  	v3 =	vld [tilespmem:$0x80];
	_ =	sdelay $0x4  }
0x46: {  	v50 =	vshll.u32 v3, $0x3  }
0x47: {  	v3 =	vand.u32 $0x7, v3;
	v4 =	vand.u32 $0xFFFFFFC0, v50  }
0x48: {  	v3 =	vor.u32 v3, v4  }
0x49: {  	v4 =	vperm.xlane v3, v0;
	_ =	sdelay $0x1  }
0x4a: {  	v4 =	vadd.s32 v1, v4;
	_ =	sdelay $0x4  }
0x4b: {  	[tilespmem:s26], [sflag:$0x2] =	stream.indirect_vreg.gather [hbm4b:s4+s2], $0x80, v4, vm0, $0xb8;
	[tilespmem:$0x10400] =	vst v63  }
0x4c: {  	s15 =	simm.s32 $0x8C00;
	v3 =	vperm.xlane v3, v2  }
0x4d: {  	[tilespmem:s15], [sflag:$0x2] =	stream.indirect_vreg.gather [hbm4b:s5+s2], $0x80, v4, vm0, $0xb8;
	[tilespmem:$0x10400] =	vst v63  }
0x4e: {  	s17 =	simm.s32 $0x9400;
	v3 =	vadd.s32 v1, v3  }
0x4f: {  	[tilespmem:s17], [sflag:$0x2] =	stream.indirect_vreg.gather [hbm4b:s6+s2], $0x80, v4, vm0, $0xb8;
	[tilespmem:$0x10400] =	vst v63  }
0x50: {  	s22 =	simm.s32 $0x9C00  }
0x51: {  	[tilespmem:s22], [sflag:$0x2] =	stream.indirect_vreg.gather [hbm4b:s7+s2], $0x80, v4, vm0, $0xb8;
	[tilespmem:$0x10400] =	vst v63  }
0x52: {  	s17 =	simm.s32 $0xA400  }
0x53: {  	[tilespmem:s17], [sflag:$0x2] =	stream.indirect_vreg.gather [hbm4b:s4+s2], $0x80, v3, vm0, $0xb8;
	[tilespmem:$0x10400] =	vst v63  }
0x54: {  	s15 =	simm.s32 $0xAC00  }
0x55: {  	[tilespmem:s15], [sflag:$0x2] =	stream.indirect_vreg.gather [hbm4b:s5+s2], $0x80, v3, vm0, $0xb8;
	[tilespmem:$0x10400] =	vst v63  }
0x56: {  	s17 =	simm.s32 $0xB400  }
0x57: {  	[tilespmem:s17], [sflag:$0x2] =	stream.indirect_vreg.gather [hbm4b:s6+s2], $0x80, v3, vm0, $0xb8;
	[tilespmem:$0x10400] =	vst v63  }
0x58: {  	s15 =	simm.s32 $0xBC00  }
0x59: {  	[tilespmem:s15], [sflag:$0x2] =	stream.indirect_vreg.gather [hbm4b:s7+s2], $0x80, v3, vm0, $0xb8;
	[tilespmem:$0x10400] =	vst v63  }
0x5a: {  	v3 =	vld [tilespmem:$0x90];
	_ =	sdelay $0x4  }
0x5b: {  	v51 =	vshll.u32 v3, $0x3  }
0x5c: {  	v3 =	vand.u32 $0x7, v3;
	v4 =	vand.u32 $0xFFFFFFC0, v51  }
0x5d: {  	v3 =	vor.u32 v3, v4  }
0x5e: {  	v4 =	vperm.xlane v3, v0;
	_ =	sdelay $0x1  }
0x5f: {  	v4 =	vadd.s32 v1, v4;
	_ =	sdelay $0x3  }
0x60: {  	s17 =	simm.s32 $0xC400  }
0x61: {  	[tilespmem:s17], [sflag:$0x2] =	stream.indirect_vreg.gather [hbm4b:s4+s2], $0x80, v4, vm0, $0xb8;
	[tilespmem:$0x10400] =	vst v63  }
0x62: {  	s22 =	simm.s32 $0xCC00;
	v3 =	vperm.xlane v3, v2  }
0x63: {  	[tilespmem:s22], [sflag:$0x2] =	stream.indirect_vreg.gather [hbm4b:s5+s2], $0x80, v4, vm0, $0xb8;
	[tilespmem:$0x10400] =	vst v63  }
0x64: {  	v3 =	vadd.s32 v1, v3;
	s22 =	simm.s32 $0xD400  }
0x65: {  	[tilespmem:s22], [sflag:$0x2] =	stream.indirect_vreg.gather [hbm4b:s6+s2], $0x80, v4, vm0, $0xb8;
	[tilespmem:$0x10400] =	vst v63  }
0x66: {  	s22 =	simm.s32 $0xDC00  }
0x67: {  	[tilespmem:s22], [sflag:$0x2] =	stream.indirect_vreg.gather [hbm4b:s7+s2], $0x80, v4, vm0, $0xb8;
	[tilespmem:$0x10400] =	vst v63  }
0x68: {  	s22 =	simm.s32 $0xE400  }
0x69: {  	[tilespmem:s22], [sflag:$0x2] =	stream.indirect_vreg.gather [hbm4b:s4+s2], $0x80, v3, vm0, $0xb8;
	[tilespmem:$0x10400] =	vst v63  }
0x6a: {  	s22 =	simm.s32 $0xEC00  }
0x6b: {  	[tilespmem:s22], [sflag:$0x2] =	stream.indirect_vreg.gather [hbm4b:s5+s2], $0x80, v3, vm0, $0xb8;
	[tilespmem:$0x10400] =	vst v63  }
0x6c: {  	s22 =	simm.s32 $0xF400  }
0x6d: {  	[tilespmem:s22], [sflag:$0x2] =	stream.indirect_vreg.gather [hbm4b:s6+s2], $0x80, v3, vm0, $0xb8;
	[tilespmem:$0x10400] =	vst v63  }
0x6e: {  	s22 =	simm.s32 $0xFC00  }
0x6f: {  	[tilespmem:s22], [sflag:$0x2] =	stream.indirect_vreg.gather [hbm4b:s7+s2], $0x80, v3, vm0, $0xb8;
	[tilespmem:$0x10400] =	vst v63  }
0x70: {  	_ =	swait.ge [sflag:s18], $0x8000  }
0x71: {  	[sflag:s18] =	ssyncset.done $0x0  }
0x72: {  	s22 =	rddreg [dreg:$0xb];
	[sflag:s18] =	ssyncadd.s32 $0xFFFF8000  }
0x73: {  	[hbm4b:s22+s2] =	stream.linear.scatter [tilespmem:s10], [sflag:$0x3], $0x8000, $0x38;
	[tilespmem:$0x10400] =	vst v63  }
0x74: {  	_ =	swait.ge [sflag:s19], $0x8000  }
0x75: {  	[sflag:s19] =	ssyncset.done $0x0  }
0x76: {  	[sflag:s19] =	ssyncadd.s32 $0xFFFF8000  }
0x77: {  	v3 =	vld [tilespmem:$0x100];
	_ =	sdelay $0x4  }
0x78: {  	v52 =	vshll.u32 v3, $0x3  }
0x79: {  	v3 =	vand.u32 $0x7, v3;
	v4 =	vand.u32 $0xFFFFFFC0, v52  }
0x7a: {  	v3 =	vor.u32 v3, v4  }
0x7b: {  	v4 =	vperm.xlane v3, v0;
	_ =	sdelay $0x1  }
0x7c: {  	v4 =	vadd.s32 v1, v4;
	_ =	sdelay $0x4  }
0x7d: {  	[tilespmem:s10], [sflag:$0x1] =	stream.indirect_vreg.gather [hbm4b:s4+s2], $0x80, v4, vm0, $0xb8;
	[tilespmem:$0x10400] =	vst v63  }
0x7e: {  	v3 =	vperm.xlane v3, v2  }
0x7f: {  	[tilespmem:s23], [sflag:$0x1] =	stream.indirect_vreg.gather [hbm4b:s5+s2], $0x80, v4, vm0, $0xb8;
	[tilespmem:$0x10400] =	vst v63  }
0x80: {  	v3 =	vadd.s32 v1, v3  }
0x81: {  	[tilespmem:s24], [sflag:$0x1] =	stream.indirect_vreg.gather [hbm4b:s6+s2], $0x80, v4, vm0, $0xb8;
	[tilespmem:$0x10400] =	vst v63  }
0x82: {  	_ = 	snop  }
0x83: {  	[tilespmem:s25], [sflag:$0x1] =	stream.indirect_vreg.gather [hbm4b:s7+s2], $0x80, v4, vm0, $0xb8;
	[tilespmem:$0x10400] =	vst v63  }
0x84: {  	_ = 	snop  }
0x85: {  	[tilespmem:s28], [sflag:$0x1] =	stream.indirect_vreg.gather [hbm4b:s4+s2], $0x80, v3, vm0, $0xb8;
	[tilespmem:$0x10400] =	vst v63  }
0x86: {  	_ = 	snop  }
0x87: {  	[tilespmem:s29], [sflag:$0x1] =	stream.indirect_vreg.gather [hbm4b:s5+s2], $0x80, v3, vm0, $0xb8;
	[tilespmem:$0x10400] =	vst v63  }
0x88: {  	_ = 	snop  }
0x89: {  	[tilespmem:s30], [sflag:$0x1] =	stream.indirect_vreg.gather [hbm4b:s6+s2], $0x80, v3, vm0, $0xb8;
	[tilespmem:$0x10400] =	vst v63  }
0x8a: {  	_ = 	snop  }
0x8b: {  	[tilespmem:s31], [sflag:$0x1] =	stream.indirect_vreg.gather [hbm4b:s7+s2], $0x80, v3, vm0, $0xb8;
	[tilespmem:$0x10400] =	vst v63  }
0x8c: {  	v3 =	vld [tilespmem:$0x110];
	_ =	sdelay $0x4  }
0x8d: {  	v53 =	vshll.u32 v3, $0x3  }
0x8e: {  	v3 =	vand.u32 $0x7, v3;
	v4 =	vand.u32 $0xFFFFFFC0, v53  }
0x8f: {  	v3 =	vor.u32 v3, v4  }
0x90: {  	v4 =	vperm.xlane v3, v0;
	_ =	sdelay $0x1  }
0x91: {  	v4 =	vadd.s32 v1, v4;
	_ =	sdelay $0x4  }
0x92: {  	[tilespmem:s1], [sflag:$0x1] =	stream.indirect_vreg.gather [hbm4b:s4+s2], $0x80, v4, vm0, $0xb8;
	[tilespmem:$0x10400] =	vst v63  }
0x93: {  	v3 =	vperm.xlane v3, v2  }
0x94: {  	[tilespmem:s16], [sflag:$0x1] =	stream.indirect_vreg.gather [hbm4b:s5+s2], $0x80, v4, vm0, $0xb8;
	[tilespmem:$0x10400] =	vst v63  }
0x95: {  	v3 =	vadd.s32 v1, v3  }
0x96: {  	[tilespmem:s3], [sflag:$0x1] =	stream.indirect_vreg.gather [hbm4b:s6+s2], $0x80, v4, vm0, $0xb8;
	[tilespmem:$0x10400] =	vst v63  }
0x97: {  	_ = 	snop  }
0x98: {  	[tilespmem:s9], [sflag:$0x1] =	stream.indirect_vreg.gather [hbm4b:s7+s2], $0x80, v4, vm0, $0xb8;
	[tilespmem:$0x10400] =	vst v63  }
0x99: {  	_ = 	snop  }
0x9a: {  	[tilespmem:s11], [sflag:$0x1] =	stream.indirect_vreg.gather [hbm4b:s4+s2], $0x80, v3, vm0, $0xb8;
	[tilespmem:$0x10400] =	vst v63  }
0x9b: {  	_ = 	snop  }
0x9c: {  	[tilespmem:s12], [sflag:$0x1] =	stream.indirect_vreg.gather [hbm4b:s5+s2], $0x80, v3, vm0, $0xb8;
	[tilespmem:$0x10400] =	vst v63  }
0x9d: {  	_ = 	snop  }
0x9e: {  	[tilespmem:s13], [sflag:$0x1] =	stream.indirect_vreg.gather [hbm4b:s6+s2], $0x80, v3, vm0, $0xb8;
	[tilespmem:$0x10400] =	vst v63  }
0x9f: {  	_ = 	snop  }
0xa0: {  	[tilespmem:s14], [sflag:$0x1] =	stream.indirect_vreg.gather [hbm4b:s7+s2], $0x80, v3, vm0, $0xb8;
	[tilespmem:$0x10400] =	vst v63  }
0xa1: {  	_ =	swait.ge [sflag:s20], $0x8000  }
0xa2: {  	[sflag:s20] =	ssyncset.done $0x0  }
0xa3: {  	s22 =	rddreg [dreg:$0x4];
	[sflag:s20] =	ssyncadd.s32 $0xFFFF8000  }
0xa4: {  	[hbm4b:s22+s2] =	stream.linear.scatter [tilespmem:s26], [sflag:$0x4], $0x8000, $0x38;
	[tilespmem:$0x10400] =	vst v63  }
0xa5: {  	_ =	swait.ge [sflag:s21], $0x8000  }
0xa6: {  	[sflag:s21] =	ssyncset.done $0x0  }
0xa7: {  	[sflag:s21] =	ssyncadd.s32 $0xFFFF8000  }
0xa8: {  	v3 =	vld [tilespmem:$0x180];
	_ =	sdelay $0x4  }
0xa9: {  	v54 =	vshll.u32 v3, $0x3  }
0xaa: {  	v3 =	vand.u32 $0x7, v3;
	v4 =	vand.u32 $0xFFFFFFC0, v54  }
0xab: {  	v3 =	vor.u32 v3, v4  }
0xac: {  	v4 =	vperm.xlane v3, v0;
	_ =	sdelay $0x1  }
0xad: {  	v4 =	vadd.s32 v1, v4;
	_ =	sdelay $0x4  }
0xae: {  	[tilespmem:s26], [sflag:$0x2] =	stream.indirect_vreg.gather [hbm4b:s4+s2], $0x80, v4, vm0, $0xb8;
	[tilespmem:$0x10400] =	vst v63  }
0xaf: {  	s0 =	simm.s32 $0x8C00;
	v3 =	vperm.xlane v3, v2  }
0xb0: {  	[tilespmem:s0], [sflag:$0x2] =	stream.indirect_vreg.gather [hbm4b:s5+s2], $0x80, v4, vm0, $0xb8;
	[tilespmem:$0x10400] =	vst v63  }
0xb1: {  	v3 =	vadd.s32 v1, v3;
	s0 =	simm.s32 $0x9400  }
0xb2: {  	[tilespmem:s0], [sflag:$0x2] =	stream.indirect_vreg.gather [hbm4b:s6+s2], $0x80, v4, vm0, $0xb8;
	[tilespmem:$0x10400] =	vst v63  }
0xb3: {  	s22 =	simm.s32 $0x9C00  }
0xb4: {  	[tilespmem:s22], [sflag:$0x2] =	stream.indirect_vreg.gather [hbm4b:s7+s2], $0x80, v4, vm0, $0xb8;
	[tilespmem:$0x10400] =	vst v63  }
0xb5: {  	s22 =	simm.s32 $0xA400  }
0xb6: {  	[tilespmem:s22], [sflag:$0x2] =	stream.indirect_vreg.gather [hbm4b:s4+s2], $0x80, v3, vm0, $0xb8;
	[tilespmem:$0x10400] =	vst v63  }
0xb7: {  	s22 =	simm.s32 $0xAC00  }
0xb8: {  	[tilespmem:s22], [sflag:$0x2] =	stream.indirect_vreg.gather [hbm4b:s5+s2], $0x80, v3, vm0, $0xb8;
	[tilespmem:$0x10400] =	vst v63  }
0xb9: {  	s22 =	simm.s32 $0xB400  }
0xba: {  	[tilespmem:s22], [sflag:$0x2] =	stream.indirect_vreg.gather [hbm4b:s6+s2], $0x80, v3, vm0, $0xb8;
	[tilespmem:$0x10400] =	vst v63  }
0xbb: {  	s15 =	simm.s32 $0xBC00  }
0xbc: {  	[tilespmem:s15], [sflag:$0x2] =	stream.indirect_vreg.gather [hbm4b:s7+s2], $0x80, v3, vm0, $0xb8;
	[tilespmem:$0x10400] =	vst v63  }
0xbd: {  	v3 =	vld [tilespmem:$0x190];
	_ =	sdelay $0x4  }
0xbe: {  	v55 =	vshll.u32 v3, $0x3  }
0xbf: {  	v3 =	vand.u32 $0x7, v3;
	v4 =	vand.u32 $0xFFFFFFC0, v55  }
0xc0: {  	v3 =	vor.u32 v3, v4  }
0xc1: {  	v4 =	vperm.xlane v3, v0;
	_ =	sdelay $0x1  }
0xc2: {  	v4 =	vadd.s32 v1, v4;
	_ =	sdelay $0x3  }
0xc3: {  	s17 =	simm.s32 $0xC400  }
0xc4: {  	[tilespmem:s17], [sflag:$0x2] =	stream.indirect_vreg.gather [hbm4b:s4+s2], $0x80, v4, vm0, $0xb8;
	[tilespmem:$0x10400] =	vst v63  }
0xc5: {  	s22 =	simm.s32 $0xCC00;
	v3 =	vperm.xlane v3, v2  }
0xc6: {  	[tilespmem:s22], [sflag:$0x2] =	stream.indirect_vreg.gather [hbm4b:s5+s2], $0x80, v4, vm0, $0xb8;
	[tilespmem:$0x10400] =	vst v63  }
0xc7: {  	v3 =	vadd.s32 v1, v3;
	s17 =	simm.s32 $0xD400  }
0xc8: {  	[tilespmem:s17], [sflag:$0x2] =	stream.indirect_vreg.gather [hbm4b:s6+s2], $0x80, v4, vm0, $0xb8;
	[tilespmem:$0x10400] =	vst v63  }
0xc9: {  	s22 =	simm.s32 $0xDC00  }
0xca: {  	[tilespmem:s22], [sflag:$0x2] =	stream.indirect_vreg.gather [hbm4b:s7+s2], $0x80, v4, vm0, $0xb8;
	[tilespmem:$0x10400] =	vst v63  }
0xcb: {  	s17 =	simm.s32 $0xE400  }
0xcc: {  	[tilespmem:s17], [sflag:$0x2] =	stream.indirect_vreg.gather [hbm4b:s4+s2], $0x80, v3, vm0, $0xb8;
	[tilespmem:$0x10400] =	vst v63  }
0xcd: {  	s22 =	simm.s32 $0xEC00  }
0xce: {  	[tilespmem:s22], [sflag:$0x2] =	stream.indirect_vreg.gather [hbm4b:s5+s2], $0x80, v3, vm0, $0xb8;
	[tilespmem:$0x10400] =	vst v63  }
0xcf: {  	s17 =	simm.s32 $0xF400  }
0xd0: {  	[tilespmem:s17], [sflag:$0x2] =	stream.indirect_vreg.gather [hbm4b:s6+s2], $0x80, v3, vm0, $0xb8;
	[tilespmem:$0x10400] =	vst v63  }
0xd1: {  	s22 =	simm.s32 $0xFC00  }
0xd2: {  	[tilespmem:s22], [sflag:$0x2] =	stream.indirect_vreg.gather [hbm4b:s7+s2], $0x80, v3, vm0, $0xb8;
	[tilespmem:$0x10400] =	vst v63  }
0xd3: {  	_ =	swait.ge [sflag:s18], $0x8000  }
0xd4: {  	[sflag:s18] =	ssyncset.done $0x0  }
0xd5: {  	s17 =	rddreg [dreg:$0x5];
	[sflag:s18] =	ssyncadd.s32 $0xFFFF8000  }
0xd6: {  	[hbm4b:s17+s2] =	stream.linear.scatter [tilespmem:s10], [sflag:$0x3], $0x8000, $0x38;
	[tilespmem:$0x10400] =	vst v63  }
0xd7: {  	_ =	swait.ge [sflag:s19], $0x8000  }
0xd8: {  	[sflag:s19] =	ssyncset.done $0x0  }
0xd9: {  	[sflag:s19] =	ssyncadd.s32 $0xFFFF8000  }
0xda: {  	v3 =	vld [tilespmem:$0x200];
	_ =	sdelay $0x4  }
0xdb: {  	v56 =	vshll.u32 v3, $0x3  }
0xdc: {  	v3 =	vand.u32 $0x7, v3;
	v4 =	vand.u32 $0xFFFFFFC0, v56  }
0xdd: {  	v3 =	vor.u32 v3, v4  }
0xde: {  	v4 =	vperm.xlane v3, v0;
	_ =	sdelay $0x1  }
0xdf: {  	v4 =	vadd.s32 v1, v4;
	_ =	sdelay $0x4  }
0xe0: {  	[tilespmem:s10], [sflag:$0x1] =	stream.indirect_vreg.gather [hbm4b:s4+s2], $0x80, v4, vm0, $0xb8;
	[tilespmem:$0x10400] =	vst v63  }
0xe1: {  	v3 =	vperm.xlane v3, v2  }
0xe2: {  	[tilespmem:s23], [sflag:$0x1] =	stream.indirect_vreg.gather [hbm4b:s5+s2], $0x80, v4, vm0, $0xb8;
	[tilespmem:$0x10400] =	vst v63  }
0xe3: {  	v3 =	vadd.s32 v1, v3  }
0xe4: {  	[tilespmem:s24], [sflag:$0x1] =	stream.indirect_vreg.gather [hbm4b:s6+s2], $0x80, v4, vm0, $0xb8;
	[tilespmem:$0x10400] =	vst v63  }
0xe5: {  	_ = 	snop  }
0xe6: {  	[tilespmem:s25], [sflag:$0x1] =	stream.indirect_vreg.gather [hbm4b:s7+s2], $0x80, v4, vm0, $0xb8;
	[tilespmem:$0x10400] =	vst v63  }
0xe7: {  	_ = 	snop  }
0xe8: {  	[tilespmem:s28], [sflag:$0x1] =	stream.indirect_vreg.gather [hbm4b:s4+s2], $0x80, v3, vm0, $0xb8;
	[tilespmem:$0x10400] =	vst v63  }
0xe9: {  	_ = 	snop  }
0xea: {  	[tilespmem:s29], [sflag:$0x1] =	stream.indirect_vreg.gather [hbm4b:s5+s2], $0x80, v3, vm0, $0xb8;
	[tilespmem:$0x10400] =	vst v63  }
0xeb: {  	_ = 	snop  }
0xec: {  	[tilespmem:s30], [sflag:$0x1] =	stream.indirect_vreg.gather [hbm4b:s6+s2], $0x80, v3, vm0, $0xb8;
	[tilespmem:$0x10400] =	vst v63  }
0xed: {  	_ = 	snop  }
0xee: {  	[tilespmem:s31], [sflag:$0x1] =	stream.indirect_vreg.gather [hbm4b:s7+s2], $0x80, v3, vm0, $0xb8;
	[tilespmem:$0x10400] =	vst v63  }
0xef: {  	v3 =	vld [tilespmem:$0x210];
	_ =	sdelay $0x4  }
0xf0: {  	v57 =	vshll.u32 v3, $0x3  }
0xf1: {  	v3 =	vand.u32 $0x7, v3;
	v4 =	vand.u32 $0xFFFFFFC0, v57  }
0xf2: {  	v3 =	vor.u32 v3, v4  }
0xf3: {  	v4 =	vperm.xlane v3, v0;
	_ =	sdelay $0x1  }
0xf4: {  	v4 =	vadd.s32 v1, v4;
	_ =	sdelay $0x4  }
0xf5: {  	[tilespmem:s1], [sflag:$0x1] =	stream.indirect_vreg.gather [hbm4b:s4+s2], $0x80, v4, vm0, $0xb8;
	[tilespmem:$0x10400] =	vst v63  }
0xf6: {  	v3 =	vperm.xlane v3, v2  }
0xf7: {  	[tilespmem:s16], [sflag:$0x1] =	stream.indirect_vreg.gather [hbm4b:s5+s2], $0x80, v4, vm0, $0xb8;
	[tilespmem:$0x10400] =	vst v63  }
0xf8: {  	v3 =	vadd.s32 v1, v3  }
0xf9: {  	[tilespmem:s3], [sflag:$0x1] =	stream.indirect_vreg.gather [hbm4b:s6+s2], $0x80, v4, vm0, $0xb8;
	[tilespmem:$0x10400] =	vst v63  }
0xfa: {  	_ = 	snop  }
0xfb: {  	[tilespmem:s9], [sflag:$0x1] =	stream.indirect_vreg.gather [hbm4b:s7+s2], $0x80, v4, vm0, $0xb8;
	[tilespmem:$0x10400] =	vst v63  }
0xfc: {  	_ = 	snop  }
0xfd: {  	[tilespmem:s11], [sflag:$0x1] =	stream.indirect_vreg.gather [hbm4b:s4+s2], $0x80, v3, vm0, $0xb8;
	[tilespmem:$0x10400] =	vst v63  }
0xfe: {  	_ = 	snop  }
0xff: {  	[tilespmem:s12], [sflag:$0x1] =	stream.indirect_vreg.gather [hbm4b:s5+s2], $0x80, v3, vm0, $0xb8;
	[tilespmem:$0x10400] =	vst v63  }
0x100: {  	_ = 	snop  }
0x101: {  	[tilespmem:s13], [sflag:$0x1] =	stream.indirect_vreg.gather [hbm4b:s6+s2], $0x80, v3, vm0, $0xb8;
	[tilespmem:$0x10400] =	vst v63  }
0x102: {  	_ = 	snop  }
0x103: {  	[tilespmem:s14], [sflag:$0x1] =	stream.indirect_vreg.gather [hbm4b:s7+s2], $0x80, v3, vm0, $0xb8;
	[tilespmem:$0x10400] =	vst v63  }
0x104: {  	_ =	swait.ge [sflag:s20], $0x8000  }
0x105: {  	[sflag:s20] =	ssyncset.done $0x0  }
0x106: {  	s15 =	rddreg [dreg:$0x6];
	[sflag:s20] =	ssyncadd.s32 $0xFFFF8000  }
0x107: {  	[hbm4b:s15+s2] =	stream.linear.scatter [tilespmem:s26], [sflag:$0x4], $0x8000, $0x38;
	[tilespmem:$0x10400] =	vst v63  }
0x108: {  	_ =	swait.ge [sflag:s21], $0x8000  }
0x109: {  	[sflag:s21] =	ssyncset.done $0x0  }
0x10a: {  	[sflag:s21] =	ssyncadd.s32 $0xFFFF8000  }
0x10b: {  	v3 =	vld [tilespmem:$0x280];
	_ =	sdelay $0x4  }
0x10c: {  	v58 =	vshll.u32 v3, $0x3  }
0x10d: {  	v3 =	vand.u32 $0x7, v3;
	v4 =	vand.u32 $0xFFFFFFC0, v58  }
0x10e: {  	v3 =	vor.u32 v3, v4  }
0x10f: {  	v4 =	vperm.xlane v3, v0;
	_ =	sdelay $0x1  }
0x110: {  	v4 =	vadd.s32 v1, v4;
	_ =	sdelay $0x4  }
0x111: {  	[tilespmem:s26], [sflag:$0x2] =	stream.indirect_vreg.gather [hbm4b:s4+s2], $0x80, v4, vm0, $0xb8;
	[tilespmem:$0x10400] =	vst v63  }
0x112: {  	s17 =	simm.s32 $0x8C00;
	v3 =	vperm.xlane v3, v2  }
0x113: {  	[tilespmem:s17], [sflag:$0x2] =	stream.indirect_vreg.gather [hbm4b:s5+s2], $0x80, v4, vm0, $0xb8;
	[tilespmem:$0x10400] =	vst v63  }
0x114: {  	v3 =	vadd.s32 v1, v3  }
0x115: {  	[tilespmem:s0], [sflag:$0x2] =	stream.indirect_vreg.gather [hbm4b:s6+s2], $0x80, v4, vm0, $0xb8;
	[tilespmem:$0x10400] =	vst v63  }
0x116: {  	s22 =	simm.s32 $0x9C00  }
0x117: {  	[tilespmem:s22], [sflag:$0x2] =	stream.indirect_vreg.gather [hbm4b:s7+s2], $0x80, v4, vm0, $0xb8;
	[tilespmem:$0x10400] =	vst v63  }
0x118: {  	s17 =	simm.s32 $0xA400  }
0x119: {  	[tilespmem:s17], [sflag:$0x2] =	stream.indirect_vreg.gather [hbm4b:s4+s2], $0x80, v3, vm0, $0xb8;
	[tilespmem:$0x10400] =	vst v63  }
0x11a: {  	s22 =	simm.s32 $0xAC00  }
0x11b: {  	[tilespmem:s22], [sflag:$0x2] =	stream.indirect_vreg.gather [hbm4b:s5+s2], $0x80, v3, vm0, $0xb8;
	[tilespmem:$0x10400] =	vst v63  }
0x11c: {  	s22 =	simm.s32 $0xB400  }
0x11d: {  	[tilespmem:s22], [sflag:$0x2] =	stream.indirect_vreg.gather [hbm4b:s6+s2], $0x80, v3, vm0, $0xb8;
	[tilespmem:$0x10400] =	vst v63  }
0x11e: {  	s22 =	simm.s32 $0xBC00  }
0x11f: {  	[tilespmem:s22], [sflag:$0x2] =	stream.indirect_vreg.gather [hbm4b:s7+s2], $0x80, v3, vm0, $0xb8;
	[tilespmem:$0x10400] =	vst v63  }
0x120: {  	v3 =	vld [tilespmem:$0x290];
	_ =	sdelay $0x4  }
0x121: {  	v59 =	vshll.u32 v3, $0x3  }
0x122: {  	v3 =	vand.u32 $0x7, v3;
	v4 =	vand.u32 $0xFFFFFFC0, v59  }
0x123: {  	v3 =	vor.u32 v3, v4  }
0x124: {  	v4 =	vperm.xlane v3, v0;
	_ =	sdelay $0x1  }
0x125: {  	v4 =	vadd.s32 v1, v4;
	_ =	sdelay $0x3  }
0x126: {  	s22 =	simm.s32 $0xC400  }
0x127: {  	[tilespmem:s22], [sflag:$0x2] =	stream.indirect_vreg.gather [hbm4b:s4+s2], $0x80, v4, vm0, $0xb8;
	[tilespmem:$0x10400] =	vst v63  }
0x128: {  	v3 =	vperm.xlane v3, v2;
	s22 =	simm.s32 $0xCC00  }
0x129: {  	[tilespmem:s22], [sflag:$0x2] =	stream.indirect_vreg.gather [hbm4b:s5+s2], $0x80, v4, vm0, $0xb8;
	[tilespmem:$0x10400] =	vst v63  }
0x12a: {  	v3 =	vadd.s32 v1, v3;
	s22 =	simm.s32 $0xD400  }
0x12b: {  	[tilespmem:s22], [sflag:$0x2] =	stream.indirect_vreg.gather [hbm4b:s6+s2], $0x80, v4, vm0, $0xb8;
	[tilespmem:$0x10400] =	vst v63  }
0x12c: {  	s22 =	simm.s32 $0xDC00  }
0x12d: {  	[tilespmem:s22], [sflag:$0x2] =	stream.indirect_vreg.gather [hbm4b:s7+s2], $0x80, v4, vm0, $0xb8;
	[tilespmem:$0x10400] =	vst v63  }
0x12e: {  	s22 =	simm.s32 $0xE400  }
0x12f: {  	[tilespmem:s22], [sflag:$0x2] =	stream.indirect_vreg.gather [hbm4b:s4+s2], $0x80, v3, vm0, $0xb8;
	[tilespmem:$0x10400] =	vst v63  }
0x130: {  	s22 =	simm.s32 $0xEC00  }
0x131: {  	[tilespmem:s22], [sflag:$0x2] =	stream.indirect_vreg.gather [hbm4b:s5+s2], $0x80, v3, vm0, $0xb8;
	[tilespmem:$0x10400] =	vst v63  }
0x132: {  	s22 =	simm.s32 $0xF400  }
0x133: {  	[tilespmem:s22], [sflag:$0x2] =	stream.indirect_vreg.gather [hbm4b:s6+s2], $0x80, v3, vm0, $0xb8;
	[tilespmem:$0x10400] =	vst v63  }
0x134: {  	s22 =	simm.s32 $0xFC00  }
0x135: {  	[tilespmem:s22], [sflag:$0x2] =	stream.indirect_vreg.gather [hbm4b:s7+s2], $0x80, v3, vm0, $0xb8;
	[tilespmem:$0x10400] =	vst v63  }
0x136: {  	_ =	swait.ge [sflag:s18], $0x8000  }
0x137: {  	[sflag:s18] =	ssyncset.done $0x0  }
0x138: {  	s22 =	rddreg [dreg:$0x7];
	[sflag:s18] =	ssyncadd.s32 $0xFFFF8000  }
0x139: {  	[hbm4b:s22+s2] =	stream.linear.scatter [tilespmem:s10], [sflag:$0x3], $0x8000, $0x38;
	[tilespmem:$0x10400] =	vst v63  }
0x13a: {  	_ =	swait.ge [sflag:s19], $0x8000  }
0x13b: {  	[sflag:s19] =	ssyncset.done $0x0  }
0x13c: {  	[sflag:s19] =	ssyncadd.s32 $0xFFFF8000  }
0x13d: {  	v3 =	vld [tilespmem:$0x300];
	_ =	sdelay $0x4  }
0x13e: {  	v60 =	vshll.u32 v3, $0x3  }
0x13f: {  	v3 =	vand.u32 $0x7, v3;
	v4 =	vand.u32 $0xFFFFFFC0, v60  }
0x140: {  	v3 =	vor.u32 v3, v4  }
0x141: {  	v4 =	vperm.xlane v3, v0;
	_ =	sdelay $0x1  }
0x142: {  	v4 =	vadd.s32 v1, v4;
	_ =	sdelay $0x4  }
0x143: {  	[tilespmem:s10], [sflag:$0x1] =	stream.indirect_vreg.gather [hbm4b:s4+s2], $0x80, v4, vm0, $0xb8;
	[tilespmem:$0x10400] =	vst v63  }
0x144: {  	v3 =	vperm.xlane v3, v2  }
0x145: {  	[tilespmem:s23], [sflag:$0x1] =	stream.indirect_vreg.gather [hbm4b:s5+s2], $0x80, v4, vm0, $0xb8;
	[tilespmem:$0x10400] =	vst v63  }
0x146: {  	v3 =	vadd.s32 v1, v3  }
0x147: {  	[tilespmem:s24], [sflag:$0x1] =	stream.indirect_vreg.gather [hbm4b:s6+s2], $0x80, v4, vm0, $0xb8;
	[tilespmem:$0x10400] =	vst v63  }
0x148: {  	_ = 	snop  }
0x149: {  	[tilespmem:s25], [sflag:$0x1] =	stream.indirect_vreg.gather [hbm4b:s7+s2], $0x80, v4, vm0, $0xb8;
	[tilespmem:$0x10400] =	vst v63  }
0x14a: {  	_ = 	snop  }
0x14b: {  	[tilespmem:s28], [sflag:$0x1] =	stream.indirect_vreg.gather [hbm4b:s4+s2], $0x80, v3, vm0, $0xb8;
	[tilespmem:$0x10400] =	vst v63  }
0x14c: {  	_ = 	snop  }
0x14d: {  	[tilespmem:s29], [sflag:$0x1] =	stream.indirect_vreg.gather [hbm4b:s5+s2], $0x80, v3, vm0, $0xb8;
	[tilespmem:$0x10400] =	vst v63  }
0x14e: {  	_ = 	snop  }
0x14f: {  	[tilespmem:s30], [sflag:$0x1] =	stream.indirect_vreg.gather [hbm4b:s6+s2], $0x80, v3, vm0, $0xb8;
	[tilespmem:$0x10400] =	vst v63  }
0x150: {  	_ = 	snop  }
0x151: {  	[tilespmem:s31], [sflag:$0x1] =	stream.indirect_vreg.gather [hbm4b:s7+s2], $0x80, v3, vm0, $0xb8;
	[tilespmem:$0x10400] =	vst v63  }
0x152: {  	v3 =	vld [tilespmem:$0x310];
	_ =	sdelay $0x4  }
0x153: {  	v61 =	vshll.u32 v3, $0x3  }
0x154: {  	v3 =	vand.u32 $0x7, v3;
	v4 =	vand.u32 $0xFFFFFFC0, v61  }
0x155: {  	v3 =	vor.u32 v3, v4  }
0x156: {  	v4 =	vperm.xlane v3, v0;
	_ =	sdelay $0x1  }
0x157: {  	v4 =	vadd.s32 v1, v4;
	_ =	sdelay $0x4  }
0x158: {  	[tilespmem:s1], [sflag:$0x1] =	stream.indirect_vreg.gather [hbm4b:s4+s2], $0x80, v4, vm0, $0xb8;
	[tilespmem:$0x10400] =	vst v63  }
0x159: {  	v3 =	vperm.xlane v3, v2  }
0x15a: {  	[tilespmem:s16], [sflag:$0x1] =	stream.indirect_vreg.gather [hbm4b:s5+s2], $0x80, v4, vm0, $0xb8;
	[tilespmem:$0x10400] =	vst v63  }
0x15b: {  	v3 =	vadd.s32 v1, v3  }
0x15c: {  	[tilespmem:s3], [sflag:$0x1] =	stream.indirect_vreg.gather [hbm4b:s6+s2], $0x80, v4, vm0, $0xb8;
	[tilespmem:$0x10400] =	vst v63  }
0x15d: {  	_ = 	snop  }
0x15e: {  	[tilespmem:s9], [sflag:$0x1] =	stream.indirect_vreg.gather [hbm4b:s7+s2], $0x80, v4, vm0, $0xb8;
	[tilespmem:$0x10400] =	vst v63  }
0x15f: {  	_ = 	snop  }
0x160: {  	[tilespmem:s11], [sflag:$0x1] =	stream.indirect_vreg.gather [hbm4b:s4+s2], $0x80, v3, vm0, $0xb8;
	[tilespmem:$0x10400] =	vst v63  }
0x161: {  	_ = 	snop  }
0x162: {  	[tilespmem:s12], [sflag:$0x1] =	stream.indirect_vreg.gather [hbm4b:s5+s2], $0x80, v3, vm0, $0xb8;
	[tilespmem:$0x10400] =	vst v63  }
0x163: {  	_ = 	snop  }
0x164: {  	[tilespmem:s13], [sflag:$0x1] =	stream.indirect_vreg.gather [hbm4b:s6+s2], $0x80, v3, vm0, $0xb8;
	[tilespmem:$0x10400] =	vst v63  }
0x165: {  	_ = 	snop  }
0x166: {  	[tilespmem:s14], [sflag:$0x1] =	stream.indirect_vreg.gather [hbm4b:s7+s2], $0x80, v3, vm0, $0xb8;
	[tilespmem:$0x10400] =	vst v63  }
0x167: {  	_ =	swait.ge [sflag:s20], $0x8000  }
0x168: {  	[sflag:s20] =	ssyncset.done $0x0  }
0x169: {  	s1 =	rddreg [dreg:$0x8];
	[sflag:s20] =	ssyncadd.s32 $0xFFFF8000  }
0x16a: {  	[hbm4b:s1+s2] =	stream.linear.scatter [tilespmem:s26], [sflag:$0x4], $0x8000, $0x38;
	[tilespmem:$0x10400] =	vst v63  }
0x16b: {  	_ =	swait.ge [sflag:s21], $0x8000  }
0x16c: {  	[sflag:s21] =	ssyncset.done $0x0  }
0x16d: {  	[sflag:s21] =	ssyncadd.s32 $0xFFFF8000  }
0x16e: {  	v3 =	vld [tilespmem:$0x380];
	_ =	sdelay $0x4  }
0x16f: {  	v62 =	vshll.u32 v3, $0x3  }
0x170: {  	v3 =	vand.u32 $0x7, v3;
	v4 =	vand.u32 $0xFFFFFFC0, v62  }
0x171: {  	v3 =	vor.u32 v3, v4  }
0x172: {  	v4 =	vperm.xlane v3, v0;
	_ =	sdelay $0x1  }
0x173: {  	v4 =	vadd.s32 v1, v4;
	_ =	sdelay $0x4  }
0x174: {  	[tilespmem:s26], [sflag:$0x2] =	stream.indirect_vreg.gather [hbm4b:s4+s2], $0x80, v4, vm0, $0xb8;
	[tilespmem:$0x10400] =	vst v63  }
0x175: {  	s22 =	simm.s32 $0x8C00;
	v3 =	vperm.xlane v3, v2  }
0x176: {  	[tilespmem:s22], [sflag:$0x2] =	stream.indirect_vreg.gather [hbm4b:s5+s2], $0x80, v4, vm0, $0xb8;
	[tilespmem:$0x10400] =	vst v63  }
0x177: {  	s0 =	simm.s32 $0x9400;
	v3 =	vadd.s32 v1, v3  }
0x178: {  	[tilespmem:s0], [sflag:$0x2] =	stream.indirect_vreg.gather [hbm4b:s6+s2], $0x80, v4, vm0, $0xb8;
	[tilespmem:$0x10400] =	vst v63  }
0x179: {  	s1 =	simm.s32 $0x9C00  }
0x17a: {  	[tilespmem:s1], [sflag:$0x2] =	stream.indirect_vreg.gather [hbm4b:s7+s2], $0x80, v4, vm0, $0xb8;
	[tilespmem:$0x10400] =	vst v63  }
0x17b: {  	s15 =	simm.s32 $0xA400  }
0x17c: {  	[tilespmem:s15], [sflag:$0x2] =	stream.indirect_vreg.gather [hbm4b:s4+s2], $0x80, v3, vm0, $0xb8;
	[tilespmem:$0x10400] =	vst v63  }
0x17d: {  	s17 =	simm.s32 $0xAC00  }
0x17e: {  	[tilespmem:s17], [sflag:$0x2] =	stream.indirect_vreg.gather [hbm4b:s5+s2], $0x80, v3, vm0, $0xb8;
	[tilespmem:$0x10400] =	vst v63  }
0x17f: {  	s22 =	simm.s32 $0xB400  }
0x180: {  	[tilespmem:s22], [sflag:$0x2] =	stream.indirect_vreg.gather [hbm4b:s6+s2], $0x80, v3, vm0, $0xb8;
	[tilespmem:$0x10400] =	vst v63  }
0x181: {  	s1 =	simm.s32 $0xBC00  }
0x182: {  	[tilespmem:s1], [sflag:$0x2] =	stream.indirect_vreg.gather [hbm4b:s7+s2], $0x80, v3, vm0, $0xb8;
	[tilespmem:$0x10400] =	vst v63  }
0x183: {  	v3 =	vld [tilespmem:$0x390];
	_ =	sdelay $0x4  }
0x184: {  	v63 =	vshll.u32 v3, $0x3  }
0x185: {  	v3 =	vand.u32 $0x7, v3;
	v4 =	vand.u32 $0xFFFFFFC0, v63  }
0x186: {  	v3 =	vor.u32 v3, v4  }
0x187: {  	v4 =	vperm.xlane v3, v0;
	_ =	sdelay $0x1  }
0x188: {  	v4 =	vadd.s32 v1, v4;
	_ =	sdelay $0x3  }
0x189: {  	s15 =	simm.s32 $0xC400  }
0x18a: {  	[tilespmem:s15], [sflag:$0x2] =	stream.indirect_vreg.gather [hbm4b:s4+s2], $0x80, v4, vm0, $0xb8;
	[tilespmem:$0x10400] =	vst v63  }
0x18b: {  	s17 =	simm.s32 $0xCC00;
	v3 =	vperm.xlane v3, v2  }
0x18c: {  	[tilespmem:s17], [sflag:$0x2] =	stream.indirect_vreg.gather [hbm4b:s5+s2], $0x80, v4, vm0, $0xb8;
	[tilespmem:$0x10400] =	vst v63  }
0x18d: {  	s22 =	simm.s32 $0xD400;
	v3 =	vadd.s32 v1, v3  }
0x18e: {  	[tilespmem:s22], [sflag:$0x2] =	stream.indirect_vreg.gather [hbm4b:s6+s2], $0x80, v4, vm0, $0xb8;
	[tilespmem:$0x10400] =	vst v63  }
0x18f: {  	s1 =	simm.s32 $0xDC00  }
0x190: {  	[tilespmem:s1], [sflag:$0x2] =	stream.indirect_vreg.gather [hbm4b:s7+s2], $0x80, v4, vm0, $0xb8;
	[tilespmem:$0x10400] =	vst v63  }
0x191: {  	s15 =	simm.s32 $0xE400  }
0x192: {  	[tilespmem:s15], [sflag:$0x2] =	stream.indirect_vreg.gather [hbm4b:s4+s2], $0x80, v3, vm0, $0xb8;
	[tilespmem:$0x10400] =	vst v63  }
0x193: {  	s17 =	simm.s32 $0xEC00  }
0x194: {  	[tilespmem:s17], [sflag:$0x2] =	stream.indirect_vreg.gather [hbm4b:s5+s2], $0x80, v3, vm0, $0xb8;
	[tilespmem:$0x10400] =	vst v63  }
0x195: {  	s22 =	simm.s32 $0xF400  }
0x196: {  	[tilespmem:s22], [sflag:$0x2] =	stream.indirect_vreg.gather [hbm4b:s6+s2], $0x80, v3, vm0, $0xb8;
	[tilespmem:$0x10400] =	vst v63  }
0x197: {  	s1 =	simm.s32 $0xFC00  }
0x198: {  	[tilespmem:s1], [sflag:$0x2] =	stream.indirect_vreg.gather [hbm4b:s7+s2], $0x80, v3, vm0, $0xb8;
	[tilespmem:$0x10400] =	vst v63  }
0x199: {  	_ =	swait.ge [sflag:s18], $0x8000  }
0x19a: {  	[sflag:s18] =	ssyncset.done $0x0  }
0x19b: {  	s15 =	rddreg [dreg:$0x9];
	[sflag:s18] =	ssyncadd.s32 $0xFFFF8000  }
0x19c: {  	[hbm4b:s15+s2] =	stream.linear.scatter [tilespmem:s10], [sflag:$0x3], $0x8000, $0x38;
	[tilespmem:$0x10400] =	vst v63  }
0x19d: {  	_ =	swait.ge [sflag:s20], $0x8000  }
0x19e: {  	[sflag:s20] =	ssyncset.done $0x0  }
0x19f: {  	s17 =	rddreg [dreg:$0xa];
	[sflag:s20] =	ssyncadd.s32 $0xFFFF8000  }
0x1a0: {  	[hbm4b:s17+s2] =	stream.linear.scatter [tilespmem:s26], [sflag:$0x4], $0x8000, $0x38;
	[tilespmem:$0x10400] =	vst v63  }
0x1a1: {  	p0 =	sne.s32 s8, $0x1;
	_ =	swait.ge [sflag:s19], $0x8000  }
.Ltmp0:
0x1a2: {  	[sflag:s19] =	ssyncset.done $0x0;
	(pc) =	sbr.rel @p0 .LBB2_1-.Ltmp0, $4  }
0x1a3: {  	[sflag:s19] =	ssyncadd.s32 $0xFFFF8000  }
0x1a4: {  	_ =	swait.ge [sflag:s21], $0x8000  }
0x1a5: {  	[sflag:s21] =	ssyncset.done $0x0  }
0x1a6: {  	s8 =	sadd.s32 $0xFFFFFFFF, s8;
	[sflag:s21] =	ssyncadd.s32 $0xFFFF8000  }
0x1a7: {  	_ =	sfence.sel $0x180000  }
0x1a8: {  	[bflag:$0x0] =	sbarrier.arrive $0xFFFF  }
0x1a9: {  	_ =	strace $0x9000004A  }
0x1aa: {  	s0 =	stileid.u32;
	[bflag:$0x2] =	sbarrier.arrive $0xFFFF  }
0x1ab: {  	p0 =	sne.s32 s0, $0x0;
	s0 =	rddreg [dreg:$0x2]  }
0x1ac: {  	s0 =	sadd.s32 @!p0 $0x100000, s0  }
0x1ad: {  	[sflag:s0] =	ssyncadd.tile.s32 @!p0 $0x1;
	_ =	shalt  }
.Lfunc_end2:
_tile_overlayer_lowered:
.L_overlay_start_2:
0x1ae: {  	(tag) =	ssettag $0x2  }
0x1af: {  	s0 =	rddreg [dreg:$0x0];
	s2 =	stileid.u32  }
0x1b0: {  	s1 =	rddreg [dreg:$0x1];
	p0 =	sne.s32 s2, $0x0  }
0x1b1: {  	s3 =	rddreg [dreg:$0x2];
	[bflag:$0x3] =	sbarrier.arrive $0xFFFF;
	s2 =	simm.s32 @!p0 $0x1C05  }
0x1b2: {  	[timem:s3], [sflag:s2] =	dma.local @!p0 [hbm:s0], s1  }
0x1b3: {  	s0 =	simm.s32 @!p0 $0x5  }
0x1b4: {  	_ =	swait.ge @!p0 [sflag:s0], s1  }
0x1b5: {  	s1 =	ssub.s32 @!p0 $0x0, s1;
	[sflag:s0] =	ssyncset.done @!p0 $0x0  }
0x1b6: {  	[sflag:s0] =	ssyncadd.s32 @!p0 s1  }
0x1b7: {  	[bflag:$0x3] =	sbarrier.arrive $0xFFFF  }
0x1b8: {  	_ =	shalt  }

</sc_bundles>
